<compile_context>
chip_gen: v7x
topology: tpu7x:2x2x1
jax: 0.10.2.dev20260603
libtpu: 0.0.44.dev20260713+nightly
codegen_flags: <defaults>
</compile_context>

<pallas_src>
import functools

import jax
import jax.numpy as jnp
from jax import lax
from jax.experimental import pallas as pl
from jax.experimental.pallas import tpu as pltpu
from jax.experimental.pallas import tpu_sc as plsc

DIM = 768
L = 256
B = 8
N_ENT = 32
K = 8
RPM = 64
M = B * N_ENT
N_E = 100000
NEG = -1e30
QLEN = 25088
QZ = QLEN // 16



def _dense_body(q_ref, ws_ref, ii_ref, jj_ref, tri_ref, pm_ref, bias_ref,
                s_ref, qij_ref):
    ws = ws_ref[:]
    ent_iota = lax.broadcasted_iota(jnp.int32, (N_ENT, L), 1)

    def mm(a, b):
        return jnp.dot(a, b, preferred_element_type=jnp.float32)

    qb = q_ref[0]
    qs = mm(tri_ref[:], qb)
    p = mm(qs, ws)
    d = mm(qb, ws)
    p_prev = p - d
    ones_col = jnp.ones((L, 1), jnp.float32)
    p_row = p.reshape(1, L)
    lhs = jnp.concatenate([ones_col, p_prev], axis=1)
    rhs = jnp.concatenate([p_row, -ones_col.reshape(1, L)], axis=0)
    diff = mm(lhs, rhs)
    ex = jnp.exp(diff * pm_ref[:] + bias_ref[:])
    se = mm(mm(ones_col.reshape(1, L), ex), ones_col)[0, 0]
    ii = ii_ref[0, 0]
    jj = jj_ref[0, 0]
    oh_i = (ent_iota == ii[:, None]).astype(jnp.float32)
    oh_j = (ent_iota == jj[:, None]).astype(jnp.float32)
    ln = (jj - ii + 1).astype(jnp.float32)[:, None]
    lg = (mm(oh_j, p) - mm(oh_i, p_prev)) / ln
    s_ref[0, 0] = (jnp.exp(lg) / se).reshape(N_ENT)
    qij_ref[0] = (mm(oh_j, qs) - mm(oh_i, qs - qb)) / ln


def _dense(q, ws_col, ii, jj, interpret=False):
    import numpy as np
    r = np.arange(L)[:, None]
    c = np.arange(L)[None, :]
    tri = (c <= r).astype(np.float32)
    valid = c > r
    pm = np.where(valid, 1.0 / (c - r + 1), 0.0).astype(np.float32)
    bias = np.where(valid, 0.0, -1e30).astype(np.float32)
    tbl = pl.BlockSpec((L, L), lambda b: (0, 0))
    return pl.pallas_call(
        _dense_body,
        grid=(B,),
        in_specs=[
            pl.BlockSpec((1, L, DIM), lambda b: (b, 0, 0)),
            pl.BlockSpec((DIM, 1), lambda b: (0, 0)),
            pl.BlockSpec((1, 1, N_ENT), lambda b: (b, 0, 0)),
            pl.BlockSpec((1, 1, N_ENT), lambda b: (b, 0, 0)),
            tbl, tbl, tbl,
        ],
        out_specs=[
            pl.BlockSpec((1, 1, N_ENT), lambda b: (b, 0, 0)),
            pl.BlockSpec((1, N_ENT, DIM), lambda b: (b, 0, 0)),
        ],
        out_shape=[jax.ShapeDtypeStruct((B, 1, N_ENT), jnp.float32),
                   jax.ShapeDtypeStruct((B, N_ENT, DIM), jnp.float32)],
        interpret=interpret,
    )(q, ws_col, ii.reshape(B, 1, N_ENT), jj.reshape(B, 1, N_ENT),
      jnp.asarray(tri), jnp.asarray(pm), jnp.asarray(bias))



_GDN = lax.GatherDimensionNumbers(offset_dims=(), collapsed_slice_dims=(0,),
                                  start_index_map=(0,))


def _shuf(v, idx):
    return lax.gather(v, idx[:, None], dimension_numbers=_GDN, slice_sizes=(1,),
                      mode=lax.GatherScatterMode.PROMISE_IN_BOUNDS)


def _allsum(v, lane):
    for sh in (8, 4, 2, 1):
        v = v + _shuf(v, lax.bitwise_xor(lane, sh))
    return v


def _allmax(v, lane):
    for sh in (8, 4, 2, 1):
        v = jnp.maximum(v, _shuf(v, lax.bitwise_xor(lane, sh)))
    return v


@functools.cache
def _get_sc_sparse():
  mesh = plsc.VectorSubcoreMesh(core_axis_name="c", subcore_axis_name="s")

  @functools.partial(
    pl.kernel,
    out_type=jax.ShapeDtypeStruct((B * N_E,), jnp.float32),
    mesh=mesh,
    compiler_params=pltpu.CompilerParams(needs_layout_passes=False),
    scratch_types=[
        pltpu.VMEM((8, RPM), jnp.int32),
        pltpu.VMEM((RPM // 2, DIM), jnp.float32),
        pltpu.VMEM((RPM // 2, DIM), jnp.float32),
        pltpu.VMEM((8, DIM), jnp.float32),
        pltpu.VMEM((16,), jnp.float32),
        pltpu.VMEM((16,), jnp.float32),
        pltpu.VMEM((256,), jnp.float32),
        pltpu.VMEM((256,), jnp.float32),
        pltpu.VMEM((256,), jnp.int32),
        pltpu.VMEM((QLEN,), jnp.float32),
        pltpu.VMEM_SHARED((4 * 256,), jnp.float32),
        pltpu.SemaphoreType.DMA,
        pltpu.SemaphoreType.DMA,
    ],
  )
  def _sc_sparse(po_hbm, qij_hbm, s_hbm, cand_hbm, emb_hbm, out_hbm,
                 idx_v, rows_a, rows_b, qv, sv, st_v, e_v, x_v, cand_v, out_v,
                 e_sh, sem_a, sem_b):
      c = lax.axis_index("c")
      s = lax.axis_index("s")
      mg0 = c * (M // 2) + s * 8
      lane = lax.iota(jnp.int32, 16)
      valid8 = lane < 8

      pltpu.sync_copy(po_hbm.at[pl.ds(mg0, 8)], idx_v)
      pltpu.sync_copy(qij_hbm.at[pl.ds(mg0, 8)], qv)
      pltpu.sync_copy(s_hbm.at[pl.ds(mg0, 16)], sv)
      svv = sv[:]

      def gather_half(mh, hp, buf, sem):
          pltpu.async_copy(emb_hbm.at[idx_v.at[mh, pl.ds(hp * 32, 32)]],
                           buf, sem)

      def wait_half(mh, hp, buf, sem):
          pltpu.make_async_copy(emb_hbm.at[idx_v.at[mh, pl.ds(hp * 32, 32)]],
                                buf, sem).wait()

      def make_chunk(buf, mm):
          def chunk(ci, accs):
              col = ci * 16
              qc = qv[mm, pl.ds(col, 16)]
              out = []
              for k in range(4):
                  a = accs[k]
                  for t in range(8):
                      a = a + buf[k * 8 + t, pl.ds(col, 16)] * qc
                  out.append(a)
              return tuple(out)
          return chunk

      gather_half(0, 0, rows_a, sem_a)
      zero16 = jnp.zeros((16,), jnp.float32)

      def zbody(i, carry):
          out_v[pl.ds(i * 16, 16)] = zero16
          return carry

      lax.fori_loop(0, QZ, zbody, 0)

      def group(mm, carry):
          zero = jnp.zeros((16,), jnp.float32)
          wait_half(mm, 0, rows_a, sem_a)
          gather_half(mm, 1, rows_b, sem_b)
          accs_lo = plsc.parallel_loop(0, DIM // 16, 1, unroll=4,
                                       carry=(zero,) * 4)(make_chunk(rows_a, mm))
          wait_half(mm, 1, rows_b, sem_b)

          @pl.when(mm < 7)
          def _():
              gather_half(mm + 1, 0, rows_a, sem_a)

          accs_hi = plsc.parallel_loop(0, DIM // 16, 1, unroll=4,
                                       carry=(zero,) * 4)(make_chunk(rows_b, mm))
          accs = accs_lo + accs_hi
          svec = jnp.full((16,), NEG, jnp.float32)
          for k in range(K):
              svec = jnp.where(lane == k, _allsum(accs[k], lane) * 0.125, svec)
          mx = _allmax(svec, lane)
          ex = jnp.where(valid8, jnp.exp(svec - mx), 0.0)
          sval = _allsum(jnp.where(lane == mm, svv, 0.0), lane)
          st_v[:] = ex * sval / _allsum(ex, lane)
          pltpu.sync_copy(st_v.at[pl.ds(0, 8)],
                          e_sh.at[pl.ds((s * 8 + mm) * 8, 8)])
          return carry

      lax.fori_loop(0, 8, group, 0)
      plsc.subcore_barrier()

      b_loc = s // 4
      b = c * 4 + b_loc
      pltpu.sync_copy(e_sh.at[pl.ds(b_loc * 256, 256)], e_v)
      pltpu.sync_copy(cand_hbm.at[pl.ds(b * 256, 256)], cand_v)

      def mx_body(g, m):
          return jnp.maximum(m, e_v[pl.ds(g * 16, 16)])

      gmx = _allmax(lax.fori_loop(0, 16, mx_body,
                                  jnp.full((16,), NEG, jnp.float32)), lane)

      def sum_body(g, acc):
          ex2 = jnp.exp(e_v[pl.ds(g * 16, 16)] - gmx)
          x_v[pl.ds(g * 16, 16)] = ex2
          return acc + ex2

      gsum = _allsum(lax.fori_loop(0, 16, sum_body,
                                   jnp.zeros((16,), jnp.float32)), lane)
      inv = 1.0 / gsum

      q4 = s % 4
      qo = jnp.where(q4 < 3, q4 * QLEN, N_E - QLEN)

      def scat(g, carry):
          cnd = cand_v[pl.ds(g * 16, 16)]
          offs = cnd - qo
          vals = x_v[pl.ds(g * 16, 16)] * inv
          dom = lane < 0
          for sh in range(1, 16):
              rs = lane + sh
              rs = jnp.where(rs >= 16, rs - 16, rs)
              xr = _shuf(cnd, rs)
              dom = dom | ((cnd == xr) & (lane < 16 - sh))
          mask = (offs >= 0) & (offs < QLEN) & jnp.logical_not(dom)
          plsc.store_scatter(out_v, [offs], vals, mask=mask)
          return carry

      lax.fori_loop(0, 16, scat, 0)
      pltpu.sync_copy(out_v, out_hbm.at[pl.ds(b * N_E + qo, QLEN)])

  return _sc_sparse



def kernel(q_flat, cu_seqlens, spans, po_tokens, cand_idx, ws, emb_table):
    del cu_seqlens
    q = q_flat.reshape(B, L, DIM)
    ii = spans[..., 0]
    jj = spans[..., 1]
    s, qij = _dense(q, ws.reshape(DIM, 1), ii, jj)
    s_pad = jnp.pad(s.reshape(M), (0, 64))
    out = _get_sc_sparse()(po_tokens.reshape(M, RPM), qij.reshape(M, DIM), s_pad,
                           cand_idx.reshape(M * K), emb_table)
    return out.reshape(B, N_E)

# --- scband reference (transcript-rebuilt; emitter-appended) ---
"""Pipeline reference for scband-entity-extraction-47854525612036 (READ-ONLY COPY).

The authoritative reference and input builder live on the scoring server;
editing this copy changes nothing except your own understanding.
"""

import jax, jax.numpy as jnp
import numpy as np

DIM = 768
N_PO = 100000
N_E = 100000
B = 8
L = 256
N_ENT = 32
K = 8
N_PPO = 2
T = 4


def setup_inputs(seed: int = 0) -> dict:
    key = jax.random.key(seed)
    ks = jax.random.split(key, 8)
    q_flat = jax.random.normal(ks[0], (B * L, DIM), dtype=jnp.float32)
    cu_seqlens = (jnp.arange(B + 1) * L).astype(jnp.int32)
    si = jax.random.randint(ks[1], (B, N_ENT), 0, L // 2)
    sj = si + 1 + jax.random.randint(ks[2], (B, N_ENT), 0, L // 2 - 1)
    spans = jnp.stack([si, sj], axis=-1).astype(jnp.int32)
    po_tokens = jax.random.randint(ks[3], (B, N_ENT, K, N_PPO, T), 0, N_PO).astype(jnp.int32)
    cand_idx = jax.random.randint(ks[4], (B, N_ENT, K), 0, N_E).astype(jnp.int32)
    ws = (jax.random.normal(ks[5], (DIM,), dtype=jnp.float32) / np.sqrt(DIM)).astype(jnp.float32)
    emb_table = (jax.random.normal(ks[6], (N_PO, DIM), dtype=jnp.float32) * 0.02).astype(jnp.float32)
    return {"q_flat": q_flat, "cu_seqlens": cu_seqlens, "spans": spans,
            "po_tokens": po_tokens, "cand_idx": cand_idx, "ws": ws, "emb_table": emb_table}


def _per_seq(q, spans, po_tok, cidx, ws, emb_table):
    # q: (L, DIM); spans: (N_ENT, 2); po_tok: (N_ENT, K, N_PPO, T); cidx: (N_ENT, K)
    Lq = q.shape[0]
    q_sum = jnp.cumsum(q, axis=0)
    # formula 8/9: span-average score s_ij = softmax over all i<j of ws . mean(q[i..j])
    p = q_sum @ ws  # (L,)
    p_prev = jnp.concatenate([jnp.zeros((1,), p.dtype), p[:-1]])  # p[i-1], zero for i=0
    idx = jnp.arange(Lq)
    denom = (idx[None, :] - idx[:, None] + 1).astype(q.dtype)
    logits = (p[None, :] - p_prev[:, None]) / denom
    mask = idx[None, :] > idx[:, None]  # strict i < j
    masked = jnp.where(mask, logits, -jnp.inf)
    sij_all = jax.nn.softmax(masked.reshape(-1)).reshape(Lq, Lq)
    i = spans[:, 0]
    j = spans[:, 1]
    s = sij_all[i, j]  # index_select of softmaxed span scores (N_ENT,)
    # span-average token embeddings for entity spans (formula reuse in _get_x0)
    q_sum_prev = jnp.concatenate([jnp.zeros((1, q.shape[1]), q.dtype), q_sum[:-1]], axis=0)
    qij = (q_sum[j] - q_sum_prev[i]) / (j - i + 1).astype(q.dtype)[:, None]  # (N_ENT, DIM)
    # formula 10/11: EmbeddingBag(mean) over tokens of each p|o, then mean over p|o bags
    emb = emb_table[po_tok]  # (N_ENT, K, N_PPO, T, DIM) gather
    z = emb.mean(axis=3).mean(axis=2)  # (N_ENT, K, DIM)
    scores = jnp.einsum('nkd,nd->nk', z, qij)
    e = jax.nn.softmax(scores, axis=1) * s[:, None]  # (N_ENT, K)
    xij = jax.nn.softmax(e.reshape(-1))  # softmax over all entity-candidate entries
    x = jnp.zeros((N_E,), q.dtype).at[cidx.reshape(-1)].set(xij)  # index_put_ scatter-overwrite
    return x


def reference(q_flat, cu_seqlens, spans, po_tokens, cand_idx, ws, emb_table):
    Bq = cu_seqlens.shape[0] - 1
    Lq = q_flat.shape[0] // Bq
    q = q_flat.reshape(Bq, Lq, -1)
    x0s = jax.vmap(lambda qq, sp, pt, ci: _per_seq(qq, sp, pt, ci, ws, emb_table))(
        q, spans, po_tokens, cand_idx)
    return x0s  # (B, N_E)


if False:  # reference __main__ guard neutralized (emitter)
    out = reference(**setup_inputs())
    print(out.shape)

if __name__ == "__main__":
    import jax
    _d = setup_inputs()
    print(jax.jit(kernel)(*tuple(_d.values())))

</pallas_src>

<mosaic_0001>
#map = affine_map<(d0, d1) -> (0, 0)>
#map1 = affine_map<(d0, d1) -> (0)>
module attributes {stable_mosaic.version = 14 : i64} {
  func.func @_sc_sparse(%arg0: i32, %arg1: i32, %arg2: memref<256x64xi32, #tpu.memory_space<hbm>>, %arg3: memref<256x768xf32, #tpu.memory_space<hbm>>, %arg4: memref<320xf32, #tpu.memory_space<hbm>>, %arg5: memref<2048xi32, #tpu.memory_space<hbm>>, %arg6: memref<100000x768xf32, #tpu.memory_space<hbm>>, %arg7: memref<800000xf32, #tpu.memory_space<hbm>>, %arg8: memref<8x64xi32, #tpu.memory_space<vmem>>, %arg9: memref<32x768xf32, #tpu.memory_space<vmem>>, %arg10: memref<32x768xf32, #tpu.memory_space<vmem>>, %arg11: memref<8x768xf32, #tpu.memory_space<vmem>>, %arg12: memref<16xf32, #tpu.memory_space<vmem>>, %arg13: memref<16xf32, #tpu.memory_space<vmem>>, %arg14: memref<256xf32, #tpu.memory_space<vmem>>, %arg15: memref<256xf32, #tpu.memory_space<vmem>>, %arg16: memref<256xi32, #tpu.memory_space<vmem>>, %arg17: memref<25088xf32, #tpu.memory_space<vmem>>, %arg18: memref<1024xf32, #tpu.memory_space<vmem_shared>>, %arg19: memref<!tpu.dma_semaphore, #tpu.memory_space<semaphore_mem>>, %arg20: memref<!tpu.dma_semaphore, #tpu.memory_space<semaphore_mem>>) attributes {dimension_semantics = [#tpu.dimension_semantics<core_parallel>, #tpu.dimension_semantics<subcore_parallel>], iteration_bounds = array<i64: 2, 16>, scalar_prefetch = 0 : i64, scratch_operands = 13 : i64, tpu.core_type = #tpu.core_type<sc_vector_subcore>, window_params = [{transform_indices = #map}, {transform_indices = #map}, {transform_indices = #map1}, {transform_indices = #map1}, {transform_indices = #map}, {transform_indices = #map1}]} {
    %mul3A = arith.constant 128 : i32
    %mul3A_0 = arith.muli %arg0, %mul3A : i32
    %mul3A_1 = arith.constant 8 : i32
    %mul3A_2 = arith.muli %arg1, %mul3A_1 : i32
    %add3A = arith.addi %mul3A_0, %mul3A_2 : i32
    %iota3A = tpu.iota {dimensions = array<i32: 0>} : vector<16xi32>
    %lt3A = arith.constant 8 : i32
    %lt3A_3 = vector.broadcast %lt3A : i32 to vector<16xi32>
    %lt3A_4 = arith.cmpi slt, %iota3A, %lt3A_3 : vector<16xi32>
    "tpu.region"() ({
      %run_scoped3A = tpu.sem_alloc : memref<!tpu.dma_semaphore, #tpu.memory_space<semaphore_mem>>
      %dma_start3A_149 = arith.constant 0 : i32
      %dma_start3A_150 = tpu.memref_slice %arg2[%add3A, %dma_start3A_149] : memref<256x64xi32, #tpu.memory_space<hbm>> -> memref<8x64xi32, #tpu.memory_space<hbm>>
      %dma_start3A_151 = arith.constant 0 : i32
      %dma_start3A_152 = tpu.memref_slice %arg2[%add3A, %dma_start3A_151] : memref<256x64xi32, #tpu.memory_space<hbm>> -> memref<8x64xi32, #tpu.memory_space<hbm>>
      tpu.enqueue_dma source(%dma_start3A_152 : memref<8x64xi32, #tpu.memory_space<hbm>>) target(%arg8 : memref<8x64xi32, #tpu.memory_space<vmem>>) target_semaphore(%run_scoped3A : memref<!tpu.dma_semaphore, #tpu.memory_space<semaphore_mem>>)
      %dma_wait3A = arith.constant 0 : i32
      %dma_wait3A_153 = tpu.memref_slice %arg2[%add3A, %dma_wait3A] : memref<256x64xi32, #tpu.memory_space<hbm>> -> memref<8x64xi32, #tpu.memory_space<hbm>>
      %dma_wait3A_154 = arith.constant 0 : i32
      %dma_wait3A_155 = tpu.memref_slice %arg2[%add3A, %dma_wait3A_154] : memref<256x64xi32, #tpu.memory_space<hbm>> -> memref<8x64xi32, #tpu.memory_space<hbm>>
      tpu.wait_dma2 semaphore(%run_scoped3A : memref<!tpu.dma_semaphore, #tpu.memory_space<semaphore_mem>>) src(%dma_wait3A_155 : memref<8x64xi32, #tpu.memory_space<hbm>>) dst(%arg8 : memref<8x64xi32, #tpu.memory_space<vmem>>)
      tpu.yield
    }) : () -> ()
    "tpu.region"() ({
      %run_scoped3A = tpu.sem_alloc : memref<!tpu.dma_semaphore, #tpu.memory_space<semaphore_mem>>
      %dma_start3A_149 = arith.constant 0 : i32
      %dma_start3A_150 = tpu.memref_slice %arg3[%add3A, %dma_start3A_149] : memref<256x768xf32, #tpu.memory_space<hbm>> -> memref<8x768xf32, #tpu.memory_space<hbm>>
      %dma_start3A_151 = arith.constant 0 : i32
      %dma_start3A_152 = tpu.memref_slice %arg3[%add3A, %dma_start3A_151] : memref<256x768xf32, #tpu.memory_space<hbm>> -> memref<8x768xf32, #tpu.memory_space<hbm>>
      tpu.enqueue_dma source(%dma_start3A_152 : memref<8x768xf32, #tpu.memory_space<hbm>>) target(%arg11 : memref<8x768xf32, #tpu.memory_space<vmem>>) target_semaphore(%run_scoped3A : memref<!tpu.dma_semaphore, #tpu.memory_space<semaphore_mem>>)
      %dma_wait3A = arith.constant 0 : i32
      %dma_wait3A_153 = tpu.memref_slice %arg3[%add3A, %dma_wait3A] : memref<256x768xf32, #tpu.memory_space<hbm>> -> memref<8x768xf32, #tpu.memory_space<hbm>>
      %dma_wait3A_154 = arith.constant 0 : i32
      %dma_wait3A_155 = tpu.memref_slice %arg3[%add3A, %dma_wait3A_154] : memref<256x768xf32, #tpu.memory_space<hbm>> -> memref<8x768xf32, #tpu.memory_space<hbm>>
      tpu.wait_dma2 semaphore(%run_scoped3A : memref<!tpu.dma_semaphore, #tpu.memory_space<semaphore_mem>>) src(%dma_wait3A_155 : memref<8x768xf32, #tpu.memory_space<hbm>>) dst(%arg11 : memref<8x768xf32, #tpu.memory_space<vmem>>)
      tpu.yield
    }) : () -> ()
    "tpu.region"() ({
      %run_scoped3A = tpu.sem_alloc : memref<!tpu.dma_semaphore, #tpu.memory_space<semaphore_mem>>
      %dma_start3A_149 = tpu.memref_slice %arg4[%add3A] : memref<320xf32, #tpu.memory_space<hbm>> -> memref<16xf32, #tpu.memory_space<hbm>>
      %dma_start3A_150 = tpu.memref_slice %arg4[%add3A] : memref<320xf32, #tpu.memory_space<hbm>> -> memref<16xf32, #tpu.memory_space<hbm>>
      tpu.enqueue_dma source(%dma_start3A_150 : memref<16xf32, #tpu.memory_space<hbm>>) target(%arg12 : memref<16xf32, #tpu.memory_space<vmem>>) target_semaphore(%run_scoped3A : memref<!tpu.dma_semaphore, #tpu.memory_space<semaphore_mem>>)
      %dma_wait3A = tpu.memref_slice %arg4[%add3A] : memref<320xf32, #tpu.memory_space<hbm>> -> memref<16xf32, #tpu.memory_space<hbm>>
      %dma_wait3A_151 = tpu.memref_slice %arg4[%add3A] : memref<320xf32, #tpu.memory_space<hbm>> -> memref<16xf32, #tpu.memory_space<hbm>>
      tpu.wait_dma2 semaphore(%run_scoped3A : memref<!tpu.dma_semaphore, #tpu.memory_space<semaphore_mem>>) src(%dma_wait3A_151 : memref<16xf32, #tpu.memory_space<hbm>>) dst(%arg12 : memref<16xf32, #tpu.memory_space<vmem>>)
      tpu.yield
    }) : () -> ()
    %get3A = arith.constant 0 : index
    %get3A_5 = tpu.vector_load %arg12[%get3A] {strides = array<i32>} : memref<16xf32, #tpu.memory_space<vmem>>, vector<16xf32>,
    %dma_start3A = arith.constant 0 : i32
    %dma_start3A_6 = arith.constant 0 : i32
    %dma_start3A_7 = tpu.memref_slice %arg8[%dma_start3A, %dma_start3A_6] : memref<8x64xi32, #tpu.memory_space<vmem>> -> memref<1x32xi32, #tpu.memory_space<vmem>>
    %dma_start3A_8 = tpu.memref_squeeze %dma_start3A_7 : memref<1x32xi32, #tpu.memory_space<vmem>> -> memref<32xi32, #tpu.memory_space<vmem>>
    %dma_start3A_9 = arith.constant 0 : i32
    %dma_start3A_10 = arith.constant 0 : i32
    %dma_start3A_11 = tpu.memref_slice %arg6[%dma_start3A_9, %dma_start3A_10] : memref<100000x768xf32, #tpu.memory_space<hbm>> -> memref<100000x768xf32, #tpu.memory_space<hbm>>
    tpu.enqueue_indirect_dma source(%dma_start3A_11 : memref<100000x768xf32, #tpu.memory_space<hbm>>) target(%arg9 : memref<32x768xf32, #tpu.memory_space<vmem>>) offsets(%dma_start3A_8 : memref<32xi32, #tpu.memory_space<vmem>>) semaphore(%arg19 : memref<!tpu.dma_semaphore, #tpu.memory_space<semaphore_mem>>)
    %broadcast_in_dim3A = arith.constant 0.000000e+00 : f32
    %broadcast_in_dim3A_12 = vector.broadcast %broadcast_in_dim3A : f32 to vector<16xf32>
    %scan3A = arith.constant 0 : i32
    %scan3A_13 = arith.constant 0 : i32
    %scan3A_14 = arith.constant 1568 : i32
    %scan3A_15 = arith.addi %scan3A_13, %scan3A_14 : i32
    %scan3A_16 = arith.constant 1 : i32
    scf.for %scan3A_149 = %scan3A_13 to %scan3A_15 step %scan3A_16  : i32 {
      %mul3A_150 = arith.constant 16 : i32
      %mul3A_151 = arith.muli %scan3A_149, %mul3A_150 : i32
      %swap3A = arith.index_cast %mul3A_151 : i32 to index
      %swap3A_152 = tpu.vector_load %arg17[%swap3A] {strides = array<i32>} : memref<25088xf32, #tpu.memory_space<vmem>>, vector<16xf32>,
      tpu.vector_store %arg17[%swap3A], %broadcast_in_dim3A_12 {strides = array<i32>} : memref<25088xf32, #tpu.memory_space<vmem>>, vector<16xf32>,
    }
    %scan3A_17 = arith.constant 1568 : i32
    %scan3A_18 = arith.constant 0 : i32
    %scan3A_19 = arith.constant 0 : i32
    %scan3A_20 = arith.constant 8 : i32
    %scan3A_21 = arith.addi %scan3A_19, %scan3A_20 : i32
    %scan3A_22 = arith.constant 1 : i32
    scf.for %scan3A_149 = %scan3A_19 to %scan3A_21 step %scan3A_22  : i32 {
      %broadcast_in_dim3A_150 = arith.constant 0.000000e+00 : f32
      %broadcast_in_dim3A_151 = vector.broadcast %broadcast_in_dim3A_150 : f32 to vector<16xf32>
      %dma_wait3A = arith.constant 0 : i32
      %dma_wait3A_152 = tpu.memref_slice %arg8[%scan3A_149, %dma_wait3A] : memref<8x64xi32, #tpu.memory_space<vmem>> -> memref<1x32xi32, #tpu.memory_space<vmem>>
      %dma_wait3A_153 = tpu.memref_squeeze %dma_wait3A_152 : memref<1x32xi32, #tpu.memory_space<vmem>> -> memref<32xi32, #tpu.memory_space<vmem>>
      %dma_wait3A_154 = arith.constant 0 : i32
      %dma_wait3A_155 = arith.constant 0 : i32
      %dma_wait3A_156 = tpu.memref_slice %arg6[%dma_wait3A_154, %dma_wait3A_155] : memref<100000x768xf32, #tpu.memory_space<hbm>> -> memref<100000x768xf32, #tpu.memory_space<hbm>>
      tpu.wait_indirect_dma semaphore(%arg19 : memref<!tpu.dma_semaphore, #tpu.memory_space<semaphore_mem>>) src(%dma_wait3A_156 : memref<100000x768xf32, #tpu.memory_space<hbm>>) dst(%arg9 : memref<32x768xf32, #tpu.memory_space<vmem>>)
      %dma_start3A_157 = arith.constant 32 : i32
      %dma_start3A_158 = tpu.memref_slice %arg8[%scan3A_149, %dma_start3A_157] : memref<8x64xi32, #tpu.memory_space<vmem>> -> memref<1x32xi32, #tpu.memory_space<vmem>>
      %dma_start3A_159 = tpu.memref_squeeze %dma_start3A_158 : memref<1x32xi32, #tpu.memory_space<vmem>> -> memref<32xi32, #tpu.memory_space<vmem>>
      %dma_start3A_160 = arith.constant 0 : i32
      %dma_start3A_161 = arith.constant 0 : i32
      %dma_start3A_162 = tpu.memref_slice %arg6[%dma_start3A_160, %dma_start3A_161] : memref<100000x768xf32, #tpu.memory_space<hbm>> -> memref<100000x768xf32, #tpu.memory_space<hbm>>
      tpu.enqueue_indirect_dma source(%dma_start3A_162 : memref<100000x768xf32, #tpu.memory_space<hbm>>) target(%arg10 : memref<32x768xf32, #tpu.memory_space<vmem>>) offsets(%dma_start3A_159 : memref<32xi32, #tpu.memory_space<vmem>>) semaphore(%arg20 : memref<!tpu.dma_semaphore, #tpu.memory_space<semaphore_mem>>)
      %parallel_loop3A = arith.constant 0 : i32
      %parallel_loop3A_163 = arith.constant 48 : i32
      %parallel_loop3A_164 = arith.constant 1 : i32
      %parallel_loop3A_165:4 = scf.for %parallel_loop3A_562 = %parallel_loop3A to %parallel_loop3A_163 step %parallel_loop3A_164 iter_args(%parallel_loop3A_563 = %broadcast_in_dim3A_151, %parallel_loop3A_564 = %broadcast_in_dim3A_151, %parallel_loop3A_565 = %broadcast_in_dim3A_151, %parallel_loop3A_566 = %broadcast_in_dim3A_151) -> (vector<16xf32>, vector<16xf32>, vector<16xf32>, vector<16xf32>)  : i32 {
        %parallel_loop3A_567 = arith.constant 16 : i32
        %parallel_loop3A_568 = arith.muli %parallel_loop3A_562, %parallel_loop3A_567 : i32
        %parallel_loop3A_569 = arith.index_cast %scan3A_149 : i32 to index
        %parallel_loop3A_570 = arith.index_cast %parallel_loop3A_568 : i32 to index
        %parallel_loop3A_571 = tpu.vector_load %arg11[%parallel_loop3A_569, %parallel_loop3A_570] {strides = array<i32>} : memref<8x768xf32, #tpu.memory_space<vmem>>, vector<16xf32>,
        %parallel_loop3A_572 = arith.constant 0 : i32
        %parallel_loop3A_573 = arith.index_cast %parallel_loop3A_572 : i32 to index
        %parallel_loop3A_574 = arith.index_cast %parallel_loop3A_568 : i32 to index
        %parallel_loop3A_575 = tpu.vector_load %arg9[%parallel_loop3A_573, %parallel_loop3A_574] {strides = array<i32>} : memref<32x768xf32, #tpu.memory_space<vmem>>, vector<16xf32>,
        %parallel_loop3A_576 = arith.mulf %parallel_loop3A_575, %parallel_loop3A_571 : vector<16xf32>
        %parallel_loop3A_577 = arith.addf %parallel_loop3A_563, %parallel_loop3A_576 : vector<16xf32>
        %parallel_loop3A_578 = arith.constant 1 : i32
        %parallel_loop3A_579 = arith.index_cast %parallel_loop3A_578 : i32 to index
        %parallel_loop3A_580 = arith.index_cast %parallel_loop3A_568 : i32 to index
        %parallel_loop3A_581 = tpu.vector_load %arg9[%parallel_loop3A_579, %parallel_loop3A_580] {strides = array<i32>} : memref<32x768xf32, #tpu.memory_space<vmem>>, vector<16xf32>,
        %parallel_loop3A_582 = arith.mulf %parallel_loop3A_581, %parallel_loop3A_571 : vector<16xf32>
        %parallel_loop3A_583 = arith.addf %parallel_loop3A_577, %parallel_loop3A_582 : vector<16xf32>
        %parallel_loop3A_584 = arith.constant 2 : i32
        %parallel_loop3A_585 = arith.index_cast %parallel_loop3A_584 : i32 to index
        %parallel_loop3A_586 = arith.index_cast %parallel_loop3A_568 : i32 to index
        %parallel_loop3A_587 = tpu.vector_load %arg9[%parallel_loop3A_585, %parallel_loop3A_586] {strides = array<i32>} : memref<32x768xf32, #tpu.memory_space<vmem>>, vector<16xf32>,
        %parallel_loop3A_588 = arith.mulf %parallel_loop3A_587, %parallel_loop3A_571 : vector<16xf32>
        %parallel_loop3A_589 = arith.addf %parallel_loop3A_583, %parallel_loop3A_588 : vector<16xf32>
        %parallel_loop3A_590 = arith.constant 3 : i32
        %parallel_loop3A_591 = arith.index_cast %parallel_loop3A_590 : i32 to index
        %parallel_loop3A_592 = arith.index_cast %parallel_loop3A_568 : i32 to index
        %parallel_loop3A_593 = tpu.vector_load %arg9[%parallel_loop3A_591, %parallel_loop3A_592] {strides = array<i32>} : memref<32x768xf32, #tpu.memory_space<vmem>>, vector<16xf32>,
        %parallel_loop3A_594 = arith.mulf %parallel_loop3A_593, %parallel_loop3A_571 : vector<16xf32>
        %parallel_loop3A_595 = arith.addf %parallel_loop3A_589, %parallel_loop3A_594 : vector<16xf32>
        %parallel_loop3A_596 = arith.constant 4 : i32
        %parallel_loop3A_597 = arith.index_cast %parallel_loop3A_596 : i32 to index
        %parallel_loop3A_598 = arith.index_cast %parallel_loop3A_568 : i32 to index
        %parallel_loop3A_599 = tpu.vector_load %arg9[%parallel_loop3A_597, %parallel_loop3A_598] {strides = array<i32>} : memref<32x768xf32, #tpu.memory_space<vmem>>, vector<16xf32>,
        %parallel_loop3A_600 = arith.mulf %parallel_loop3A_599, %parallel_loop3A_571 : vector<16xf32>
        %parallel_loop3A_601 = arith.addf %parallel_loop3A_595, %parallel_loop3A_600 : vector<16xf32>
        %parallel_loop3A_602 = arith.constant 5 : i32
        %parallel_loop3A_603 = arith.index_cast %parallel_loop3A_602 : i32 to index
        %parallel_loop3A_604 = arith.index_cast %parallel_loop3A_568 : i32 to index
        %parallel_loop3A_605 = tpu.vector_load %arg9[%parallel_loop3A_603, %parallel_loop3A_604] {strides = array<i32>} : memref<32x768xf32, #tpu.memory_space<vmem>>, vector<16xf32>,
        %parallel_loop3A_606 = arith.mulf %parallel_loop3A_605, %parallel_loop3A_571 : vector<16xf32>
        %parallel_loop3A_607 = arith.addf %parallel_loop3A_601, %parallel_loop3A_606 : vector<16xf32>
        %parallel_loop3A_608 = arith.constant 6 : i32
        %parallel_loop3A_609 = arith.index_cast %parallel_loop3A_608 : i32 to index
        %parallel_loop3A_610 = arith.index_cast %parallel_loop3A_568 : i32 to index
        %parallel_loop3A_611 = tpu.vector_load %arg9[%parallel_loop3A_609, %parallel_loop3A_610] {strides = array<i32>} : memref<32x768xf32, #tpu.memory_space<vmem>>, vector<16xf32>,
        %parallel_loop3A_612 = arith.mulf %parallel_loop3A_611, %parallel_loop3A_571 : vector<16xf32>
        %parallel_loop3A_613 = arith.addf %parallel_loop3A_607, %parallel_loop3A_612 : vector<16xf32>
        %parallel_loop3A_614 = arith.constant 7 : i32
        %parallel_loop3A_615 = arith.index_cast %parallel_loop3A_614 : i32 to index
        %parallel_loop3A_616 = arith.index_cast %parallel_loop3A_568 : i32 to index
        %parallel_loop3A_617 = tpu.vector_load %arg9[%parallel_loop3A_615, %parallel_loop3A_616] {strides = array<i32>} : memref<32x768xf32, #tpu.memory_space<vmem>>, vector<16xf32>,
        %parallel_loop3A_618 = arith.mulf %parallel_loop3A_617, %parallel_loop3A_571 : vector<16xf32>
        %parallel_loop3A_619 = arith.addf %parallel_loop3A_613, %parallel_loop3A_618 : vector<16xf32>
        %parallel_loop3A_620 = arith.constant 8 : i32
        %parallel_loop3A_621 = arith.index_cast %parallel_loop3A_620 : i32 to index
        %parallel_loop3A_622 = arith.index_cast %parallel_loop3A_568 : i32 to index
        %parallel_loop3A_623 = tpu.vector_load %arg9[%parallel_loop3A_621, %parallel_loop3A_622] {strides = array<i32>} : memref<32x768xf32, #tpu.memory_space<vmem>>, vector<16xf32>,
        %parallel_loop3A_624 = arith.mulf %parallel_loop3A_623, %parallel_loop3A_571 : vector<16xf32>
        %parallel_loop3A_625 = arith.addf %parallel_loop3A_564, %parallel_loop3A_624 : vector<16xf32>
        %parallel_loop3A_626 = arith.constant 9 : i32
        %parallel_loop3A_627 = arith.index_cast %parallel_loop3A_626 : i32 to index
        %parallel_loop3A_628 = arith.index_cast %parallel_loop3A_568 : i32 to index
        %parallel_loop3A_629 = tpu.vector_load %arg9[%parallel_loop3A_627, %parallel_loop3A_628] {strides = array<i32>} : memref<32x768xf32, #tpu.memory_space<vmem>>, vector<16xf32>,
        %parallel_loop3A_630 = arith.mulf %parallel_loop3A_629, %parallel_loop3A_571 : vector<16xf32>
        %parallel_loop3A_631 = arith.addf %parallel_loop3A_625, %parallel_loop3A_630 : vector<16xf32>
        %parallel_loop3A_632 = arith.constant 10 : i32
        %parallel_loop3A_633 = arith.index_cast %parallel_loop3A_632 : i32 to index
        %parallel_loop3A_634 = arith.index_cast %parallel_loop3A_568 : i32 to index
        %parallel_loop3A_635 = tpu.vector_load %arg9[%parallel_loop3A_633, %parallel_loop3A_634] {strides = array<i32>} : memref<32x768xf32, #tpu.memory_space<vmem>>, vector<16xf32>,
        %parallel_loop3A_636 = arith.mulf %parallel_loop3A_635, %parallel_loop3A_571 : vector<16xf32>
        %parallel_loop3A_637 = arith.addf %parallel_loop3A_631, %parallel_loop3A_636 : vector<16xf32>
        %parallel_loop3A_638 = arith.constant 11 : i32
        %parallel_loop3A_639 = arith.index_cast %parallel_loop3A_638 : i32 to index
        %parallel_loop3A_640 = arith.index_cast %parallel_loop3A_568 : i32 to index
        %parallel_loop3A_641 = tpu.vector_load %arg9[%parallel_loop3A_639, %parallel_loop3A_640] {strides = array<i32>} : memref<32x768xf32, #tpu.memory_space<vmem>>, vector<16xf32>,
        %parallel_loop3A_642 = arith.mulf %parallel_loop3A_641, %parallel_loop3A_571 : vector<16xf32>
        %parallel_loop3A_643 = arith.addf %parallel_loop3A_637, %parallel_loop3A_642 : vector<16xf32>
        %parallel_loop3A_644 = arith.constant 12 : i32
        %parallel_loop3A_645 = arith.index_cast %parallel_loop3A_644 : i32 to index
        %parallel_loop3A_646 = arith.index_cast %parallel_loop3A_568 : i32 to index
        %parallel_loop3A_647 = tpu.vector_load %arg9[%parallel_loop3A_645, %parallel_loop3A_646] {strides = array<i32>} : memref<32x768xf32, #tpu.memory_space<vmem>>, vector<16xf32>,
        %parallel_loop3A_648 = arith.mulf %parallel_loop3A_647, %parallel_loop3A_571 : vector<16xf32>
        %parallel_loop3A_649 = arith.addf %parallel_loop3A_643, %parallel_loop3A_648 : vector<16xf32>
        %parallel_loop3A_650 = arith.constant 13 : i32
        %parallel_loop3A_651 = arith.index_cast %parallel_loop3A_650 : i32 to index
        %parallel_loop3A_652 = arith.index_cast %parallel_loop3A_568 : i32 to index
        %parallel_loop3A_653 = tpu.vector_load %arg9[%parallel_loop3A_651, %parallel_loop3A_652] {strides = array<i32>} : memref<32x768xf32, #tpu.memory_space<vmem>>, vector<16xf32>,
        %parallel_loop3A_654 = arith.mulf %parallel_loop3A_653, %parallel_loop3A_571 : vector<16xf32>
        %parallel_loop3A_655 = arith.addf %parallel_loop3A_649, %parallel_loop3A_654 : vector<16xf32>
        %parallel_loop3A_656 = arith.constant 14 : i32
        %parallel_loop3A_657 = arith.index_cast %parallel_loop3A_656 : i32 to index
        %parallel_loop3A_658 = arith.index_cast %parallel_loop3A_568 : i32 to index
        %parallel_loop3A_659 = tpu.vector_load %arg9[%parallel_loop3A_657, %parallel_loop3A_658] {strides = array<i32>} : memref<32x768xf32, #tpu.memory_space<vmem>>, vector<16xf32>,
        %parallel_loop3A_660 = arith.mulf %parallel_loop3A_659, %parallel_loop3A_571 : vector<16xf32>
        %parallel_loop3A_661 = arith.addf %parallel_loop3A_655, %parallel_loop3A_660 : vector<16xf32>
        %parallel_loop3A_662 = arith.constant 15 : i32
        %parallel_loop3A_663 = arith.index_cast %parallel_loop3A_662 : i32 to index
        %parallel_loop3A_664 = arith.index_cast %parallel_loop3A_568 : i32 to index
        %parallel_loop3A_665 = tpu.vector_load %arg9[%parallel_loop3A_663, %parallel_loop3A_664] {strides = array<i32>} : memref<32x768xf32, #tpu.memory_space<vmem>>, vector<16xf32>,
        %parallel_loop3A_666 = arith.mulf %parallel_loop3A_665, %parallel_loop3A_571 : vector<16xf32>
        %parallel_loop3A_667 = arith.addf %parallel_loop3A_661, %parallel_loop3A_666 : vector<16xf32>
        %parallel_loop3A_668 = arith.constant 16 : i32
        %parallel_loop3A_669 = arith.index_cast %parallel_loop3A_668 : i32 to index
        %parallel_loop3A_670 = arith.index_cast %parallel_loop3A_568 : i32 to index
        %parallel_loop3A_671 = tpu.vector_load %arg9[%parallel_loop3A_669, %parallel_loop3A_670] {strides = array<i32>} : memref<32x768xf32, #tpu.memory_space<vmem>>, vector<16xf32>,
        %parallel_loop3A_672 = arith.mulf %parallel_loop3A_671, %parallel_loop3A_571 : vector<16xf32>
        %parallel_loop3A_673 = arith.addf %parallel_loop3A_565, %parallel_loop3A_672 : vector<16xf32>
        %parallel_loop3A_674 = arith.constant 17 : i32
        %parallel_loop3A_675 = arith.index_cast %parallel_loop3A_674 : i32 to index
        %parallel_loop3A_676 = arith.index_cast %parallel_loop3A_568 : i32 to index
        %parallel_loop3A_677 = tpu.vector_load %arg9[%parallel_loop3A_675, %parallel_loop3A_676] {strides = array<i32>} : memref<32x768xf32, #tpu.memory_space<vmem>>, vector<16xf32>,
        %parallel_loop3A_678 = arith.mulf %parallel_loop3A_677, %parallel_loop3A_571 : vector<16xf32>
        %parallel_loop3A_679 = arith.addf %parallel_loop3A_673, %parallel_loop3A_678 : vector<16xf32>
        %parallel_loop3A_680 = arith.constant 18 : i32
        %parallel_loop3A_681 = arith.index_cast %parallel_loop3A_680 : i32 to index
        %parallel_loop3A_682 = arith.index_cast %parallel_loop3A_568 : i32 to index
        %parallel_loop3A_683 = tpu.vector_load %arg9[%parallel_loop3A_681, %parallel_loop3A_682] {strides = array<i32>} : memref<32x768xf32, #tpu.memory_space<vmem>>, vector<16xf32>,
        %parallel_loop3A_684 = arith.mulf %parallel_loop3A_683, %parallel_loop3A_571 : vector<16xf32>
        %parallel_loop3A_685 = arith.addf %parallel_loop3A_679, %parallel_loop3A_684 : vector<16xf32>
        %parallel_loop3A_686 = arith.constant 19 : i32
        %parallel_loop3A_687 = arith.index_cast %parallel_loop3A_686 : i32 to index
        %parallel_loop3A_688 = arith.index_cast %parallel_loop3A_568 : i32 to index
        %parallel_loop3A_689 = tpu.vector_load %arg9[%parallel_loop3A_687, %parallel_loop3A_688] {strides = array<i32>} : memref<32x768xf32, #tpu.memory_space<vmem>>, vector<16xf32>,
        %parallel_loop3A_690 = arith.mulf %parallel_loop3A_689, %parallel_loop3A_571 : vector<16xf32>
        %parallel_loop3A_691 = arith.addf %parallel_loop3A_685, %parallel_loop3A_690 : vector<16xf32>
        %parallel_loop3A_692 = arith.constant 20 : i32
        %parallel_loop3A_693 = arith.index_cast %parallel_loop3A_692 : i32 to index
        %parallel_loop3A_694 = arith.index_cast %parallel_loop3A_568 : i32 to index
        %parallel_loop3A_695 = tpu.vector_load %arg9[%parallel_loop3A_693, %parallel_loop3A_694] {strides = array<i32>} : memref<32x768xf32, #tpu.memory_space<vmem>>, vector<16xf32>,
        %parallel_loop3A_696 = arith.mulf %parallel_loop3A_695, %parallel_loop3A_571 : vector<16xf32>
        %parallel_loop3A_697 = arith.addf %parallel_loop3A_691, %parallel_loop3A_696 : vector<16xf32>
        %parallel_loop3A_698 = arith.constant 21 : i32
        %parallel_loop3A_699 = arith.index_cast %parallel_loop3A_698 : i32 to index
        %parallel_loop3A_700 = arith.index_cast %parallel_loop3A_568 : i32 to index
        %parallel_loop3A_701 = tpu.vector_load %arg9[%parallel_loop3A_699, %parallel_loop3A_700] {strides = array<i32>} : memref<32x768xf32, #tpu.memory_space<vmem>>, vector<16xf32>,
        %parallel_loop3A_702 = arith.mulf %parallel_loop3A_701, %parallel_loop3A_571 : vector<16xf32>
        %parallel_loop3A_703 = arith.addf %parallel_loop3A_697, %parallel_loop3A_702 : vector<16xf32>
        %parallel_loop3A_704 = arith.constant 22 : i32
        %parallel_loop3A_705 = arith.index_cast %parallel_loop3A_704 : i32 to index
        %parallel_loop3A_706 = arith.index_cast %parallel_loop3A_568 : i32 to index
        %parallel_loop3A_707 = tpu.vector_load %arg9[%parallel_loop3A_705, %parallel_loop3A_706] {strides = array<i32>} : memref<32x768xf32, #tpu.memory_space<vmem>>, vector<16xf32>,
        %parallel_loop3A_708 = arith.mulf %parallel_loop3A_707, %parallel_loop3A_571 : vector<16xf32>
        %parallel_loop3A_709 = arith.addf %parallel_loop3A_703, %parallel_loop3A_708 : vector<16xf32>
        %parallel_loop3A_710 = arith.constant 23 : i32
        %parallel_loop3A_711 = arith.index_cast %parallel_loop3A_710 : i32 to index
        %parallel_loop3A_712 = arith.index_cast %parallel_loop3A_568 : i32 to index
        %parallel_loop3A_713 = tpu.vector_load %arg9[%parallel_loop3A_711, %parallel_loop3A_712] {strides = array<i32>} : memref<32x768xf32, #tpu.memory_space<vmem>>, vector<16xf32>,
        %parallel_loop3A_714 = arith.mulf %parallel_loop3A_713, %parallel_loop3A_571 : vector<16xf32>
        %parallel_loop3A_715 = arith.addf %parallel_loop3A_709, %parallel_loop3A_714 : vector<16xf32>
        %parallel_loop3A_716 = arith.constant 24 : i32
        %parallel_loop3A_717 = arith.index_cast %parallel_loop3A_716 : i32 to index
        %parallel_loop3A_718 = arith.index_cast %parallel_loop3A_568 : i32 to index
        %parallel_loop3A_719 = tpu.vector_load %arg9[%parallel_loop3A_717, %parallel_loop3A_718] {strides = array<i32>} : memref<32x768xf32, #tpu.memory_space<vmem>>, vector<16xf32>,
        %parallel_loop3A_720 = arith.mulf %parallel_loop3A_719, %parallel_loop3A_571 : vector<16xf32>
        %parallel_loop3A_721 = arith.addf %parallel_loop3A_566, %parallel_loop3A_720 : vector<16xf32>
        %parallel_loop3A_722 = arith.constant 25 : i32
        %parallel_loop3A_723 = arith.index_cast %parallel_loop3A_722 : i32 to index
        %parallel_loop3A_724 = arith.index_cast %parallel_loop3A_568 : i32 to index
        %parallel_loop3A_725 = tpu.vector_load %arg9[%parallel_loop3A_723, %parallel_loop3A_724] {strides = array<i32>} : memref<32x768xf32, #tpu.memory_space<vmem>>, vector<16xf32>,
        %parallel_loop3A_726 = arith.mulf %parallel_loop3A_725, %parallel_loop3A_571 : vector<16xf32>
        %parallel_loop3A_727 = arith.addf %parallel_loop3A_721, %parallel_loop3A_726 : vector<16xf32>
        %parallel_loop3A_728 = arith.constant 26 : i32
        %parallel_loop3A_729 = arith.index_cast %parallel_loop3A_728 : i32 to index
        %parallel_loop3A_730 = arith.index_cast %parallel_loop3A_568 : i32 to index
        %parallel_loop3A_731 = tpu.vector_load %arg9[%parallel_loop3A_729, %parallel_loop3A_730] {strides = array<i32>} : memref<32x768xf32, #tpu.memory_space<vmem>>, vector<16xf32>,
        %parallel_loop3A_732 = arith.mulf %parallel_loop3A_731, %parallel_loop3A_571 : vector<16xf32>
        %parallel_loop3A_733 = arith.addf %parallel_loop3A_727, %parallel_loop3A_732 : vector<16xf32>
        %parallel_loop3A_734 = arith.constant 27 : i32
        %parallel_loop3A_735 = arith.index_cast %parallel_loop3A_734 : i32 to index
        %parallel_loop3A_736 = arith.index_cast %parallel_loop3A_568 : i32 to index
        %parallel_loop3A_737 = tpu.vector_load %arg9[%parallel_loop3A_735, %parallel_loop3A_736] {strides = array<i32>} : memref<32x768xf32, #tpu.memory_space<vmem>>, vector<16xf32>,
        %parallel_loop3A_738 = arith.mulf %parallel_loop3A_737, %parallel_loop3A_571 : vector<16xf32>
        %parallel_loop3A_739 = arith.addf %parallel_loop3A_733, %parallel_loop3A_738 : vector<16xf32>
        %parallel_loop3A_740 = arith.constant 28 : i32
        %parallel_loop3A_741 = arith.index_cast %parallel_loop3A_740 : i32 to index
        %parallel_loop3A_742 = arith.index_cast %parallel_loop3A_568 : i32 to index
        %parallel_loop3A_743 = tpu.vector_load %arg9[%parallel_loop3A_741, %parallel_loop3A_742] {strides = array<i32>} : memref<32x768xf32, #tpu.memory_space<vmem>>, vector<16xf32>,
        %parallel_loop3A_744 = arith.mulf %parallel_loop3A_743, %parallel_loop3A_571 : vector<16xf32>
        %parallel_loop3A_745 = arith.addf %parallel_loop3A_739, %parallel_loop3A_744 : vector<16xf32>
        %parallel_loop3A_746 = arith.constant 29 : i32
        %parallel_loop3A_747 = arith.index_cast %parallel_loop3A_746 : i32 to index
        %parallel_loop3A_748 = arith.index_cast %parallel_loop3A_568 : i32 to index
        %parallel_loop3A_749 = tpu.vector_load %arg9[%parallel_loop3A_747, %parallel_loop3A_748] {strides = array<i32>} : memref<32x768xf32, #tpu.memory_space<vmem>>, vector<16xf32>,
        %parallel_loop3A_750 = arith.mulf %parallel_loop3A_749, %parallel_loop3A_571 : vector<16xf32>
        %parallel_loop3A_751 = arith.addf %parallel_loop3A_745, %parallel_loop3A_750 : vector<16xf32>
        %parallel_loop3A_752 = arith.constant 30 : i32
        %parallel_loop3A_753 = arith.index_cast %parallel_loop3A_752 : i32 to index
        %parallel_loop3A_754 = arith.index_cast %parallel_loop3A_568 : i32 to index
        %parallel_loop3A_755 = tpu.vector_load %arg9[%parallel_loop3A_753, %parallel_loop3A_754] {strides = array<i32>} : memref<32x768xf32, #tpu.memory_space<vmem>>, vector<16xf32>,
        %parallel_loop3A_756 = arith.mulf %parallel_loop3A_755, %parallel_loop3A_571 : vector<16xf32>
        %parallel_loop3A_757 = arith.addf %parallel_loop3A_751, %parallel_loop3A_756 : vector<16xf32>
        %parallel_loop3A_758 = arith.constant 31 : i32
        %parallel_loop3A_759 = arith.index_cast %parallel_loop3A_758 : i32 to index
        %parallel_loop3A_760 = arith.index_cast %parallel_loop3A_568 : i32 to index
        %parallel_loop3A_761 = tpu.vector_load %arg9[%parallel_loop3A_759, %parallel_loop3A_760] {strides = array<i32>} : memref<32x768xf32, #tpu.memory_space<vmem>>, vector<16xf32>,
        %parallel_loop3A_762 = arith.mulf %parallel_loop3A_761, %parallel_loop3A_571 : vector<16xf32>
        %parallel_loop3A_763 = arith.addf %parallel_loop3A_757, %parallel_loop3A_762 : vector<16xf32>
        scf.yield %parallel_loop3A_619, %parallel_loop3A_667, %parallel_loop3A_715, %parallel_loop3A_763 : vector<16xf32>, vector<16xf32>, vector<16xf32>, vector<16xf32>
      } {sc.loop_unroll_factor = 4 : i64, sc.parallel_access}
      %dma_wait3A_166 = arith.constant 32 : i32
      %dma_wait3A_167 = tpu.memref_slice %arg8[%scan3A_149, %dma_wait3A_166] : memref<8x64xi32, #tpu.memory_space<vmem>> -> memref<1x32xi32, #tpu.memory_space<vmem>>
      %dma_wait3A_168 = tpu.memref_squeeze %dma_wait3A_167 : memref<1x32xi32, #tpu.memory_space<vmem>> -> memref<32xi32, #tpu.memory_space<vmem>>
      %dma_wait3A_169 = arith.constant 0 : i32
      %dma_wait3A_170 = arith.constant 0 : i32
      %dma_wait3A_171 = tpu.memref_slice %arg6[%dma_wait3A_169, %dma_wait3A_170] : memref<100000x768xf32, #tpu.memory_space<hbm>> -> memref<100000x768xf32, #tpu.memory_space<hbm>>
      tpu.wait_indirect_dma semaphore(%arg20 : memref<!tpu.dma_semaphore, #tpu.memory_space<semaphore_mem>>) src(%dma_wait3A_171 : memref<100000x768xf32, #tpu.memory_space<hbm>>) dst(%arg10 : memref<32x768xf32, #tpu.memory_space<vmem>>)
      %lt3A_172 = arith.constant 7 : i32
      %lt3A_173 = arith.cmpi slt, %scan3A_149, %lt3A_172 : i32
      %convert_element_type3A = arith.extui %lt3A_173 : i1 to i32
      %cond3A = arith.constant 0 : i32
      %cond3A_174 = arith.cmpi ne, %convert_element_type3A, %cond3A : i32
      scf.if %cond3A_174 {
        %add3A_562 = arith.constant 1 : i32
        %add3A_563 = arith.addi %scan3A_149, %add3A_562 : i32
        %dma_start3A_564 = arith.constant 0 : i32
        %dma_start3A_565 = tpu.memref_slice %arg8[%add3A_563, %dma_start3A_564] : memref<8x64xi32, #tpu.memory_space<vmem>> -> memref<1x32xi32, #tpu.memory_space<vmem>>
        %dma_start3A_566 = tpu.memref_squeeze %dma_start3A_565 : memref<1x32xi32, #tpu.memory_space<vmem>> -> memref<32xi32, #tpu.memory_space<vmem>>
        %dma_start3A_567 = arith.constant 0 : i32
        %dma_start3A_568 = arith.constant 0 : i32
        %dma_start3A_569 = tpu.memref_slice %arg6[%dma_start3A_567, %dma_start3A_568] : memref<100000x768xf32, #tpu.memory_space<hbm>> -> memref<100000x768xf32, #tpu.memory_space<hbm>>
        tpu.enqueue_indirect_dma source(%dma_start3A_569 : memref<100000x768xf32, #tpu.memory_space<hbm>>) target(%arg9 : memref<32x768xf32, #tpu.memory_space<vmem>>) offsets(%dma_start3A_566 : memref<32xi32, #tpu.memory_space<vmem>>) semaphore(%arg19 : memref<!tpu.dma_semaphore, #tpu.memory_space<semaphore_mem>>)
      } else {
      }
      %parallel_loop3A_175 = arith.constant 0 : i32
      %parallel_loop3A_176 = arith.constant 48 : i32
      %parallel_loop3A_177 = arith.constant 1 : i32
      %parallel_loop3A_178:4 = scf.for %parallel_loop3A_562 = %parallel_loop3A_175 to %parallel_loop3A_176 step %parallel_loop3A_177 iter_args(%parallel_loop3A_563 = %broadcast_in_dim3A_151, %parallel_loop3A_564 = %broadcast_in_dim3A_151, %parallel_loop3A_565 = %broadcast_in_dim3A_151, %parallel_loop3A_566 = %broadcast_in_dim3A_151) -> (vector<16xf32>, vector<16xf32>, vector<16xf32>, vector<16xf32>)  : i32 {
        %parallel_loop3A_567 = arith.constant 16 : i32
        %parallel_loop3A_568 = arith.muli %parallel_loop3A_562, %parallel_loop3A_567 : i32
        %parallel_loop3A_569 = arith.index_cast %scan3A_149 : i32 to index
        %parallel_loop3A_570 = arith.index_cast %parallel_loop3A_568 : i32 to index
        %parallel_loop3A_571 = tpu.vector_load %arg11[%parallel_loop3A_569, %parallel_loop3A_570] {strides = array<i32>} : memref<8x768xf32, #tpu.memory_space<vmem>>, vector<16xf32>,
        %parallel_loop3A_572 = arith.constant 0 : i32
        %parallel_loop3A_573 = arith.index_cast %parallel_loop3A_572 : i32 to index
        %parallel_loop3A_574 = arith.index_cast %parallel_loop3A_568 : i32 to index
        %parallel_loop3A_575 = tpu.vector_load %arg10[%parallel_loop3A_573, %parallel_loop3A_574] {strides = array<i32>} : memref<32x768xf32, #tpu.memory_space<vmem>>, vector<16xf32>,
        %parallel_loop3A_576 = arith.mulf %parallel_loop3A_575, %parallel_loop3A_571 : vector<16xf32>
        %parallel_loop3A_577 = arith.addf %parallel_loop3A_563, %parallel_loop3A_576 : vector<16xf32>
        %parallel_loop3A_578 = arith.constant 1 : i32
        %parallel_loop3A_579 = arith.index_cast %parallel_loop3A_578 : i32 to index
        %parallel_loop3A_580 = arith.index_cast %parallel_loop3A_568 : i32 to index
        %parallel_loop3A_581 = tpu.vector_load %arg10[%parallel_loop3A_579, %parallel_loop3A_580] {strides = array<i32>} : memref<32x768xf32, #tpu.memory_space<vmem>>, vector<16xf32>,
        %parallel_loop3A_582 = arith.mulf %parallel_loop3A_581, %parallel_loop3A_571 : vector<16xf32>
        %parallel_loop3A_583 = arith.addf %parallel_loop3A_577, %parallel_loop3A_582 : vector<16xf32>
        %parallel_loop3A_584 = arith.constant 2 : i32
        %parallel_loop3A_585 = arith.index_cast %parallel_loop3A_584 : i32 to index
        %parallel_loop3A_586 = arith.index_cast %parallel_loop3A_568 : i32 to index
        %parallel_loop3A_587 = tpu.vector_load %arg10[%parallel_loop3A_585, %parallel_loop3A_586] {strides = array<i32>} : memref<32x768xf32, #tpu.memory_space<vmem>>, vector<16xf32>,
        %parallel_loop3A_588 = arith.mulf %parallel_loop3A_587, %parallel_loop3A_571 : vector<16xf32>
        %parallel_loop3A_589 = arith.addf %parallel_loop3A_583, %parallel_loop3A_588 : vector<16xf32>
        %parallel_loop3A_590 = arith.constant 3 : i32
        %parallel_loop3A_591 = arith.index_cast %parallel_loop3A_590 : i32 to index
        %parallel_loop3A_592 = arith.index_cast %parallel_loop3A_568 : i32 to index
        %parallel_loop3A_593 = tpu.vector_load %arg10[%parallel_loop3A_591, %parallel_loop3A_592] {strides = array<i32>} : memref<32x768xf32, #tpu.memory_space<vmem>>, vector<16xf32>,
        %parallel_loop3A_594 = arith.mulf %parallel_loop3A_593, %parallel_loop3A_571 : vector<16xf32>
        %parallel_loop3A_595 = arith.addf %parallel_loop3A_589, %parallel_loop3A_594 : vector<16xf32>
        %parallel_loop3A_596 = arith.constant 4 : i32
        %parallel_loop3A_597 = arith.index_cast %parallel_loop3A_596 : i32 to index
        %parallel_loop3A_598 = arith.index_cast %parallel_loop3A_568 : i32 to index
        %parallel_loop3A_599 = tpu.vector_load %arg10[%parallel_loop3A_597, %parallel_loop3A_598] {strides = array<i32>} : memref<32x768xf32, #tpu.memory_space<vmem>>, vector<16xf32>,
        %parallel_loop3A_600 = arith.mulf %parallel_loop3A_599, %parallel_loop3A_571 : vector<16xf32>
        %parallel_loop3A_601 = arith.addf %parallel_loop3A_595, %parallel_loop3A_600 : vector<16xf32>
        %parallel_loop3A_602 = arith.constant 5 : i32
        %parallel_loop3A_603 = arith.index_cast %parallel_loop3A_602 : i32 to index
        %parallel_loop3A_604 = arith.index_cast %parallel_loop3A_568 : i32 to index
        %parallel_loop3A_605 = tpu.vector_load %arg10[%parallel_loop3A_603, %parallel_loop3A_604] {strides = array<i32>} : memref<32x768xf32, #tpu.memory_space<vmem>>, vector<16xf32>,
        %parallel_loop3A_606 = arith.mulf %parallel_loop3A_605, %parallel_loop3A_571 : vector<16xf32>
        %parallel_loop3A_607 = arith.addf %parallel_loop3A_601, %parallel_loop3A_606 : vector<16xf32>
        %parallel_loop3A_608 = arith.constant 6 : i32
        %parallel_loop3A_609 = arith.index_cast %parallel_loop3A_608 : i32 to index
        %parallel_loop3A_610 = arith.index_cast %parallel_loop3A_568 : i32 to index
        %parallel_loop3A_611 = tpu.vector_load %arg10[%parallel_loop3A_609, %parallel_loop3A_610] {strides = array<i32>} : memref<32x768xf32, #tpu.memory_space<vmem>>, vector<16xf32>,
        %parallel_loop3A_612 = arith.mulf %parallel_loop3A_611, %parallel_loop3A_571 : vector<16xf32>
        %parallel_loop3A_613 = arith.addf %parallel_loop3A_607, %parallel_loop3A_612 : vector<16xf32>
        %parallel_loop3A_614 = arith.constant 7 : i32
        %parallel_loop3A_615 = arith.index_cast %parallel_loop3A_614 : i32 to index
        %parallel_loop3A_616 = arith.index_cast %parallel_loop3A_568 : i32 to index
        %parallel_loop3A_617 = tpu.vector_load %arg10[%parallel_loop3A_615, %parallel_loop3A_616] {strides = array<i32>} : memref<32x768xf32, #tpu.memory_space<vmem>>, vector<16xf32>,
        %parallel_loop3A_618 = arith.mulf %parallel_loop3A_617, %parallel_loop3A_571 : vector<16xf32>
        %parallel_loop3A_619 = arith.addf %parallel_loop3A_613, %parallel_loop3A_618 : vector<16xf32>
        %parallel_loop3A_620 = arith.constant 8 : i32
        %parallel_loop3A_621 = arith.index_cast %parallel_loop3A_620 : i32 to index
        %parallel_loop3A_622 = arith.index_cast %parallel_loop3A_568 : i32 to index
        %parallel_loop3A_623 = tpu.vector_load %arg10[%parallel_loop3A_621, %parallel_loop3A_622] {strides = array<i32>} : memref<32x768xf32, #tpu.memory_space<vmem>>, vector<16xf32>,
        %parallel_loop3A_624 = arith.mulf %parallel_loop3A_623, %parallel_loop3A_571 : vector<16xf32>
        %parallel_loop3A_625 = arith.addf %parallel_loop3A_564, %parallel_loop3A_624 : vector<16xf32>
        %parallel_loop3A_626 = arith.constant 9 : i32
        %parallel_loop3A_627 = arith.index_cast %parallel_loop3A_626 : i32 to index
        %parallel_loop3A_628 = arith.index_cast %parallel_loop3A_568 : i32 to index
        %parallel_loop3A_629 = tpu.vector_load %arg10[%parallel_loop3A_627, %parallel_loop3A_628] {strides = array<i32>} : memref<32x768xf32, #tpu.memory_space<vmem>>, vector<16xf32>,
        %parallel_loop3A_630 = arith.mulf %parallel_loop3A_629, %parallel_loop3A_571 : vector<16xf32>
        %parallel_loop3A_631 = arith.addf %parallel_loop3A_625, %parallel_loop3A_630 : vector<16xf32>
        %parallel_loop3A_632 = arith.constant 10 : i32
        %parallel_loop3A_633 = arith.index_cast %parallel_loop3A_632 : i32 to index
        %parallel_loop3A_634 = arith.index_cast %parallel_loop3A_568 : i32 to index
        %parallel_loop3A_635 = tpu.vector_load %arg10[%parallel_loop3A_633, %parallel_loop3A_634] {strides = array<i32>} : memref<32x768xf32, #tpu.memory_space<vmem>>, vector<16xf32>,
        %parallel_loop3A_636 = arith.mulf %parallel_loop3A_635, %parallel_loop3A_571 : vector<16xf32>
        %parallel_loop3A_637 = arith.addf %parallel_loop3A_631, %parallel_loop3A_636 : vector<16xf32>
        %parallel_loop3A_638 = arith.constant 11 : i32
        %parallel_loop3A_639 = arith.index_cast %parallel_loop3A_638 : i32 to index
        %parallel_loop3A_640 = arith.index_cast %parallel_loop3A_568 : i32 to index
        %parallel_loop3A_641 = tpu.vector_load %arg10[%parallel_loop3A_639, %parallel_loop3A_640] {strides = array<i32>} : memref<32x768xf32, #tpu.memory_space<vmem>>, vector<16xf32>,
        %parallel_loop3A_642 = arith.mulf %parallel_loop3A_641, %parallel_loop3A_571 : vector<16xf32>
        %parallel_loop3A_643 = arith.addf %parallel_loop3A_637, %parallel_loop3A_642 : vector<16xf32>
        %parallel_loop3A_644 = arith.constant 12 : i32
        %parallel_loop3A_645 = arith.index_cast %parallel_loop3A_644 : i32 to index
        %parallel_loop3A_646 = arith.index_cast %parallel_loop3A_568 : i32 to index
        %parallel_loop3A_647 = tpu.vector_load %arg10[%parallel_loop3A_645, %parallel_loop3A_646] {strides = array<i32>} : memref<32x768xf32, #tpu.memory_space<vmem>>, vector<16xf32>,
        %parallel_loop3A_648 = arith.mulf %parallel_loop3A_647, %parallel_loop3A_571 : vector<16xf32>
        %parallel_loop3A_649 = arith.addf %parallel_loop3A_643, %parallel_loop3A_648 : vector<16xf32>
        %parallel_loop3A_650 = arith.constant 13 : i32
        %parallel_loop3A_651 = arith.index_cast %parallel_loop3A_650 : i32 to index
        %parallel_loop3A_652 = arith.index_cast %parallel_loop3A_568 : i32 to index
        %parallel_loop3A_653 = tpu.vector_load %arg10[%parallel_loop3A_651, %parallel_loop3A_652] {strides = array<i32>} : memref<32x768xf32, #tpu.memory_space<vmem>>, vector<16xf32>,
        %parallel_loop3A_654 = arith.mulf %parallel_loop3A_653, %parallel_loop3A_571 : vector<16xf32>
        %parallel_loop3A_655 = arith.addf %parallel_loop3A_649, %parallel_loop3A_654 : vector<16xf32>
        %parallel_loop3A_656 = arith.constant 14 : i32
        %parallel_loop3A_657 = arith.index_cast %parallel_loop3A_656 : i32 to index
        %parallel_loop3A_658 = arith.index_cast %parallel_loop3A_568 : i32 to index
        %parallel_loop3A_659 = tpu.vector_load %arg10[%parallel_loop3A_657, %parallel_loop3A_658] {strides = array<i32>} : memref<32x768xf32, #tpu.memory_space<vmem>>, vector<16xf32>,
        %parallel_loop3A_660 = arith.mulf %parallel_loop3A_659, %parallel_loop3A_571 : vector<16xf32>
        %parallel_loop3A_661 = arith.addf %parallel_loop3A_655, %parallel_loop3A_660 : vector<16xf32>
        %parallel_loop3A_662 = arith.constant 15 : i32
        %parallel_loop3A_663 = arith.index_cast %parallel_loop3A_662 : i32 to index
        %parallel_loop3A_664 = arith.index_cast %parallel_loop3A_568 : i32 to index
        %parallel_loop3A_665 = tpu.vector_load %arg10[%parallel_loop3A_663, %parallel_loop3A_664] {strides = array<i32>} : memref<32x768xf32, #tpu.memory_space<vmem>>, vector<16xf32>,
        %parallel_loop3A_666 = arith.mulf %parallel_loop3A_665, %parallel_loop3A_571 : vector<16xf32>
        %parallel_loop3A_667 = arith.addf %parallel_loop3A_661, %parallel_loop3A_666 : vector<16xf32>
        %parallel_loop3A_668 = arith.constant 16 : i32
        %parallel_loop3A_669 = arith.index_cast %parallel_loop3A_668 : i32 to index
        %parallel_loop3A_670 = arith.index_cast %parallel_loop3A_568 : i32 to index
        %parallel_loop3A_671 = tpu.vector_load %arg10[%parallel_loop3A_669, %parallel_loop3A_670] {strides = array<i32>} : memref<32x768xf32, #tpu.memory_space<vmem>>, vector<16xf32>,
        %parallel_loop3A_672 = arith.mulf %parallel_loop3A_671, %parallel_loop3A_571 : vector<16xf32>
        %parallel_loop3A_673 = arith.addf %parallel_loop3A_565, %parallel_loop3A_672 : vector<16xf32>
        %parallel_loop3A_674 = arith.constant 17 : i32
        %parallel_loop3A_675 = arith.index_cast %parallel_loop3A_674 : i32 to index
        %parallel_loop3A_676 = arith.index_cast %parallel_loop3A_568 : i32 to index
        %parallel_loop3A_677 = tpu.vector_load %arg10[%parallel_loop3A_675, %parallel_loop3A_676] {strides = array<i32>} : memref<32x768xf32, #tpu.memory_space<vmem>>, vector<16xf32>,
        %parallel_loop3A_678 = arith.mulf %parallel_loop3A_677, %parallel_loop3A_571 : vector<16xf32>
        %parallel_loop3A_679 = arith.addf %parallel_loop3A_673, %parallel_loop3A_678 : vector<16xf32>
        %parallel_loop3A_680 = arith.constant 18 : i32
        %parallel_loop3A_681 = arith.index_cast %parallel_loop3A_680 : i32 to index
        %parallel_loop3A_682 = arith.index_cast %parallel_loop3A_568 : i32 to index
        %parallel_loop3A_683 = tpu.vector_load %arg10[%parallel_loop3A_681, %parallel_loop3A_682] {strides = array<i32>} : memref<32x768xf32, #tpu.memory_space<vmem>>, vector<16xf32>,
        %parallel_loop3A_684 = arith.mulf %parallel_loop3A_683, %parallel_loop3A_571 : vector<16xf32>
        %parallel_loop3A_685 = arith.addf %parallel_loop3A_679, %parallel_loop3A_684 : vector<16xf32>
        %parallel_loop3A_686 = arith.constant 19 : i32
        %parallel_loop3A_687 = arith.index_cast %parallel_loop3A_686 : i32 to index
        %parallel_loop3A_688 = arith.index_cast %parallel_loop3A_568 : i32 to index
        %parallel_loop3A_689 = tpu.vector_load %arg10[%parallel_loop3A_687, %parallel_loop3A_688] {strides = array<i32>} : memref<32x768xf32, #tpu.memory_space<vmem>>, vector<16xf32>,
        %parallel_loop3A_690 = arith.mulf %parallel_loop3A_689, %parallel_loop3A_571 : vector<16xf32>
        %parallel_loop3A_691 = arith.addf %parallel_loop3A_685, %parallel_loop3A_690 : vector<16xf32>
        %parallel_loop3A_692 = arith.constant 20 : i32
        %parallel_loop3A_693 = arith.index_cast %parallel_loop3A_692 : i32 to index
        %parallel_loop3A_694 = arith.index_cast %parallel_loop3A_568 : i32 to index
        %parallel_loop3A_695 = tpu.vector_load %arg10[%parallel_loop3A_693, %parallel_loop3A_694] {strides = array<i32>} : memref<32x768xf32, #tpu.memory_space<vmem>>, vector<16xf32>,
        %parallel_loop3A_696 = arith.mulf %parallel_loop3A_695, %parallel_loop3A_571 : vector<16xf32>
        %parallel_loop3A_697 = arith.addf %parallel_loop3A_691, %parallel_loop3A_696 : vector<16xf32>
        %parallel_loop3A_698 = arith.constant 21 : i32
        %parallel_loop3A_699 = arith.index_cast %parallel_loop3A_698 : i32 to index
        %parallel_loop3A_700 = arith.index_cast %parallel_loop3A_568 : i32 to index
        %parallel_loop3A_701 = tpu.vector_load %arg10[%parallel_loop3A_699, %parallel_loop3A_700] {strides = array<i32>} : memref<32x768xf32, #tpu.memory_space<vmem>>, vector<16xf32>,
        %parallel_loop3A_702 = arith.mulf %parallel_loop3A_701, %parallel_loop3A_571 : vector<16xf32>
        %parallel_loop3A_703 = arith.addf %parallel_loop3A_697, %parallel_loop3A_702 : vector<16xf32>
        %parallel_loop3A_704 = arith.constant 22 : i32
        %parallel_loop3A_705 = arith.index_cast %parallel_loop3A_704 : i32 to index
        %parallel_loop3A_706 = arith.index_cast %parallel_loop3A_568 : i32 to index
        %parallel_loop3A_707 = tpu.vector_load %arg10[%parallel_loop3A_705, %parallel_loop3A_706] {strides = array<i32>} : memref<32x768xf32, #tpu.memory_space<vmem>>, vector<16xf32>,
        %parallel_loop3A_708 = arith.mulf %parallel_loop3A_707, %parallel_loop3A_571 : vector<16xf32>
        %parallel_loop3A_709 = arith.addf %parallel_loop3A_703, %parallel_loop3A_708 : vector<16xf32>
        %parallel_loop3A_710 = arith.constant 23 : i32
        %parallel_loop3A_711 = arith.index_cast %parallel_loop3A_710 : i32 to index
        %parallel_loop3A_712 = arith.index_cast %parallel_loop3A_568 : i32 to index
        %parallel_loop3A_713 = tpu.vector_load %arg10[%parallel_loop3A_711, %parallel_loop3A_712] {strides = array<i32>} : memref<32x768xf32, #tpu.memory_space<vmem>>, vector<16xf32>,
        %parallel_loop3A_714 = arith.mulf %parallel_loop3A_713, %parallel_loop3A_571 : vector<16xf32>
        %parallel_loop3A_715 = arith.addf %parallel_loop3A_709, %parallel_loop3A_714 : vector<16xf32>
        %parallel_loop3A_716 = arith.constant 24 : i32
        %parallel_loop3A_717 = arith.index_cast %parallel_loop3A_716 : i32 to index
        %parallel_loop3A_718 = arith.index_cast %parallel_loop3A_568 : i32 to index
        %parallel_loop3A_719 = tpu.vector_load %arg10[%parallel_loop3A_717, %parallel_loop3A_718] {strides = array<i32>} : memref<32x768xf32, #tpu.memory_space<vmem>>, vector<16xf32>,
        %parallel_loop3A_720 = arith.mulf %parallel_loop3A_719, %parallel_loop3A_571 : vector<16xf32>
        %parallel_loop3A_721 = arith.addf %parallel_loop3A_566, %parallel_loop3A_720 : vector<16xf32>
        %parallel_loop3A_722 = arith.constant 25 : i32
        %parallel_loop3A_723 = arith.index_cast %parallel_loop3A_722 : i32 to index
        %parallel_loop3A_724 = arith.index_cast %parallel_loop3A_568 : i32 to index
        %parallel_loop3A_725 = tpu.vector_load %arg10[%parallel_loop3A_723, %parallel_loop3A_724] {strides = array<i32>} : memref<32x768xf32, #tpu.memory_space<vmem>>, vector<16xf32>,
        %parallel_loop3A_726 = arith.mulf %parallel_loop3A_725, %parallel_loop3A_571 : vector<16xf32>
        %parallel_loop3A_727 = arith.addf %parallel_loop3A_721, %parallel_loop3A_726 : vector<16xf32>
        %parallel_loop3A_728 = arith.constant 26 : i32
        %parallel_loop3A_729 = arith.index_cast %parallel_loop3A_728 : i32 to index
        %parallel_loop3A_730 = arith.index_cast %parallel_loop3A_568 : i32 to index
        %parallel_loop3A_731 = tpu.vector_load %arg10[%parallel_loop3A_729, %parallel_loop3A_730] {strides = array<i32>} : memref<32x768xf32, #tpu.memory_space<vmem>>, vector<16xf32>,
        %parallel_loop3A_732 = arith.mulf %parallel_loop3A_731, %parallel_loop3A_571 : vector<16xf32>
        %parallel_loop3A_733 = arith.addf %parallel_loop3A_727, %parallel_loop3A_732 : vector<16xf32>
        %parallel_loop3A_734 = arith.constant 27 : i32
        %parallel_loop3A_735 = arith.index_cast %parallel_loop3A_734 : i32 to index
        %parallel_loop3A_736 = arith.index_cast %parallel_loop3A_568 : i32 to index
        %parallel_loop3A_737 = tpu.vector_load %arg10[%parallel_loop3A_735, %parallel_loop3A_736] {strides = array<i32>} : memref<32x768xf32, #tpu.memory_space<vmem>>, vector<16xf32>,
        %parallel_loop3A_738 = arith.mulf %parallel_loop3A_737, %parallel_loop3A_571 : vector<16xf32>
        %parallel_loop3A_739 = arith.addf %parallel_loop3A_733, %parallel_loop3A_738 : vector<16xf32>
        %parallel_loop3A_740 = arith.constant 28 : i32
        %parallel_loop3A_741 = arith.index_cast %parallel_loop3A_740 : i32 to index
        %parallel_loop3A_742 = arith.index_cast %parallel_loop3A_568 : i32 to index
        %parallel_loop3A_743 = tpu.vector_load %arg10[%parallel_loop3A_741, %parallel_loop3A_742] {strides = array<i32>} : memref<32x768xf32, #tpu.memory_space<vmem>>, vector<16xf32>,
        %parallel_loop3A_744 = arith.mulf %parallel_loop3A_743, %parallel_loop3A_571 : vector<16xf32>
        %parallel_loop3A_745 = arith.addf %parallel_loop3A_739, %parallel_loop3A_744 : vector<16xf32>
        %parallel_loop3A_746 = arith.constant 29 : i32
        %parallel_loop3A_747 = arith.index_cast %parallel_loop3A_746 : i32 to index
        %parallel_loop3A_748 = arith.index_cast %parallel_loop3A_568 : i32 to index
        %parallel_loop3A_749 = tpu.vector_load %arg10[%parallel_loop3A_747, %parallel_loop3A_748] {strides = array<i32>} : memref<32x768xf32, #tpu.memory_space<vmem>>, vector<16xf32>,
        %parallel_loop3A_750 = arith.mulf %parallel_loop3A_749, %parallel_loop3A_571 : vector<16xf32>
        %parallel_loop3A_751 = arith.addf %parallel_loop3A_745, %parallel_loop3A_750 : vector<16xf32>
        %parallel_loop3A_752 = arith.constant 30 : i32
        %parallel_loop3A_753 = arith.index_cast %parallel_loop3A_752 : i32 to index
        %parallel_loop3A_754 = arith.index_cast %parallel_loop3A_568 : i32 to index
        %parallel_loop3A_755 = tpu.vector_load %arg10[%parallel_loop3A_753, %parallel_loop3A_754] {strides = array<i32>} : memref<32x768xf32, #tpu.memory_space<vmem>>, vector<16xf32>,
        %parallel_loop3A_756 = arith.mulf %parallel_loop3A_755, %parallel_loop3A_571 : vector<16xf32>
        %parallel_loop3A_757 = arith.addf %parallel_loop3A_751, %parallel_loop3A_756 : vector<16xf32>
        %parallel_loop3A_758 = arith.constant 31 : i32
        %parallel_loop3A_759 = arith.index_cast %parallel_loop3A_758 : i32 to index
        %parallel_loop3A_760 = arith.index_cast %parallel_loop3A_568 : i32 to index
        %parallel_loop3A_761 = tpu.vector_load %arg10[%parallel_loop3A_759, %parallel_loop3A_760] {strides = array<i32>} : memref<32x768xf32, #tpu.memory_space<vmem>>, vector<16xf32>,
        %parallel_loop3A_762 = arith.mulf %parallel_loop3A_761, %parallel_loop3A_571 : vector<16xf32>
        %parallel_loop3A_763 = arith.addf %parallel_loop3A_757, %parallel_loop3A_762 : vector<16xf32>
        scf.yield %parallel_loop3A_619, %parallel_loop3A_667, %parallel_loop3A_715, %parallel_loop3A_763 : vector<16xf32>, vector<16xf32>, vector<16xf32>, vector<16xf32>
      } {sc.loop_unroll_factor = 4 : i64, sc.parallel_access}
      %broadcast_in_dim3A_179 = arith.constant -1.000000e+30 : f32
      %broadcast_in_dim3A_180 = vector.broadcast %broadcast_in_dim3A_179 : f32 to vector<16xf32>
      %eq3A_181 = arith.constant 0 : i32
      %eq3A_182 = vector.broadcast %eq3A_181 : i32 to vector<16xi32>
      %eq3A_183 = arith.cmpi eq, %iota3A, %eq3A_182 : vector<16xi32>
      %xor3A_184 = arith.constant 8 : i32
      %xor3A_185 = vector.broadcast %xor3A_184 : i32 to vector<16xi32>
      %xor3A_186 = arith.xori %iota3A, %xor3A_185 : vector<16xi32>
      %broadcast_in_dim3A_187 = vector.shape_cast %xor3A_186 : vector<16xi32> to vector<16x1xi32>
      %gather3A_188 = vector.shape_cast %broadcast_in_dim3A_187 : vector<16x1xi32> to vector<16xi32>
      %gather3A_189 = tpu.dynamic_gather %parallel_loop3A_165#0[%gather3A_188] in [0] : vector<16xf32>, vector<16xi32> -> vector<16xf32>
      %add3A_190 = arith.addf %parallel_loop3A_165#0, %gather3A_189 : vector<16xf32>
      %xor3A_191 = arith.constant 4 : i32
      %xor3A_192 = vector.broadcast %xor3A_191 : i32 to vector<16xi32>
      %xor3A_193 = arith.xori %iota3A, %xor3A_192 : vector<16xi32>
      %broadcast_in_dim3A_194 = vector.shape_cast %xor3A_193 : vector<16xi32> to vector<16x1xi32>
      %gather3A_195 = vector.shape_cast %broadcast_in_dim3A_194 : vector<16x1xi32> to vector<16xi32>
      %gather3A_196 = tpu.dynamic_gather %add3A_190[%gather3A_195] in [0] : vector<16xf32>, vector<16xi32> -> vector<16xf32>
      %add3A_197 = arith.addf %add3A_190, %gather3A_196 : vector<16xf32>
      %xor3A_198 = arith.constant 2 : i32
      %xor3A_199 = vector.broadcast %xor3A_198 : i32 to vector<16xi32>
      %xor3A_200 = arith.xori %iota3A, %xor3A_199 : vector<16xi32>
      %broadcast_in_dim3A_201 = vector.shape_cast %xor3A_200 : vector<16xi32> to vector<16x1xi32>
      %gather3A_202 = vector.shape_cast %broadcast_in_dim3A_201 : vector<16x1xi32> to vector<16xi32>
      %gather3A_203 = tpu.dynamic_gather %add3A_197[%gather3A_202] in [0] : vector<16xf32>, vector<16xi32> -> vector<16xf32>
      %add3A_204 = arith.addf %add3A_197, %gather3A_203 : vector<16xf32>
      %xor3A_205 = arith.constant 1 : i32
      %xor3A_206 = vector.broadcast %xor3A_205 : i32 to vector<16xi32>
      %xor3A_207 = arith.xori %iota3A, %xor3A_206 : vector<16xi32>
      %broadcast_in_dim3A_208 = vector.shape_cast %xor3A_207 : vector<16xi32> to vector<16x1xi32>
      %gather3A_209 = vector.shape_cast %broadcast_in_dim3A_208 : vector<16x1xi32> to vector<16xi32>
      %gather3A_210 = tpu.dynamic_gather %add3A_204[%gather3A_209] in [0] : vector<16xf32>, vector<16xi32> -> vector<16xf32>
      %add3A_211 = arith.addf %add3A_204, %gather3A_210 : vector<16xf32>
      %mul3A_212 = arith.constant 1.250000e-01 : f32
      %mul3A_213 = vector.broadcast %mul3A_212 : f32 to vector<16xf32>
      %mul3A_214 = arith.mulf %add3A_211, %mul3A_213 : vector<16xf32>
      %select_n3A_215 = arith.select %eq3A_183, %mul3A_214, %broadcast_in_dim3A_180 : vector<16xi1>, vector<16xf32>
      %eq3A_216 = arith.constant 1 : i32
      %eq3A_217 = vector.broadcast %eq3A_216 : i32 to vector<16xi32>
      %eq3A_218 = arith.cmpi eq, %iota3A, %eq3A_217 : vector<16xi32>
      %xor3A_219 = arith.constant 8 : i32
      %xor3A_220 = vector.broadcast %xor3A_219 : i32 to vector<16xi32>
      %xor3A_221 = arith.xori %iota3A, %xor3A_220 : vector<16xi32>
      %broadcast_in_dim3A_222 = vector.shape_cast %xor3A_221 : vector<16xi32> to vector<16x1xi32>
      %gather3A_223 = vector.shape_cast %broadcast_in_dim3A_222 : vector<16x1xi32> to vector<16xi32>
      %gather3A_224 = tpu.dynamic_gather %parallel_loop3A_165#1[%gather3A_223] in [0] : vector<16xf32>, vector<16xi32> -> vector<16xf32>
      %add3A_225 = arith.addf %parallel_loop3A_165#1, %gather3A_224 : vector<16xf32>
      %xor3A_226 = arith.constant 4 : i32
      %xor3A_227 = vector.broadcast %xor3A_226 : i32 to vector<16xi32>
      %xor3A_228 = arith.xori %iota3A, %xor3A_227 : vector<16xi32>
      %broadcast_in_dim3A_229 = vector.shape_cast %xor3A_228 : vector<16xi32> to vector<16x1xi32>
      %gather3A_230 = vector.shape_cast %broadcast_in_dim3A_229 : vector<16x1xi32> to vector<16xi32>
      %gather3A_231 = tpu.dynamic_gather %add3A_225[%gather3A_230] in [0] : vector<16xf32>, vector<16xi32> -> vector<16xf32>
      %add3A_232 = arith.addf %add3A_225, %gather3A_231 : vector<16xf32>
      %xor3A_233 = arith.constant 2 : i32
      %xor3A_234 = vector.broadcast %xor3A_233 : i32 to vector<16xi32>
      %xor3A_235 = arith.xori %iota3A, %xor3A_234 : vector<16xi32>
      %broadcast_in_dim3A_236 = vector.shape_cast %xor3A_235 : vector<16xi32> to vector<16x1xi32>
      %gather3A_237 = vector.shape_cast %broadcast_in_dim3A_236 : vector<16x1xi32> to vector<16xi32>
      %gather3A_238 = tpu.dynamic_gather %add3A_232[%gather3A_237] in [0] : vector<16xf32>, vector<16xi32> -> vector<16xf32>
      %add3A_239 = arith.addf %add3A_232, %gather3A_238 : vector<16xf32>
      %xor3A_240 = arith.constant 1 : i32
      %xor3A_241 = vector.broadcast %xor3A_240 : i32 to vector<16xi32>
      %xor3A_242 = arith.xori %iota3A, %xor3A_241 : vector<16xi32>
      %broadcast_in_dim3A_243 = vector.shape_cast %xor3A_242 : vector<16xi32> to vector<16x1xi32>
      %gather3A_244 = vector.shape_cast %broadcast_in_dim3A_243 : vector<16x1xi32> to vector<16xi32>
      %gather3A_245 = tpu.dynamic_gather %add3A_239[%gather3A_244] in [0] : vector<16xf32>, vector<16xi32> -> vector<16xf32>
      %add3A_246 = arith.addf %add3A_239, %gather3A_245 : vector<16xf32>
      %mul3A_247 = arith.constant 1.250000e-01 : f32
      %mul3A_248 = vector.broadcast %mul3A_247 : f32 to vector<16xf32>
      %mul3A_249 = arith.mulf %add3A_246, %mul3A_248 : vector<16xf32>
      %select_n3A_250 = arith.select %eq3A_218, %mul3A_249, %select_n3A_215 : vector<16xi1>, vector<16xf32>
      %eq3A_251 = arith.constant 2 : i32
      %eq3A_252 = vector.broadcast %eq3A_251 : i32 to vector<16xi32>
      %eq3A_253 = arith.cmpi eq, %iota3A, %eq3A_252 : vector<16xi32>
      %xor3A_254 = arith.constant 8 : i32
      %xor3A_255 = vector.broadcast %xor3A_254 : i32 to vector<16xi32>
      %xor3A_256 = arith.xori %iota3A, %xor3A_255 : vector<16xi32>
      %broadcast_in_dim3A_257 = vector.shape_cast %xor3A_256 : vector<16xi32> to vector<16x1xi32>
      %gather3A_258 = vector.shape_cast %broadcast_in_dim3A_257 : vector<16x1xi32> to vector<16xi32>
      %gather3A_259 = tpu.dynamic_gather %parallel_loop3A_165#2[%gather3A_258] in [0] : vector<16xf32>, vector<16xi32> -> vector<16xf32>
      %add3A_260 = arith.addf %parallel_loop3A_165#2, %gather3A_259 : vector<16xf32>
      %xor3A_261 = arith.constant 4 : i32
      %xor3A_262 = vector.broadcast %xor3A_261 : i32 to vector<16xi32>
      %xor3A_263 = arith.xori %iota3A, %xor3A_262 : vector<16xi32>
      %broadcast_in_dim3A_264 = vector.shape_cast %xor3A_263 : vector<16xi32> to vector<16x1xi32>
      %gather3A_265 = vector.shape_cast %broadcast_in_dim3A_264 : vector<16x1xi32> to vector<16xi32>
      %gather3A_266 = tpu.dynamic_gather %add3A_260[%gather3A_265] in [0] : vector<16xf32>, vector<16xi32> -> vector<16xf32>
      %add3A_267 = arith.addf %add3A_260, %gather3A_266 : vector<16xf32>
      %xor3A_268 = arith.constant 2 : i32
      %xor3A_269 = vector.broadcast %xor3A_268 : i32 to vector<16xi32>
      %xor3A_270 = arith.xori %iota3A, %xor3A_269 : vector<16xi32>
      %broadcast_in_dim3A_271 = vector.shape_cast %xor3A_270 : vector<16xi32> to vector<16x1xi32>
      %gather3A_272 = vector.shape_cast %broadcast_in_dim3A_271 : vector<16x1xi32> to vector<16xi32>
      %gather3A_273 = tpu.dynamic_gather %add3A_267[%gather3A_272] in [0] : vector<16xf32>, vector<16xi32> -> vector<16xf32>
      %add3A_274 = arith.addf %add3A_267, %gather3A_273 : vector<16xf32>
      %xor3A_275 = arith.constant 1 : i32
      %xor3A_276 = vector.broadcast %xor3A_275 : i32 to vector<16xi32>
      %xor3A_277 = arith.xori %iota3A, %xor3A_276 : vector<16xi32>
      %broadcast_in_dim3A_278 = vector.shape_cast %xor3A_277 : vector<16xi32> to vector<16x1xi32>
      %gather3A_279 = vector.shape_cast %broadcast_in_dim3A_278 : vector<16x1xi32> to vector<16xi32>
      %gather3A_280 = tpu.dynamic_gather %add3A_274[%gather3A_279] in [0] : vector<16xf32>, vector<16xi32> -> vector<16xf32>
      %add3A_281 = arith.addf %add3A_274, %gather3A_280 : vector<16xf32>
      %mul3A_282 = arith.constant 1.250000e-01 : f32
      %mul3A_283 = vector.broadcast %mul3A_282 : f32 to vector<16xf32>
      %mul3A_284 = arith.mulf %add3A_281, %mul3A_283 : vector<16xf32>
      %select_n3A_285 = arith.select %eq3A_253, %mul3A_284, %select_n3A_250 : vector<16xi1>, vector<16xf32>
      %eq3A_286 = arith.constant 3 : i32
      %eq3A_287 = vector.broadcast %eq3A_286 : i32 to vector<16xi32>
      %eq3A_288 = arith.cmpi eq, %iota3A, %eq3A_287 : vector<16xi32>
      %xor3A_289 = arith.constant 8 : i32
      %xor3A_290 = vector.broadcast %xor3A_289 : i32 to vector<16xi32>
      %xor3A_291 = arith.xori %iota3A, %xor3A_290 : vector<16xi32>
      %broadcast_in_dim3A_292 = vector.shape_cast %xor3A_291 : vector<16xi32> to vector<16x1xi32>
      %gather3A_293 = vector.shape_cast %broadcast_in_dim3A_292 : vector<16x1xi32> to vector<16xi32>
      %gather3A_294 = tpu.dynamic_gather %parallel_loop3A_165#3[%gather3A_293] in [0] : vector<16xf32>, vector<16xi32> -> vector<16xf32>
      %add3A_295 = arith.addf %parallel_loop3A_165#3, %gather3A_294 : vector<16xf32>
      %xor3A_296 = arith.constant 4 : i32
      %xor3A_297 = vector.broadcast %xor3A_296 : i32 to vector<16xi32>
      %xor3A_298 = arith.xori %iota3A, %xor3A_297 : vector<16xi32>
      %broadcast_in_dim3A_299 = vector.shape_cast %xor3A_298 : vector<16xi32> to vector<16x1xi32>
      %gather3A_300 = vector.shape_cast %broadcast_in_dim3A_299 : vector<16x1xi32> to vector<16xi32>
      %gather3A_301 = tpu.dynamic_gather %add3A_295[%gather3A_300] in [0] : vector<16xf32>, vector<16xi32> -> vector<16xf32>
      %add3A_302 = arith.addf %add3A_295, %gather3A_301 : vector<16xf32>
      %xor3A_303 = arith.constant 2 : i32
      %xor3A_304 = vector.broadcast %xor3A_303 : i32 to vector<16xi32>
      %xor3A_305 = arith.xori %iota3A, %xor3A_304 : vector<16xi32>
      %broadcast_in_dim3A_306 = vector.shape_cast %xor3A_305 : vector<16xi32> to vector<16x1xi32>
      %gather3A_307 = vector.shape_cast %broadcast_in_dim3A_306 : vector<16x1xi32> to vector<16xi32>
      %gather3A_308 = tpu.dynamic_gather %add3A_302[%gather3A_307] in [0] : vector<16xf32>, vector<16xi32> -> vector<16xf32>
      %add3A_309 = arith.addf %add3A_302, %gather3A_308 : vector<16xf32>
      %xor3A_310 = arith.constant 1 : i32
      %xor3A_311 = vector.broadcast %xor3A_310 : i32 to vector<16xi32>
      %xor3A_312 = arith.xori %iota3A, %xor3A_311 : vector<16xi32>
      %broadcast_in_dim3A_313 = vector.shape_cast %xor3A_312 : vector<16xi32> to vector<16x1xi32>
      %gather3A_314 = vector.shape_cast %broadcast_in_dim3A_313 : vector<16x1xi32> to vector<16xi32>
      %gather3A_315 = tpu.dynamic_gather %add3A_309[%gather3A_314] in [0] : vector<16xf32>, vector<16xi32> -> vector<16xf32>
      %add3A_316 = arith.addf %add3A_309, %gather3A_315 : vector<16xf32>
      %mul3A_317 = arith.constant 1.250000e-01 : f32
      %mul3A_318 = vector.broadcast %mul3A_317 : f32 to vector<16xf32>
      %mul3A_319 = arith.mulf %add3A_316, %mul3A_318 : vector<16xf32>
      %select_n3A_320 = arith.select %eq3A_288, %mul3A_319, %select_n3A_285 : vector<16xi1>, vector<16xf32>
      %eq3A_321 = arith.constant 4 : i32
      %eq3A_322 = vector.broadcast %eq3A_321 : i32 to vector<16xi32>
      %eq3A_323 = arith.cmpi eq, %iota3A, %eq3A_322 : vector<16xi32>
      %xor3A_324 = arith.constant 8 : i32
      %xor3A_325 = vector.broadcast %xor3A_324 : i32 to vector<16xi32>
      %xor3A_326 = arith.xori %iota3A, %xor3A_325 : vector<16xi32>
      %broadcast_in_dim3A_327 = vector.shape_cast %xor3A_326 : vector<16xi32> to vector<16x1xi32>
      %gather3A_328 = vector.shape_cast %broadcast_in_dim3A_327 : vector<16x1xi32> to vector<16xi32>
      %gather3A_329 = tpu.dynamic_gather %parallel_loop3A_178#0[%gather3A_328] in [0] : vector<16xf32>, vector<16xi32> -> vector<16xf32>
      %add3A_330 = arith.addf %parallel_loop3A_178#0, %gather3A_329 : vector<16xf32>
      %xor3A_331 = arith.constant 4 : i32
      %xor3A_332 = vector.broadcast %xor3A_331 : i32 to vector<16xi32>
      %xor3A_333 = arith.xori %iota3A, %xor3A_332 : vector<16xi32>
      %broadcast_in_dim3A_334 = vector.shape_cast %xor3A_333 : vector<16xi32> to vector<16x1xi32>
      %gather3A_335 = vector.shape_cast %broadcast_in_dim3A_334 : vector<16x1xi32> to vector<16xi32>
      %gather3A_336 = tpu.dynamic_gather %add3A_330[%gather3A_335] in [0] : vector<16xf32>, vector<16xi32> -> vector<16xf32>
      %add3A_337 = arith.addf %add3A_330, %gather3A_336 : vector<16xf32>
      %xor3A_338 = arith.constant 2 : i32
      %xor3A_339 = vector.broadcast %xor3A_338 : i32 to vector<16xi32>
      %xor3A_340 = arith.xori %iota3A, %xor3A_339 : vector<16xi32>
      %broadcast_in_dim3A_341 = vector.shape_cast %xor3A_340 : vector<16xi32> to vector<16x1xi32>
      %gather3A_342 = vector.shape_cast %broadcast_in_dim3A_341 : vector<16x1xi32> to vector<16xi32>
      %gather3A_343 = tpu.dynamic_gather %add3A_337[%gather3A_342] in [0] : vector<16xf32>, vector<16xi32> -> vector<16xf32>
      %add3A_344 = arith.addf %add3A_337, %gather3A_343 : vector<16xf32>
      %xor3A_345 = arith.constant 1 : i32
      %xor3A_346 = vector.broadcast %xor3A_345 : i32 to vector<16xi32>
      %xor3A_347 = arith.xori %iota3A, %xor3A_346 : vector<16xi32>
      %broadcast_in_dim3A_348 = vector.shape_cast %xor3A_347 : vector<16xi32> to vector<16x1xi32>
      %gather3A_349 = vector.shape_cast %broadcast_in_dim3A_348 : vector<16x1xi32> to vector<16xi32>
      %gather3A_350 = tpu.dynamic_gather %add3A_344[%gather3A_349] in [0] : vector<16xf32>, vector<16xi32> -> vector<16xf32>
      %add3A_351 = arith.addf %add3A_344, %gather3A_350 : vector<16xf32>
      %mul3A_352 = arith.constant 1.250000e-01 : f32
      %mul3A_353 = vector.broadcast %mul3A_352 : f32 to vector<16xf32>
      %mul3A_354 = arith.mulf %add3A_351, %mul3A_353 : vector<16xf32>
      %select_n3A_355 = arith.select %eq3A_323, %mul3A_354, %select_n3A_320 : vector<16xi1>, vector<16xf32>
      %eq3A_356 = arith.constant 5 : i32
      %eq3A_357 = vector.broadcast %eq3A_356 : i32 to vector<16xi32>
      %eq3A_358 = arith.cmpi eq, %iota3A, %eq3A_357 : vector<16xi32>
      %xor3A_359 = arith.constant 8 : i32
      %xor3A_360 = vector.broadcast %xor3A_359 : i32 to vector<16xi32>
      %xor3A_361 = arith.xori %iota3A, %xor3A_360 : vector<16xi32>
      %broadcast_in_dim3A_362 = vector.shape_cast %xor3A_361 : vector<16xi32> to vector<16x1xi32>
      %gather3A_363 = vector.shape_cast %broadcast_in_dim3A_362 : vector<16x1xi32> to vector<16xi32>
      %gather3A_364 = tpu.dynamic_gather %parallel_loop3A_178#1[%gather3A_363] in [0] : vector<16xf32>, vector<16xi32> -> vector<16xf32>
      %add3A_365 = arith.addf %parallel_loop3A_178#1, %gather3A_364 : vector<16xf32>
      %xor3A_366 = arith.constant 4 : i32
      %xor3A_367 = vector.broadcast %xor3A_366 : i32 to vector<16xi32>
      %xor3A_368 = arith.xori %iota3A, %xor3A_367 : vector<16xi32>
      %broadcast_in_dim3A_369 = vector.shape_cast %xor3A_368 : vector<16xi32> to vector<16x1xi32>
      %gather3A_370 = vector.shape_cast %broadcast_in_dim3A_369 : vector<16x1xi32> to vector<16xi32>
      %gather3A_371 = tpu.dynamic_gather %add3A_365[%gather3A_370] in [0] : vector<16xf32>, vector<16xi32> -> vector<16xf32>
      %add3A_372 = arith.addf %add3A_365, %gather3A_371 : vector<16xf32>
      %xor3A_373 = arith.constant 2 : i32
      %xor3A_374 = vector.broadcast %xor3A_373 : i32 to vector<16xi32>
      %xor3A_375 = arith.xori %iota3A, %xor3A_374 : vector<16xi32>
      %broadcast_in_dim3A_376 = vector.shape_cast %xor3A_375 : vector<16xi32> to vector<16x1xi32>
      %gather3A_377 = vector.shape_cast %broadcast_in_dim3A_376 : vector<16x1xi32> to vector<16xi32>
      %gather3A_378 = tpu.dynamic_gather %add3A_372[%gather3A_377] in [0] : vector<16xf32>, vector<16xi32> -> vector<16xf32>
      %add3A_379 = arith.addf %add3A_372, %gather3A_378 : vector<16xf32>
      %xor3A_380 = arith.constant 1 : i32
      %xor3A_381 = vector.broadcast %xor3A_380 : i32 to vector<16xi32>
      %xor3A_382 = arith.xori %iota3A, %xor3A_381 : vector<16xi32>
      %broadcast_in_dim3A_383 = vector.shape_cast %xor3A_382 : vector<16xi32> to vector<16x1xi32>
      %gather3A_384 = vector.shape_cast %broadcast_in_dim3A_383 : vector<16x1xi32> to vector<16xi32>
      %gather3A_385 = tpu.dynamic_gather %add3A_379[%gather3A_384] in [0] : vector<16xf32>, vector<16xi32> -> vector<16xf32>
      %add3A_386 = arith.addf %add3A_379, %gather3A_385 : vector<16xf32>
      %mul3A_387 = arith.constant 1.250000e-01 : f32
      %mul3A_388 = vector.broadcast %mul3A_387 : f32 to vector<16xf32>
      %mul3A_389 = arith.mulf %add3A_386, %mul3A_388 : vector<16xf32>
      %select_n3A_390 = arith.select %eq3A_358, %mul3A_389, %select_n3A_355 : vector<16xi1>, vector<16xf32>
      %eq3A_391 = arith.constant 6 : i32
      %eq3A_392 = vector.broadcast %eq3A_391 : i32 to vector<16xi32>
      %eq3A_393 = arith.cmpi eq, %iota3A, %eq3A_392 : vector<16xi32>
      %xor3A_394 = arith.constant 8 : i32
      %xor3A_395 = vector.broadcast %xor3A_394 : i32 to vector<16xi32>
      %xor3A_396 = arith.xori %iota3A, %xor3A_395 : vector<16xi32>
      %broadcast_in_dim3A_397 = vector.shape_cast %xor3A_396 : vector<16xi32> to vector<16x1xi32>
      %gather3A_398 = vector.shape_cast %broadcast_in_dim3A_397 : vector<16x1xi32> to vector<16xi32>
      %gather3A_399 = tpu.dynamic_gather %parallel_loop3A_178#2[%gather3A_398] in [0] : vector<16xf32>, vector<16xi32> -> vector<16xf32>
      %add3A_400 = arith.addf %parallel_loop3A_178#2, %gather3A_399 : vector<16xf32>
      %xor3A_401 = arith.constant 4 : i32
      %xor3A_402 = vector.broadcast %xor3A_401 : i32 to vector<16xi32>
      %xor3A_403 = arith.xori %iota3A, %xor3A_402 : vector<16xi32>
      %broadcast_in_dim3A_404 = vector.shape_cast %xor3A_403 : vector<16xi32> to vector<16x1xi32>
      %gather3A_405 = vector.shape_cast %broadcast_in_dim3A_404 : vector<16x1xi32> to vector<16xi32>
      %gather3A_406 = tpu.dynamic_gather %add3A_400[%gather3A_405] in [0] : vector<16xf32>, vector<16xi32> -> vector<16xf32>
      %add3A_407 = arith.addf %add3A_400, %gather3A_406 : vector<16xf32>
      %xor3A_408 = arith.constant 2 : i32
      %xor3A_409 = vector.broadcast %xor3A_408 : i32 to vector<16xi32>
      %xor3A_410 = arith.xori %iota3A, %xor3A_409 : vector<16xi32>
      %broadcast_in_dim3A_411 = vector.shape_cast %xor3A_410 : vector<16xi32> to vector<16x1xi32>
      %gather3A_412 = vector.shape_cast %broadcast_in_dim3A_411 : vector<16x1xi32> to vector<16xi32>
      %gather3A_413 = tpu.dynamic_gather %add3A_407[%gather3A_412] in [0] : vector<16xf32>, vector<16xi32> -> vector<16xf32>
      %add3A_414 = arith.addf %add3A_407, %gather3A_413 : vector<16xf32>
      %xor3A_415 = arith.constant 1 : i32
      %xor3A_416 = vector.broadcast %xor3A_415 : i32 to vector<16xi32>
      %xor3A_417 = arith.xori %iota3A, %xor3A_416 : vector<16xi32>
      %broadcast_in_dim3A_418 = vector.shape_cast %xor3A_417 : vector<16xi32> to vector<16x1xi32>
      %gather3A_419 = vector.shape_cast %broadcast_in_dim3A_418 : vector<16x1xi32> to vector<16xi32>
      %gather3A_420 = tpu.dynamic_gather %add3A_414[%gather3A_419] in [0] : vector<16xf32>, vector<16xi32> -> vector<16xf32>
      %add3A_421 = arith.addf %add3A_414, %gather3A_420 : vector<16xf32>
      %mul3A_422 = arith.constant 1.250000e-01 : f32
      %mul3A_423 = vector.broadcast %mul3A_422 : f32 to vector<16xf32>
      %mul3A_424 = arith.mulf %add3A_421, %mul3A_423 : vector<16xf32>
      %select_n3A_425 = arith.select %eq3A_393, %mul3A_424, %select_n3A_390 : vector<16xi1>, vector<16xf32>
      %eq3A_426 = arith.constant 7 : i32
      %eq3A_427 = vector.broadcast %eq3A_426 : i32 to vector<16xi32>
      %eq3A_428 = arith.cmpi eq, %iota3A, %eq3A_427 : vector<16xi32>
      %xor3A_429 = arith.constant 8 : i32
      %xor3A_430 = vector.broadcast %xor3A_429 : i32 to vector<16xi32>
      %xor3A_431 = arith.xori %iota3A, %xor3A_430 : vector<16xi32>
      %broadcast_in_dim3A_432 = vector.shape_cast %xor3A_431 : vector<16xi32> to vector<16x1xi32>
      %gather3A_433 = vector.shape_cast %broadcast_in_dim3A_432 : vector<16x1xi32> to vector<16xi32>
      %gather3A_434 = tpu.dynamic_gather %parallel_loop3A_178#3[%gather3A_433] in [0] : vector<16xf32>, vector<16xi32> -> vector<16xf32>
      %add3A_435 = arith.addf %parallel_loop3A_178#3, %gather3A_434 : vector<16xf32>
      %xor3A_436 = arith.constant 4 : i32
      %xor3A_437 = vector.broadcast %xor3A_436 : i32 to vector<16xi32>
      %xor3A_438 = arith.xori %iota3A, %xor3A_437 : vector<16xi32>
      %broadcast_in_dim3A_439 = vector.shape_cast %xor3A_438 : vector<16xi32> to vector<16x1xi32>
      %gather3A_440 = vector.shape_cast %broadcast_in_dim3A_439 : vector<16x1xi32> to vector<16xi32>
      %gather3A_441 = tpu.dynamic_gather %add3A_435[%gather3A_440] in [0] : vector<16xf32>, vector<16xi32> -> vector<16xf32>
      %add3A_442 = arith.addf %add3A_435, %gather3A_441 : vector<16xf32>
      %xor3A_443 = arith.constant 2 : i32
      %xor3A_444 = vector.broadcast %xor3A_443 : i32 to vector<16xi32>
      %xor3A_445 = arith.xori %iota3A, %xor3A_444 : vector<16xi32>
      %broadcast_in_dim3A_446 = vector.shape_cast %xor3A_445 : vector<16xi32> to vector<16x1xi32>
      %gather3A_447 = vector.shape_cast %broadcast_in_dim3A_446 : vector<16x1xi32> to vector<16xi32>
      %gather3A_448 = tpu.dynamic_gather %add3A_442[%gather3A_447] in [0] : vector<16xf32>, vector<16xi32> -> vector<16xf32>
      %add3A_449 = arith.addf %add3A_442, %gather3A_448 : vector<16xf32>
      %xor3A_450 = arith.constant 1 : i32
      %xor3A_451 = vector.broadcast %xor3A_450 : i32 to vector<16xi32>
      %xor3A_452 = arith.xori %iota3A, %xor3A_451 : vector<16xi32>
      %broadcast_in_dim3A_453 = vector.shape_cast %xor3A_452 : vector<16xi32> to vector<16x1xi32>
      %gather3A_454 = vector.shape_cast %broadcast_in_dim3A_453 : vector<16x1xi32> to vector<16xi32>
      %gather3A_455 = tpu.dynamic_gather %add3A_449[%gather3A_454] in [0] : vector<16xf32>, vector<16xi32> -> vector<16xf32>
      %add3A_456 = arith.addf %add3A_449, %gather3A_455 : vector<16xf32>
      %mul3A_457 = arith.constant 1.250000e-01 : f32
      %mul3A_458 = vector.broadcast %mul3A_457 : f32 to vector<16xf32>
      %mul3A_459 = arith.mulf %add3A_456, %mul3A_458 : vector<16xf32>
      %select_n3A_460 = arith.select %eq3A_428, %mul3A_459, %select_n3A_425 : vector<16xi1>, vector<16xf32>
      %xor3A_461 = arith.constant 8 : i32
      %xor3A_462 = vector.broadcast %xor3A_461 : i32 to vector<16xi32>
      %xor3A_463 = arith.xori %iota3A, %xor3A_462 : vector<16xi32>
      %broadcast_in_dim3A_464 = vector.shape_cast %xor3A_463 : vector<16xi32> to vector<16x1xi32>
      %gather3A_465 = vector.shape_cast %broadcast_in_dim3A_464 : vector<16x1xi32> to vector<16xi32>
      %gather3A_466 = tpu.dynamic_gather %select_n3A_460[%gather3A_465] in [0] : vector<16xf32>, vector<16xi32> -> vector<16xf32>
      %max3A_467 = arith.maximumf %select_n3A_460, %gather3A_466 : vector<16xf32>
      %xor3A_468 = arith.constant 4 : i32
      %xor3A_469 = vector.broadcast %xor3A_468 : i32 to vector<16xi32>
      %xor3A_470 = arith.xori %iota3A, %xor3A_469 : vector<16xi32>
      %broadcast_in_dim3A_471 = vector.shape_cast %xor3A_470 : vector<16xi32> to vector<16x1xi32>
      %gather3A_472 = vector.shape_cast %broadcast_in_dim3A_471 : vector<16x1xi32> to vector<16xi32>
      %gather3A_473 = tpu.dynamic_gather %max3A_467[%gather3A_472] in [0] : vector<16xf32>, vector<16xi32> -> vector<16xf32>
      %max3A_474 = arith.maximumf %max3A_467, %gather3A_473 : vector<16xf32>
      %xor3A_475 = arith.constant 2 : i32
      %xor3A_476 = vector.broadcast %xor3A_475 : i32 to vector<16xi32>
      %xor3A_477 = arith.xori %iota3A, %xor3A_476 : vector<16xi32>
      %broadcast_in_dim3A_478 = vector.shape_cast %xor3A_477 : vector<16xi32> to vector<16x1xi32>
      %gather3A_479 = vector.shape_cast %broadcast_in_dim3A_478 : vector<16x1xi32> to vector<16xi32>
      %gather3A_480 = tpu.dynamic_gather %max3A_474[%gather3A_479] in [0] : vector<16xf32>, vector<16xi32> -> vector<16xf32>
      %max3A_481 = arith.maximumf %max3A_474, %gather3A_480 : vector<16xf32>
      %xor3A_482 = arith.constant 1 : i32
      %xor3A_483 = vector.broadcast %xor3A_482 : i32 to vector<16xi32>
      %xor3A_484 = arith.xori %iota3A, %xor3A_483 : vector<16xi32>
      %broadcast_in_dim3A_485 = vector.shape_cast %xor3A_484 : vector<16xi32> to vector<16x1xi32>
      %gather3A_486 = vector.shape_cast %broadcast_in_dim3A_485 : vector<16x1xi32> to vector<16xi32>
      %gather3A_487 = tpu.dynamic_gather %max3A_481[%gather3A_486] in [0] : vector<16xf32>, vector<16xi32> -> vector<16xf32>
      %max3A_488 = arith.maximumf %max3A_481, %gather3A_487 : vector<16xf32>
      %sub3A_489 = arith.subf %select_n3A_460, %max3A_488 : vector<16xf32>
      %exp3A = math.exp %sub3A_489 : vector<16xf32>
      %jit3A_490 = arith.constant 0.000000e+00 : f32
      %broadcast_in_dim3A_491 = vector.broadcast %jit3A_490 : f32 to vector<16xf32>
      %select_n3A_492 = arith.select %lt3A_4, %exp3A, %broadcast_in_dim3A_491 : vector<16xi1>, vector<16xf32>
      %eq3A_493 = vector.broadcast %scan3A_149 : i32 to vector<16xi32>
      %eq3A_494 = arith.cmpi eq, %iota3A, %eq3A_493 : vector<16xi32>
      %jit3A_495 = arith.constant 0.000000e+00 : f32
      %broadcast_in_dim3A_496 = vector.broadcast %jit3A_495 : f32 to vector<16xf32>
      %select_n3A_497 = arith.select %eq3A_494, %get3A_5, %broadcast_in_dim3A_496 : vector<16xi1>, vector<16xf32>
      %xor3A_498 = arith.constant 8 : i32
      %xor3A_499 = vector.broadcast %xor3A_498 : i32 to vector<16xi32>
      %xor3A_500 = arith.xori %iota3A, %xor3A_499 : vector<16xi32>
      %broadcast_in_dim3A_501 = vector.shape_cast %xor3A_500 : vector<16xi32> to vector<16x1xi32>
      %gather3A_502 = vector.shape_cast %broadcast_in_dim3A_501 : vector<16x1xi32> to vector<16xi32>
      %gather3A_503 = tpu.dynamic_gather %select_n3A_497[%gather3A_502] in [0] : vector<16xf32>, vector<16xi32> -> vector<16xf32>
      %add3A_504 = arith.addf %select_n3A_497, %gather3A_503 : vector<16xf32>
      %xor3A_505 = arith.constant 4 : i32
      %xor3A_506 = vector.broadcast %xor3A_505 : i32 to vector<16xi32>
      %xor3A_507 = arith.xori %iota3A, %xor3A_506 : vector<16xi32>
      %broadcast_in_dim3A_508 = vector.shape_cast %xor3A_507 : vector<16xi32> to vector<16x1xi32>
      %gather3A_509 = vector.shape_cast %broadcast_in_dim3A_508 : vector<16x1xi32> to vector<16xi32>
      %gather3A_510 = tpu.dynamic_gather %add3A_504[%gather3A_509] in [0] : vector<16xf32>, vector<16xi32> -> vector<16xf32>
      %add3A_511 = arith.addf %add3A_504, %gather3A_510 : vector<16xf32>
      %xor3A_512 = arith.constant 2 : i32
      %xor3A_513 = vector.broadcast %xor3A_512 : i32 to vector<16xi32>
      %xor3A_514 = arith.xori %iota3A, %xor3A_513 : vector<16xi32>
      %broadcast_in_dim3A_515 = vector.shape_cast %xor3A_514 : vector<16xi32> to vector<16x1xi32>
      %gather3A_516 = vector.shape_cast %broadcast_in_dim3A_515 : vector<16x1xi32> to vector<16xi32>
      %gather3A_517 = tpu.dynamic_gather %add3A_511[%gather3A_516] in [0] : vector<16xf32>, vector<16xi32> -> vector<16xf32>
      %add3A_518 = arith.addf %add3A_511, %gather3A_517 : vector<16xf32>
      %xor3A_519 = arith.constant 1 : i32
      %xor3A_520 = vector.broadcast %xor3A_519 : i32 to vector<16xi32>
      %xor3A_521 = arith.xori %iota3A, %xor3A_520 : vector<16xi32>
      %broadcast_in_dim3A_522 = vector.shape_cast %xor3A_521 : vector<16xi32> to vector<16x1xi32>
      %gather3A_523 = vector.shape_cast %broadcast_in_dim3A_522 : vector<16x1xi32> to vector<16xi32>
      %gather3A_524 = tpu.dynamic_gather %add3A_518[%gather3A_523] in [0] : vector<16xf32>, vector<16xi32> -> vector<16xf32>
      %add3A_525 = arith.addf %add3A_518, %gather3A_524 : vector<16xf32>
      %mul3A_526 = arith.mulf %select_n3A_492, %add3A_525 : vector<16xf32>
      %xor3A_527 = arith.constant 8 : i32
      %xor3A_528 = vector.broadcast %xor3A_527 : i32 to vector<16xi32>
      %xor3A_529 = arith.xori %iota3A, %xor3A_528 : vector<16xi32>
      %broadcast_in_dim3A_530 = vector.shape_cast %xor3A_529 : vector<16xi32> to vector<16x1xi32>
      %gather3A_531 = vector.shape_cast %broadcast_in_dim3A_530 : vector<16x1xi32> to vector<16xi32>
      %gather3A_532 = tpu.dynamic_gather %select_n3A_492[%gather3A_531] in [0] : vector<16xf32>, vector<16xi32> -> vector<16xf32>
      %add3A_533 = arith.addf %select_n3A_492, %gather3A_532 : vector<16xf32>
      %xor3A_534 = arith.constant 4 : i32
      %xor3A_535 = vector.broadcast %xor3A_534 : i32 to vector<16xi32>
      %xor3A_536 = arith.xori %iota3A, %xor3A_535 : vector<16xi32>
      %broadcast_in_dim3A_537 = vector.shape_cast %xor3A_536 : vector<16xi32> to vector<16x1xi32>
      %gather3A_538 = vector.shape_cast %broadcast_in_dim3A_537 : vector<16x1xi32> to vector<16xi32>
      %gather3A_539 = tpu.dynamic_gather %add3A_533[%gather3A_538] in [0] : vector<16xf32>, vector<16xi32> -> vector<16xf32>
      %add3A_540 = arith.addf %add3A_533, %gather3A_539 : vector<16xf32>
      %xor3A_541 = arith.constant 2 : i32
      %xor3A_542 = vector.broadcast %xor3A_541 : i32 to vector<16xi32>
      %xor3A_543 = arith.xori %iota3A, %xor3A_542 : vector<16xi32>
      %broadcast_in_dim3A_544 = vector.shape_cast %xor3A_543 : vector<16xi32> to vector<16x1xi32>
      %gather3A_545 = vector.shape_cast %broadcast_in_dim3A_544 : vector<16x1xi32> to vector<16xi32>
      %gather3A_546 = tpu.dynamic_gather %add3A_540[%gather3A_545] in [0] : vector<16xf32>, vector<16xi32> -> vector<16xf32>
      %add3A_547 = arith.addf %add3A_540, %gather3A_546 : vector<16xf32>
      %xor3A_548 = arith.constant 1 : i32
      %xor3A_549 = vector.broadcast %xor3A_548 : i32 to vector<16xi32>
      %xor3A_550 = arith.xori %iota3A, %xor3A_549 : vector<16xi32>
      %broadcast_in_dim3A_551 = vector.shape_cast %xor3A_550 : vector<16xi32> to vector<16x1xi32>
      %gather3A_552 = vector.shape_cast %broadcast_in_dim3A_551 : vector<16x1xi32> to vector<16xi32>
      %gather3A_553 = tpu.dynamic_gather %add3A_547[%gather3A_552] in [0] : vector<16xf32>, vector<16xi32> -> vector<16xf32>
      %add3A_554 = arith.addf %add3A_547, %gather3A_553 : vector<16xf32>
      %div3A_555 = arith.divf %mul3A_526, %add3A_554 : vector<16xf32>
      %swap3A = arith.constant 0 : index
      %swap3A_556 = tpu.vector_load %arg13[%swap3A] {strides = array<i32>} : memref<16xf32, #tpu.memory_space<vmem>>, vector<16xf32>,
      tpu.vector_store %arg13[%swap3A], %div3A_555 {strides = array<i32>} : memref<16xf32, #tpu.memory_space<vmem>>, vector<16xf32>,
      %mul3A_557 = arith.constant 8 : i32
      %mul3A_558 = arith.muli %arg1, %mul3A_557 : i32
      %add3A_559 = arith.addi %mul3A_558, %scan3A_149 : i32
      %mul3A_560 = arith.constant 8 : i32
      %mul3A_561 = arith.muli %add3A_559, %mul3A_560 : i32
      "tpu.region"() ({
        %run_scoped3A = tpu.sem_alloc : memref<!tpu.dma_semaphore, #tpu.memory_space<semaphore_mem>>
        %dma_start3A_562 = arith.constant 0 : i32
        %dma_start3A_563 = tpu.memref_slice %arg13[%dma_start3A_562] : memref<16xf32, #tpu.memory_space<vmem>> -> memref<8xf32, #tpu.memory_space<vmem>>
        %dma_start3A_564 = tpu.memref_slice %arg18[%mul3A_561] : memref<1024xf32, #tpu.memory_space<vmem_shared>> -> memref<8xf32, #tpu.memory_space<vmem_shared>>
        %dma_start3A_565 = tpu.memref_slice %arg18[%mul3A_561] : memref<1024xf32, #tpu.memory_space<vmem_shared>> -> memref<8xf32, #tpu.memory_space<vmem_shared>>
        %dma_start3A_566 = arith.constant 0 : i32
        %dma_start3A_567 = tpu.memref_slice %arg13[%dma_start3A_566] : memref<16xf32, #tpu.memory_space<vmem>> -> memref<8xf32, #tpu.memory_space<vmem>>
        tpu.enqueue_dma source(%dma_start3A_567 : memref<8xf32, #tpu.memory_space<vmem>>) target(%dma_start3A_565 : memref<8xf32, #tpu.memory_space<vmem_shared>>) target_semaphore(%run_scoped3A : memref<!tpu.dma_semaphore, #tpu.memory_space<semaphore_mem>>)
        %dma_wait3A_568 = arith.constant 0 : i32
        %dma_wait3A_569 = tpu.memref_slice %arg13[%dma_wait3A_568] : memref<16xf32, #tpu.memory_space<vmem>> -> memref<8xf32, #tpu.memory_space<vmem>>
        %dma_wait3A_570 = tpu.memref_slice %arg18[%mul3A_561] : memref<1024xf32, #tpu.memory_space<vmem_shared>> -> memref<8xf32, #tpu.memory_space<vmem_shared>>
        %dma_wait3A_571 = tpu.memref_slice %arg18[%mul3A_561] : memref<1024xf32, #tpu.memory_space<vmem_shared>> -> memref<8xf32, #tpu.memory_space<vmem_shared>>
        %dma_wait3A_572 = arith.constant 0 : i32
        %dma_wait3A_573 = tpu.memref_slice %arg13[%dma_wait3A_572] : memref<16xf32, #tpu.memory_space<vmem>> -> memref<8xf32, #tpu.memory_space<vmem>>
        tpu.wait_dma2 semaphore(%run_scoped3A : memref<!tpu.dma_semaphore, #tpu.memory_space<semaphore_mem>>) src(%dma_wait3A_573 : memref<8xf32, #tpu.memory_space<vmem>>) dst(%dma_wait3A_571 : memref<8xf32, #tpu.memory_space<vmem_shared>>)
        tpu.yield
      }) : () -> ()
    }
    %scan3A_23 = arith.constant 8 : i32
    %barrier3A = arith.constant 0 : index
    tpu.barrier barrier_id(%barrier3A)
    %jit3A = arith.constant 4 : i32
    %div3A = arith.divsi %arg1, %jit3A : i32
    %sign3A = arith.constant 0 : i32
    %sign3A_24 = arith.cmpi sgt, %arg1, %sign3A : i32
    %sign3A_25 = arith.extui %sign3A_24 : i1 to i32
    %sign3A_26 = arith.constant 0 : i32
    %sign3A_27 = arith.cmpi slt, %arg1, %sign3A_26 : i32
    %sign3A_28 = arith.extui %sign3A_27 : i1 to i32
    %sign3A_29 = arith.subi %sign3A_25, %sign3A_28 : i32
    %sign3A_30 = arith.constant 0 : i32
    %sign3A_31 = arith.cmpi sgt, %jit3A, %sign3A_30 : i32
    %sign3A_32 = arith.extui %sign3A_31 : i1 to i32
    %sign3A_33 = arith.constant 0 : i32
    %sign3A_34 = arith.cmpi slt, %jit3A, %sign3A_33 : i32
    %sign3A_35 = arith.extui %sign3A_34 : i1 to i32
    %sign3A_36 = arith.subi %sign3A_32, %sign3A_35 : i32
    %ne3A = arith.cmpi ne, %sign3A_29, %sign3A_36 : i32
    %rem3A = arith.remsi %arg1, %jit3A : i32
    %ne3A_37 = arith.constant 0 : i32
    %ne3A_38 = arith.cmpi ne, %rem3A, %ne3A_37 : i32
    %and3A = arith.andi %ne3A, %ne3A_38 : i1
    %sub3A = arith.constant 1 : i32
    %sub3A_39 = arith.subi %div3A, %sub3A : i32
    %select_n3A = arith.select %and3A, %sub3A_39, %div3A : i32
    %mul3A_40 = arith.constant 4 : i32
    %mul3A_41 = arith.muli %arg0, %mul3A_40 : i32
    %add3A_42 = arith.addi %mul3A_41, %select_n3A : i32
    %mul3A_43 = arith.constant 256 : i32
    %mul3A_44 = arith.muli %select_n3A, %mul3A_43 : i32
    "tpu.region"() ({
      %run_scoped3A = tpu.sem_alloc : memref<!tpu.dma_semaphore, #tpu.memory_space<semaphore_mem>>
      %dma_start3A_149 = tpu.memref_slice %arg18[%mul3A_44] : memref<1024xf32, #tpu.memory_space<vmem_shared>> -> memref<256xf32, #tpu.memory_space<vmem_shared>>
      %dma_start3A_150 = tpu.memref_slice %arg18[%mul3A_44] : memref<1024xf32, #tpu.memory_space<vmem_shared>> -> memref<256xf32, #tpu.memory_space<vmem_shared>>
      tpu.enqueue_dma source(%dma_start3A_150 : memref<256xf32, #tpu.memory_space<vmem_shared>>) target(%arg14 : memref<256xf32, #tpu.memory_space<vmem>>) target_semaphore(%run_scoped3A : memref<!tpu.dma_semaphore, #tpu.memory_space<semaphore_mem>>)
      %dma_wait3A = tpu.memref_slice %arg18[%mul3A_44] : memref<1024xf32, #tpu.memory_space<vmem_shared>> -> memref<256xf32, #tpu.memory_space<vmem_shared>>
      %dma_wait3A_151 = tpu.memref_slice %arg18[%mul3A_44] : memref<1024xf32, #tpu.memory_space<vmem_shared>> -> memref<256xf32, #tpu.memory_space<vmem_shared>>
      tpu.wait_dma2 semaphore(%run_scoped3A : memref<!tpu.dma_semaphore, #tpu.memory_space<semaphore_mem>>) src(%dma_wait3A_151 : memref<256xf32, #tpu.memory_space<vmem_shared>>) dst(%arg14 : memref<256xf32, #tpu.memory_space<vmem>>)
      tpu.yield
    }) : () -> ()
    %mul3A_45 = arith.constant 256 : i32
    %mul3A_46 = arith.muli %add3A_42, %mul3A_45 : i32
    "tpu.region"() ({
      %run_scoped3A = tpu.sem_alloc : memref<!tpu.dma_semaphore, #tpu.memory_space<semaphore_mem>>
      %dma_start3A_149 = tpu.memref_slice %arg5[%mul3A_46] : memref<2048xi32, #tpu.memory_space<hbm>> -> memref<256xi32, #tpu.memory_space<hbm>>
      %dma_start3A_150 = tpu.memref_slice %arg5[%mul3A_46] : memref<2048xi32, #tpu.memory_space<hbm>> -> memref<256xi32, #tpu.memory_space<hbm>>
      tpu.enqueue_dma source(%dma_start3A_150 : memref<256xi32, #tpu.memory_space<hbm>>) target(%arg16 : memref<256xi32, #tpu.memory_space<vmem>>) target_semaphore(%run_scoped3A : memref<!tpu.dma_semaphore, #tpu.memory_space<semaphore_mem>>)
      %dma_wait3A = tpu.memref_slice %arg5[%mul3A_46] : memref<2048xi32, #tpu.memory_space<hbm>> -> memref<256xi32, #tpu.memory_space<hbm>>
      %dma_wait3A_151 = tpu.memref_slice %arg5[%mul3A_46] : memref<2048xi32, #tpu.memory_space<hbm>> -> memref<256xi32, #tpu.memory_space<hbm>>
      tpu.wait_dma2 semaphore(%run_scoped3A : memref<!tpu.dma_semaphore, #tpu.memory_space<semaphore_mem>>) src(%dma_wait3A_151 : memref<256xi32, #tpu.memory_space<hbm>>) dst(%arg16 : memref<256xi32, #tpu.memory_space<vmem>>)
      tpu.yield
    }) : () -> ()
    %broadcast_in_dim3A_47 = arith.constant -1.000000e+30 : f32
    %broadcast_in_dim3A_48 = vector.broadcast %broadcast_in_dim3A_47 : f32 to vector<16xf32>
    %scan3A_49 = arith.constant 0 : i32
    %scan3A_50 = arith.constant 16 : i32
    %scan3A_51 = arith.addi %scan3A_49, %scan3A_50 : i32
    %scan3A_52 = arith.constant 1 : i32
    %scan3A_53 = scf.for %scan3A_149 = %scan3A_49 to %scan3A_51 step %scan3A_52 iter_args(%scan3A_150 = %broadcast_in_dim3A_48) -> (vector<16xf32>)  : i32 {
      %mul3A_151 = arith.constant 16 : i32
      %mul3A_152 = arith.muli %scan3A_149, %mul3A_151 : i32
      %get3A_153 = arith.index_cast %mul3A_152 : i32 to index
      %get3A_154 = tpu.vector_load %arg14[%get3A_153] {strides = array<i32>} : memref<256xf32, #tpu.memory_space<vmem>>, vector<16xf32>,
      %max3A_155 = arith.maximumf %scan3A_150, %get3A_154 : vector<16xf32>
      scf.yield %max3A_155 : vector<16xf32>
    }
    %scan3A_54 = arith.constant 16 : i32
    %xor3A = arith.constant 8 : i32
    %xor3A_55 = vector.broadcast %xor3A : i32 to vector<16xi32>
    %xor3A_56 = arith.xori %iota3A, %xor3A_55 : vector<16xi32>
    %broadcast_in_dim3A_57 = vector.shape_cast %xor3A_56 : vector<16xi32> to vector<16x1xi32>
    %gather3A = vector.shape_cast %broadcast_in_dim3A_57 : vector<16x1xi32> to vector<16xi32>
    %gather3A_58 = tpu.dynamic_gather %scan3A_53[%gather3A] in [0] : vector<16xf32>, vector<16xi32> -> vector<16xf32>
    %max3A = arith.maximumf %scan3A_53, %gather3A_58 : vector<16xf32>
    %xor3A_59 = arith.constant 4 : i32
    %xor3A_60 = vector.broadcast %xor3A_59 : i32 to vector<16xi32>
    %xor3A_61 = arith.xori %iota3A, %xor3A_60 : vector<16xi32>
    %broadcast_in_dim3A_62 = vector.shape_cast %xor3A_61 : vector<16xi32> to vector<16x1xi32>
    %gather3A_63 = vector.shape_cast %broadcast_in_dim3A_62 : vector<16x1xi32> to vector<16xi32>
    %gather3A_64 = tpu.dynamic_gather %max3A[%gather3A_63] in [0] : vector<16xf32>, vector<16xi32> -> vector<16xf32>
    %max3A_65 = arith.maximumf %max3A, %gather3A_64 : vector<16xf32>
    %xor3A_66 = arith.constant 2 : i32
    %xor3A_67 = vector.broadcast %xor3A_66 : i32 to vector<16xi32>
    %xor3A_68 = arith.xori %iota3A, %xor3A_67 : vector<16xi32>
    %broadcast_in_dim3A_69 = vector.shape_cast %xor3A_68 : vector<16xi32> to vector<16x1xi32>
    %gather3A_70 = vector.shape_cast %broadcast_in_dim3A_69 : vector<16x1xi32> to vector<16xi32>
    %gather3A_71 = tpu.dynamic_gather %max3A_65[%gather3A_70] in [0] : vector<16xf32>, vector<16xi32> -> vector<16xf32>
    %max3A_72 = arith.maximumf %max3A_65, %gather3A_71 : vector<16xf32>
    %xor3A_73 = arith.constant 1 : i32
    %xor3A_74 = vector.broadcast %xor3A_73 : i32 to vector<16xi32>
    %xor3A_75 = arith.xori %iota3A, %xor3A_74 : vector<16xi32>
    %broadcast_in_dim3A_76 = vector.shape_cast %xor3A_75 : vector<16xi32> to vector<16x1xi32>
    %gather3A_77 = vector.shape_cast %broadcast_in_dim3A_76 : vector<16x1xi32> to vector<16xi32>
    %gather3A_78 = tpu.dynamic_gather %max3A_72[%gather3A_77] in [0] : vector<16xf32>, vector<16xi32> -> vector<16xf32>
    %max3A_79 = arith.maximumf %max3A_72, %gather3A_78 : vector<16xf32>
    %broadcast_in_dim3A_80 = arith.constant 0.000000e+00 : f32
    %broadcast_in_dim3A_81 = vector.broadcast %broadcast_in_dim3A_80 : f32 to vector<16xf32>
    %scan3A_82 = arith.constant 0 : i32
    %scan3A_83 = arith.constant 16 : i32
    %scan3A_84 = arith.addi %scan3A_82, %scan3A_83 : i32
    %scan3A_85 = arith.constant 1 : i32
    %scan3A_86 = scf.for %scan3A_149 = %scan3A_82 to %scan3A_84 step %scan3A_85 iter_args(%scan3A_150 = %broadcast_in_dim3A_81) -> (vector<16xf32>)  : i32 {
      %mul3A_151 = arith.constant 16 : i32
      %mul3A_152 = arith.muli %scan3A_149, %mul3A_151 : i32
      %get3A_153 = arith.index_cast %mul3A_152 : i32 to index
      %get3A_154 = tpu.vector_load %arg14[%get3A_153] {strides = array<i32>} : memref<256xf32, #tpu.memory_space<vmem>>, vector<16xf32>,
      %sub3A_155 = arith.subf %get3A_154, %max3A_79 : vector<16xf32>
      %exp3A = math.exp %sub3A_155 : vector<16xf32>
      %mul3A_156 = arith.constant 16 : i32
      %mul3A_157 = arith.muli %scan3A_149, %mul3A_156 : i32
      %swap3A = arith.index_cast %mul3A_157 : i32 to index
      %swap3A_158 = tpu.vector_load %arg15[%swap3A] {strides = array<i32>} : memref<256xf32, #tpu.memory_space<vmem>>, vector<16xf32>,
      tpu.vector_store %arg15[%swap3A], %exp3A {strides = array<i32>} : memref<256xf32, #tpu.memory_space<vmem>>, vector<16xf32>,
      %add3A_159 = arith.addf %scan3A_150, %exp3A : vector<16xf32>
      scf.yield %add3A_159 : vector<16xf32>
    }
    %scan3A_87 = arith.constant 16 : i32
    %xor3A_88 = arith.constant 8 : i32
    %xor3A_89 = vector.broadcast %xor3A_88 : i32 to vector<16xi32>
    %xor3A_90 = arith.xori %iota3A, %xor3A_89 : vector<16xi32>
    %broadcast_in_dim3A_91 = vector.shape_cast %xor3A_90 : vector<16xi32> to vector<16x1xi32>
    %gather3A_92 = vector.shape_cast %broadcast_in_dim3A_91 : vector<16x1xi32> to vector<16xi32>
    %gather3A_93 = tpu.dynamic_gather %scan3A_86[%gather3A_92] in [0] : vector<16xf32>, vector<16xi32> -> vector<16xf32>
    %add3A_94 = arith.addf %scan3A_86, %gather3A_93 : vector<16xf32>
    %xor3A_95 = arith.constant 4 : i32
    %xor3A_96 = vector.broadcast %xor3A_95 : i32 to vector<16xi32>
    %xor3A_97 = arith.xori %iota3A, %xor3A_96 : vector<16xi32>
    %broadcast_in_dim3A_98 = vector.shape_cast %xor3A_97 : vector<16xi32> to vector<16x1xi32>
    %gather3A_99 = vector.shape_cast %broadcast_in_dim3A_98 : vector<16x1xi32> to vector<16xi32>
    %gather3A_100 = tpu.dynamic_gather %add3A_94[%gather3A_99] in [0] : vector<16xf32>, vector<16xi32> -> vector<16xf32>
    %add3A_101 = arith.addf %add3A_94, %gather3A_100 : vector<16xf32>
    %xor3A_102 = arith.constant 2 : i32
    %xor3A_103 = vector.broadcast %xor3A_102 : i32 to vector<16xi32>
    %xor3A_104 = arith.xori %iota3A, %xor3A_103 : vector<16xi32>
    %broadcast_in_dim3A_105 = vector.shape_cast %xor3A_104 : vector<16xi32> to vector<16x1xi32>
    %gather3A_106 = vector.shape_cast %broadcast_in_dim3A_105 : vector<16x1xi32> to vector<16xi32>
    %gather3A_107 = tpu.dynamic_gather %add3A_101[%gather3A_106] in [0] : vector<16xf32>, vector<16xi32> -> vector<16xf32>
    %add3A_108 = arith.addf %add3A_101, %gather3A_107 : vector<16xf32>
    %xor3A_109 = arith.constant 1 : i32
    %xor3A_110 = vector.broadcast %xor3A_109 : i32 to vector<16xi32>
    %xor3A_111 = arith.xori %iota3A, %xor3A_110 : vector<16xi32>
    %broadcast_in_dim3A_112 = vector.shape_cast %xor3A_111 : vector<16xi32> to vector<16x1xi32>
    %gather3A_113 = vector.shape_cast %broadcast_in_dim3A_112 : vector<16x1xi32> to vector<16xi32>
    %gather3A_114 = tpu.dynamic_gather %add3A_108[%gather3A_113] in [0] : vector<16xf32>, vector<16xi32> -> vector<16xf32>
    %add3A_115 = arith.addf %add3A_108, %gather3A_114 : vector<16xf32>
    %div3A_116 = arith.constant 1.000000e+00 : f32
    %div3A_117 = vector.broadcast %div3A_116 : f32 to vector<16xf32>
    %div3A_118 = arith.divf %div3A_117, %add3A_115 : vector<16xf32>
    %jit3A_119 = arith.constant 4 : i32
    %eq3A = arith.constant 0 : i32
    %eq3A_120 = arith.cmpi eq, %jit3A_119, %eq3A : i32
    %jit3A_121 = arith.constant 1 : i32
    %select_n3A_122 = arith.select %eq3A_120, %jit3A_121, %jit3A_119 : i32
    %rem3A_123 = arith.remsi %arg1, %select_n3A_122 : i32
    %ne3A_124 = arith.constant 0 : i32
    %ne3A_125 = arith.cmpi ne, %rem3A_123, %ne3A_124 : i32
    %lt3A_126 = arith.constant 0 : i32
    %lt3A_127 = arith.cmpi slt, %rem3A_123, %lt3A_126 : i32
    %lt3A_128 = arith.constant 0 : i32
    %lt3A_129 = arith.cmpi slt, %select_n3A_122, %lt3A_128 : i32
    %ne3A_130 = arith.xori %lt3A_127, %lt3A_129 : i1
    %and3A_131 = arith.andi %ne3A_130, %ne3A_125 : i1
    %add3A_132 = arith.addi %rem3A_123, %select_n3A_122 : i32
    %select_n3A_133 = arith.select %and3A_131, %add3A_132, %rem3A_123 : i32
    %lt3A_134 = arith.constant 3 : i32
    %lt3A_135 = arith.cmpi slt, %select_n3A_133, %lt3A_134 : i32
    %mul3A_136 = arith.constant 25088 : i32
    %mul3A_137 = arith.muli %select_n3A_133, %mul3A_136 : i32
    %jit3A_138 = arith.constant 74912 : i32
    %select_n3A_139 = arith.select %lt3A_135, %mul3A_137, %jit3A_138 : i32
    %scan3A_140 = arith.constant 0 : i32
    %scan3A_141 = arith.constant 0 : i32
    %scan3A_142 = arith.constant 16 : i32
    %scan3A_143 = arith.addi %scan3A_141, %scan3A_142 : i32
    %scan3A_144 = arith.constant 1 : i32
    scf.for %scan3A_149 = %scan3A_141 to %scan3A_143 step %scan3A_144  : i32 {
      %mul3A_150 = arith.constant 16 : i32
      %mul3A_151 = arith.muli %scan3A_149, %mul3A_150 : i32
      %get3A_152 = arith.index_cast %mul3A_151 : i32 to index
      %get3A_153 = tpu.vector_load %arg16[%get3A_152] {strides = array<i32>} : memref<256xi32, #tpu.memory_space<vmem>>, vector<16xi32>,
      %sub3A_154 = vector.broadcast %select_n3A_139 : i32 to vector<16xi32>
      %sub3A_155 = arith.subi %get3A_153, %sub3A_154 : vector<16xi32>
      %mul3A_156 = arith.constant 16 : i32
      %mul3A_157 = arith.muli %scan3A_149, %mul3A_156 : i32
      %get3A_158 = arith.index_cast %mul3A_157 : i32 to index
      %get3A_159 = tpu.vector_load %arg15[%get3A_158] {strides = array<i32>} : memref<256xf32, #tpu.memory_space<vmem>>, vector<16xf32>,
      %mul3A_160 = arith.mulf %get3A_159, %div3A_118 : vector<16xf32>
      %lt3A_161 = arith.constant 0 : i32
      %lt3A_162 = vector.broadcast %lt3A_161 : i32 to vector<16xi32>
      %lt3A_163 = arith.cmpi slt, %iota3A, %lt3A_162 : vector<16xi32>
      %add3A_164 = arith.constant 1 : i32
      %add3A_165 = vector.broadcast %add3A_164 : i32 to vector<16xi32>
      %add3A_166 = arith.addi %iota3A, %add3A_165 : vector<16xi32>
      %ge3A = arith.constant 16 : i32
      %ge3A_167 = vector.broadcast %ge3A : i32 to vector<16xi32>
      %ge3A_168 = arith.cmpi sge, %add3A_166, %ge3A_167 : vector<16xi32>
      %sub3A_169 = arith.constant 16 : i32
      %sub3A_170 = vector.broadcast %sub3A_169 : i32 to vector<16xi32>
      %sub3A_171 = arith.subi %add3A_166, %sub3A_170 : vector<16xi32>
      %select_n3A_172 = arith.select %ge3A_168, %sub3A_171, %add3A_166 : vector<16xi1>, vector<16xi32>
      %broadcast_in_dim3A_173 = vector.shape_cast %select_n3A_172 : vector<16xi32> to vector<16x1xi32>
      %gather3A_174 = vector.shape_cast %broadcast_in_dim3A_173 : vector<16x1xi32> to vector<16xi32>
      %gather3A_175 = tpu.dynamic_gather %get3A_153[%gather3A_174] in [0] : vector<16xi32>, vector<16xi32> -> vector<16xi32>
      %eq3A_176 = arith.cmpi eq, %get3A_153, %gather3A_175 : vector<16xi32>
      %lt3A_177 = arith.constant 15 : i32
      %lt3A_178 = vector.broadcast %lt3A_177 : i32 to vector<16xi32>
      %lt3A_179 = arith.cmpi slt, %iota3A, %lt3A_178 : vector<16xi32>
      %and3A_180 = arith.andi %eq3A_176, %lt3A_179 : vector<16xi1>
      %or3A = arith.ori %lt3A_163, %and3A_180 : vector<16xi1>
      %add3A_181 = arith.constant 2 : i32
      %add3A_182 = vector.broadcast %add3A_181 : i32 to vector<16xi32>
      %add3A_183 = arith.addi %iota3A, %add3A_182 : vector<16xi32>
      %ge3A_184 = arith.constant 16 : i32
      %ge3A_185 = vector.broadcast %ge3A_184 : i32 to vector<16xi32>
      %ge3A_186 = arith.cmpi sge, %add3A_183, %ge3A_185 : vector<16xi32>
      %sub3A_187 = arith.constant 16 : i32
      %sub3A_188 = vector.broadcast %sub3A_187 : i32 to vector<16xi32>
      %sub3A_189 = arith.subi %add3A_183, %sub3A_188 : vector<16xi32>
      %select_n3A_190 = arith.select %ge3A_186, %sub3A_189, %add3A_183 : vector<16xi1>, vector<16xi32>
      %broadcast_in_dim3A_191 = vector.shape_cast %select_n3A_190 : vector<16xi32> to vector<16x1xi32>
      %gather3A_192 = vector.shape_cast %broadcast_in_dim3A_191 : vector<16x1xi32> to vector<16xi32>
      %gather3A_193 = tpu.dynamic_gather %get3A_153[%gather3A_192] in [0] : vector<16xi32>, vector<16xi32> -> vector<16xi32>
      %eq3A_194 = arith.cmpi eq, %get3A_153, %gather3A_193 : vector<16xi32>
      %lt3A_195 = arith.constant 14 : i32
      %lt3A_196 = vector.broadcast %lt3A_195 : i32 to vector<16xi32>
      %lt3A_197 = arith.cmpi slt, %iota3A, %lt3A_196 : vector<16xi32>
      %and3A_198 = arith.andi %eq3A_194, %lt3A_197 : vector<16xi1>
      %or3A_199 = arith.ori %or3A, %and3A_198 : vector<16xi1>
      %add3A_200 = arith.constant 3 : i32
      %add3A_201 = vector.broadcast %add3A_200 : i32 to vector<16xi32>
      %add3A_202 = arith.addi %iota3A, %add3A_201 : vector<16xi32>
      %ge3A_203 = arith.constant 16 : i32
      %ge3A_204 = vector.broadcast %ge3A_203 : i32 to vector<16xi32>
      %ge3A_205 = arith.cmpi sge, %add3A_202, %ge3A_204 : vector<16xi32>
      %sub3A_206 = arith.constant 16 : i32
      %sub3A_207 = vector.broadcast %sub3A_206 : i32 to vector<16xi32>
      %sub3A_208 = arith.subi %add3A_202, %sub3A_207 : vector<16xi32>
      %select_n3A_209 = arith.select %ge3A_205, %sub3A_208, %add3A_202 : vector<16xi1>, vector<16xi32>
      %broadcast_in_dim3A_210 = vector.shape_cast %select_n3A_209 : vector<16xi32> to vector<16x1xi32>
      %gather3A_211 = vector.shape_cast %broadcast_in_dim3A_210 : vector<16x1xi32> to vector<16xi32>
      %gather3A_212 = tpu.dynamic_gather %get3A_153[%gather3A_211] in [0] : vector<16xi32>, vector<16xi32> -> vector<16xi32>
      %eq3A_213 = arith.cmpi eq, %get3A_153, %gather3A_212 : vector<16xi32>
      %lt3A_214 = arith.constant 13 : i32
      %lt3A_215 = vector.broadcast %lt3A_214 : i32 to vector<16xi32>
      %lt3A_216 = arith.cmpi slt, %iota3A, %lt3A_215 : vector<16xi32>
      %and3A_217 = arith.andi %eq3A_213, %lt3A_216 : vector<16xi1>
      %or3A_218 = arith.ori %or3A_199, %and3A_217 : vector<16xi1>
      %add3A_219 = arith.constant 4 : i32
      %add3A_220 = vector.broadcast %add3A_219 : i32 to vector<16xi32>
      %add3A_221 = arith.addi %iota3A, %add3A_220 : vector<16xi32>
      %ge3A_222 = arith.constant 16 : i32
      %ge3A_223 = vector.broadcast %ge3A_222 : i32 to vector<16xi32>
      %ge3A_224 = arith.cmpi sge, %add3A_221, %ge3A_223 : vector<16xi32>
      %sub3A_225 = arith.constant 16 : i32
      %sub3A_226 = vector.broadcast %sub3A_225 : i32 to vector<16xi32>
      %sub3A_227 = arith.subi %add3A_221, %sub3A_226 : vector<16xi32>
      %select_n3A_228 = arith.select %ge3A_224, %sub3A_227, %add3A_221 : vector<16xi1>, vector<16xi32>
      %broadcast_in_dim3A_229 = vector.shape_cast %select_n3A_228 : vector<16xi32> to vector<16x1xi32>
      %gather3A_230 = vector.shape_cast %broadcast_in_dim3A_229 : vector<16x1xi32> to vector<16xi32>
      %gather3A_231 = tpu.dynamic_gather %get3A_153[%gather3A_230] in [0] : vector<16xi32>, vector<16xi32> -> vector<16xi32>
      %eq3A_232 = arith.cmpi eq, %get3A_153, %gather3A_231 : vector<16xi32>
      %lt3A_233 = arith.constant 12 : i32
      %lt3A_234 = vector.broadcast %lt3A_233 : i32 to vector<16xi32>
      %lt3A_235 = arith.cmpi slt, %iota3A, %lt3A_234 : vector<16xi32>
      %and3A_236 = arith.andi %eq3A_232, %lt3A_235 : vector<16xi1>
      %or3A_237 = arith.ori %or3A_218, %and3A_236 : vector<16xi1>
      %add3A_238 = arith.constant 5 : i32
      %add3A_239 = vector.broadcast %add3A_238 : i32 to vector<16xi32>
      %add3A_240 = arith.addi %iota3A, %add3A_239 : vector<16xi32>
      %ge3A_241 = arith.constant 16 : i32
      %ge3A_242 = vector.broadcast %ge3A_241 : i32 to vector<16xi32>
      %ge3A_243 = arith.cmpi sge, %add3A_240, %ge3A_242 : vector<16xi32>
      %sub3A_244 = arith.constant 16 : i32
      %sub3A_245 = vector.broadcast %sub3A_244 : i32 to vector<16xi32>
      %sub3A_246 = arith.subi %add3A_240, %sub3A_245 : vector<16xi32>
      %select_n3A_247 = arith.select %ge3A_243, %sub3A_246, %add3A_240 : vector<16xi1>, vector<16xi32>
      %broadcast_in_dim3A_248 = vector.shape_cast %select_n3A_247 : vector<16xi32> to vector<16x1xi32>
      %gather3A_249 = vector.shape_cast %broadcast_in_dim3A_248 : vector<16x1xi32> to vector<16xi32>
      %gather3A_250 = tpu.dynamic_gather %get3A_153[%gather3A_249] in [0] : vector<16xi32>, vector<16xi32> -> vector<16xi32>
      %eq3A_251 = arith.cmpi eq, %get3A_153, %gather3A_250 : vector<16xi32>
      %lt3A_252 = arith.constant 11 : i32
      %lt3A_253 = vector.broadcast %lt3A_252 : i32 to vector<16xi32>
      %lt3A_254 = arith.cmpi slt, %iota3A, %lt3A_253 : vector<16xi32>
      %and3A_255 = arith.andi %eq3A_251, %lt3A_254 : vector<16xi1>
      %or3A_256 = arith.ori %or3A_237, %and3A_255 : vector<16xi1>
      %add3A_257 = arith.constant 6 : i32
      %add3A_258 = vector.broadcast %add3A_257 : i32 to vector<16xi32>
      %add3A_259 = arith.addi %iota3A, %add3A_258 : vector<16xi32>
      %ge3A_260 = arith.constant 16 : i32
      %ge3A_261 = vector.broadcast %ge3A_260 : i32 to vector<16xi32>
      %ge3A_262 = arith.cmpi sge, %add3A_259, %ge3A_261 : vector<16xi32>
      %sub3A_263 = arith.constant 16 : i32
      %sub3A_264 = vector.broadcast %sub3A_263 : i32 to vector<16xi32>
      %sub3A_265 = arith.subi %add3A_259, %sub3A_264 : vector<16xi32>
      %select_n3A_266 = arith.select %ge3A_262, %sub3A_265, %add3A_259 : vector<16xi1>, vector<16xi32>
      %broadcast_in_dim3A_267 = vector.shape_cast %select_n3A_266 : vector<16xi32> to vector<16x1xi32>
      %gather3A_268 = vector.shape_cast %broadcast_in_dim3A_267 : vector<16x1xi32> to vector<16xi32>
      %gather3A_269 = tpu.dynamic_gather %get3A_153[%gather3A_268] in [0] : vector<16xi32>, vector<16xi32> -> vector<16xi32>
      %eq3A_270 = arith.cmpi eq, %get3A_153, %gather3A_269 : vector<16xi32>
      %lt3A_271 = arith.constant 10 : i32
      %lt3A_272 = vector.broadcast %lt3A_271 : i32 to vector<16xi32>
      %lt3A_273 = arith.cmpi slt, %iota3A, %lt3A_272 : vector<16xi32>
      %and3A_274 = arith.andi %eq3A_270, %lt3A_273 : vector<16xi1>
      %or3A_275 = arith.ori %or3A_256, %and3A_274 : vector<16xi1>
      %add3A_276 = arith.constant 7 : i32
      %add3A_277 = vector.broadcast %add3A_276 : i32 to vector<16xi32>
      %add3A_278 = arith.addi %iota3A, %add3A_277 : vector<16xi32>
      %ge3A_279 = arith.constant 16 : i32
      %ge3A_280 = vector.broadcast %ge3A_279 : i32 to vector<16xi32>
      %ge3A_281 = arith.cmpi sge, %add3A_278, %ge3A_280 : vector<16xi32>
      %sub3A_282 = arith.constant 16 : i32
      %sub3A_283 = vector.broadcast %sub3A_282 : i32 to vector<16xi32>
      %sub3A_284 = arith.subi %add3A_278, %sub3A_283 : vector<16xi32>
      %select_n3A_285 = arith.select %ge3A_281, %sub3A_284, %add3A_278 : vector<16xi1>, vector<16xi32>
      %broadcast_in_dim3A_286 = vector.shape_cast %select_n3A_285 : vector<16xi32> to vector<16x1xi32>
      %gather3A_287 = vector.shape_cast %broadcast_in_dim3A_286 : vector<16x1xi32> to vector<16xi32>
      %gather3A_288 = tpu.dynamic_gather %get3A_153[%gather3A_287] in [0] : vector<16xi32>, vector<16xi32> -> vector<16xi32>
      %eq3A_289 = arith.cmpi eq, %get3A_153, %gather3A_288 : vector<16xi32>
      %lt3A_290 = arith.constant 9 : i32
      %lt3A_291 = vector.broadcast %lt3A_290 : i32 to vector<16xi32>
      %lt3A_292 = arith.cmpi slt, %iota3A, %lt3A_291 : vector<16xi32>
      %and3A_293 = arith.andi %eq3A_289, %lt3A_292 : vector<16xi1>
      %or3A_294 = arith.ori %or3A_275, %and3A_293 : vector<16xi1>
      %add3A_295 = arith.constant 8 : i32
      %add3A_296 = vector.broadcast %add3A_295 : i32 to vector<16xi32>
      %add3A_297 = arith.addi %iota3A, %add3A_296 : vector<16xi32>
      %ge3A_298 = arith.constant 16 : i32
      %ge3A_299 = vector.broadcast %ge3A_298 : i32 to vector<16xi32>
      %ge3A_300 = arith.cmpi sge, %add3A_297, %ge3A_299 : vector<16xi32>
      %sub3A_301 = arith.constant 16 : i32
      %sub3A_302 = vector.broadcast %sub3A_301 : i32 to vector<16xi32>
      %sub3A_303 = arith.subi %add3A_297, %sub3A_302 : vector<16xi32>
      %select_n3A_304 = arith.select %ge3A_300, %sub3A_303, %add3A_297 : vector<16xi1>, vector<16xi32>
      %broadcast_in_dim3A_305 = vector.shape_cast %select_n3A_304 : vector<16xi32> to vector<16x1xi32>
      %gather3A_306 = vector.shape_cast %broadcast_in_dim3A_305 : vector<16x1xi32> to vector<16xi32>
      %gather3A_307 = tpu.dynamic_gather %get3A_153[%gather3A_306] in [0] : vector<16xi32>, vector<16xi32> -> vector<16xi32>
      %eq3A_308 = arith.cmpi eq, %get3A_153, %gather3A_307 : vector<16xi32>
      %lt3A_309 = arith.constant 8 : i32
      %lt3A_310 = vector.broadcast %lt3A_309 : i32 to vector<16xi32>
      %lt3A_311 = arith.cmpi slt, %iota3A, %lt3A_310 : vector<16xi32>
      %and3A_312 = arith.andi %eq3A_308, %lt3A_311 : vector<16xi1>
      %or3A_313 = arith.ori %or3A_294, %and3A_312 : vector<16xi1>
      %add3A_314 = arith.constant 9 : i32
      %add3A_315 = vector.broadcast %add3A_314 : i32 to vector<16xi32>
      %add3A_316 = arith.addi %iota3A, %add3A_315 : vector<16xi32>
      %ge3A_317 = arith.constant 16 : i32
      %ge3A_318 = vector.broadcast %ge3A_317 : i32 to vector<16xi32>
      %ge3A_319 = arith.cmpi sge, %add3A_316, %ge3A_318 : vector<16xi32>
      %sub3A_320 = arith.constant 16 : i32
      %sub3A_321 = vector.broadcast %sub3A_320 : i32 to vector<16xi32>
      %sub3A_322 = arith.subi %add3A_316, %sub3A_321 : vector<16xi32>
      %select_n3A_323 = arith.select %ge3A_319, %sub3A_322, %add3A_316 : vector<16xi1>, vector<16xi32>
      %broadcast_in_dim3A_324 = vector.shape_cast %select_n3A_323 : vector<16xi32> to vector<16x1xi32>
      %gather3A_325 = vector.shape_cast %broadcast_in_dim3A_324 : vector<16x1xi32> to vector<16xi32>
      %gather3A_326 = tpu.dynamic_gather %get3A_153[%gather3A_325] in [0] : vector<16xi32>, vector<16xi32> -> vector<16xi32>
      %eq3A_327 = arith.cmpi eq, %get3A_153, %gather3A_326 : vector<16xi32>
      %lt3A_328 = arith.constant 7 : i32
      %lt3A_329 = vector.broadcast %lt3A_328 : i32 to vector<16xi32>
      %lt3A_330 = arith.cmpi slt, %iota3A, %lt3A_329 : vector<16xi32>
      %and3A_331 = arith.andi %eq3A_327, %lt3A_330 : vector<16xi1>
      %or3A_332 = arith.ori %or3A_313, %and3A_331 : vector<16xi1>
      %add3A_333 = arith.constant 10 : i32
      %add3A_334 = vector.broadcast %add3A_333 : i32 to vector<16xi32>
      %add3A_335 = arith.addi %iota3A, %add3A_334 : vector<16xi32>
      %ge3A_336 = arith.constant 16 : i32
      %ge3A_337 = vector.broadcast %ge3A_336 : i32 to vector<16xi32>
      %ge3A_338 = arith.cmpi sge, %add3A_335, %ge3A_337 : vector<16xi32>
      %sub3A_339 = arith.constant 16 : i32
      %sub3A_340 = vector.broadcast %sub3A_339 : i32 to vector<16xi32>
      %sub3A_341 = arith.subi %add3A_335, %sub3A_340 : vector<16xi32>
      %select_n3A_342 = arith.select %ge3A_338, %sub3A_341, %add3A_335 : vector<16xi1>, vector<16xi32>
      %broadcast_in_dim3A_343 = vector.shape_cast %select_n3A_342 : vector<16xi32> to vector<16x1xi32>
      %gather3A_344 = vector.shape_cast %broadcast_in_dim3A_343 : vector<16x1xi32> to vector<16xi32>
      %gather3A_345 = tpu.dynamic_gather %get3A_153[%gather3A_344] in [0] : vector<16xi32>, vector<16xi32> -> vector<16xi32>
      %eq3A_346 = arith.cmpi eq, %get3A_153, %gather3A_345 : vector<16xi32>
      %lt3A_347 = arith.constant 6 : i32
      %lt3A_348 = vector.broadcast %lt3A_347 : i32 to vector<16xi32>
      %lt3A_349 = arith.cmpi slt, %iota3A, %lt3A_348 : vector<16xi32>
      %and3A_350 = arith.andi %eq3A_346, %lt3A_349 : vector<16xi1>
      %or3A_351 = arith.ori %or3A_332, %and3A_350 : vector<16xi1>
      %add3A_352 = arith.constant 11 : i32
      %add3A_353 = vector.broadcast %add3A_352 : i32 to vector<16xi32>
      %add3A_354 = arith.addi %iota3A, %add3A_353 : vector<16xi32>
      %ge3A_355 = arith.constant 16 : i32
      %ge3A_356 = vector.broadcast %ge3A_355 : i32 to vector<16xi32>
      %ge3A_357 = arith.cmpi sge, %add3A_354, %ge3A_356 : vector<16xi32>
      %sub3A_358 = arith.constant 16 : i32
      %sub3A_359 = vector.broadcast %sub3A_358 : i32 to vector<16xi32>
      %sub3A_360 = arith.subi %add3A_354, %sub3A_359 : vector<16xi32>
      %select_n3A_361 = arith.select %ge3A_357, %sub3A_360, %add3A_354 : vector<16xi1>, vector<16xi32>
      %broadcast_in_dim3A_362 = vector.shape_cast %select_n3A_361 : vector<16xi32> to vector<16x1xi32>
      %gather3A_363 = vector.shape_cast %broadcast_in_dim3A_362 : vector<16x1xi32> to vector<16xi32>
      %gather3A_364 = tpu.dynamic_gather %get3A_153[%gather3A_363] in [0] : vector<16xi32>, vector<16xi32> -> vector<16xi32>
      %eq3A_365 = arith.cmpi eq, %get3A_153, %gather3A_364 : vector<16xi32>
      %lt3A_366 = arith.constant 5 : i32
      %lt3A_367 = vector.broadcast %lt3A_366 : i32 to vector<16xi32>
      %lt3A_368 = arith.cmpi slt, %iota3A, %lt3A_367 : vector<16xi32>
      %and3A_369 = arith.andi %eq3A_365, %lt3A_368 : vector<16xi1>
      %or3A_370 = arith.ori %or3A_351, %and3A_369 : vector<16xi1>
      %add3A_371 = arith.constant 12 : i32
      %add3A_372 = vector.broadcast %add3A_371 : i32 to vector<16xi32>
      %add3A_373 = arith.addi %iota3A, %add3A_372 : vector<16xi32>
      %ge3A_374 = arith.constant 16 : i32
      %ge3A_375 = vector.broadcast %ge3A_374 : i32 to vector<16xi32>
      %ge3A_376 = arith.cmpi sge, %add3A_373, %ge3A_375 : vector<16xi32>
      %sub3A_377 = arith.constant 16 : i32
      %sub3A_378 = vector.broadcast %sub3A_377 : i32 to vector<16xi32>
      %sub3A_379 = arith.subi %add3A_373, %sub3A_378 : vector<16xi32>
      %select_n3A_380 = arith.select %ge3A_376, %sub3A_379, %add3A_373 : vector<16xi1>, vector<16xi32>
      %broadcast_in_dim3A_381 = vector.shape_cast %select_n3A_380 : vector<16xi32> to vector<16x1xi32>
      %gather3A_382 = vector.shape_cast %broadcast_in_dim3A_381 : vector<16x1xi32> to vector<16xi32>
      %gather3A_383 = tpu.dynamic_gather %get3A_153[%gather3A_382] in [0] : vector<16xi32>, vector<16xi32> -> vector<16xi32>
      %eq3A_384 = arith.cmpi eq, %get3A_153, %gather3A_383 : vector<16xi32>
      %lt3A_385 = arith.constant 4 : i32
      %lt3A_386 = vector.broadcast %lt3A_385 : i32 to vector<16xi32>
      %lt3A_387 = arith.cmpi slt, %iota3A, %lt3A_386 : vector<16xi32>
      %and3A_388 = arith.andi %eq3A_384, %lt3A_387 : vector<16xi1>
      %or3A_389 = arith.ori %or3A_370, %and3A_388 : vector<16xi1>
      %add3A_390 = arith.constant 13 : i32
      %add3A_391 = vector.broadcast %add3A_390 : i32 to vector<16xi32>
      %add3A_392 = arith.addi %iota3A, %add3A_391 : vector<16xi32>
      %ge3A_393 = arith.constant 16 : i32
      %ge3A_394 = vector.broadcast %ge3A_393 : i32 to vector<16xi32>
      %ge3A_395 = arith.cmpi sge, %add3A_392, %ge3A_394 : vector<16xi32>
      %sub3A_396 = arith.constant 16 : i32
      %sub3A_397 = vector.broadcast %sub3A_396 : i32 to vector<16xi32>
      %sub3A_398 = arith.subi %add3A_392, %sub3A_397 : vector<16xi32>
      %select_n3A_399 = arith.select %ge3A_395, %sub3A_398, %add3A_392 : vector<16xi1>, vector<16xi32>
      %broadcast_in_dim3A_400 = vector.shape_cast %select_n3A_399 : vector<16xi32> to vector<16x1xi32>
      %gather3A_401 = vector.shape_cast %broadcast_in_dim3A_400 : vector<16x1xi32> to vector<16xi32>
      %gather3A_402 = tpu.dynamic_gather %get3A_153[%gather3A_401] in [0] : vector<16xi32>, vector<16xi32> -> vector<16xi32>
      %eq3A_403 = arith.cmpi eq, %get3A_153, %gather3A_402 : vector<16xi32>
      %lt3A_404 = arith.constant 3 : i32
      %lt3A_405 = vector.broadcast %lt3A_404 : i32 to vector<16xi32>
      %lt3A_406 = arith.cmpi slt, %iota3A, %lt3A_405 : vector<16xi32>
      %and3A_407 = arith.andi %eq3A_403, %lt3A_406 : vector<16xi1>
      %or3A_408 = arith.ori %or3A_389, %and3A_407 : vector<16xi1>
      %add3A_409 = arith.constant 14 : i32
      %add3A_410 = vector.broadcast %add3A_409 : i32 to vector<16xi32>
      %add3A_411 = arith.addi %iota3A, %add3A_410 : vector<16xi32>
      %ge3A_412 = arith.constant 16 : i32
      %ge3A_413 = vector.broadcast %ge3A_412 : i32 to vector<16xi32>
      %ge3A_414 = arith.cmpi sge, %add3A_411, %ge3A_413 : vector<16xi32>
      %sub3A_415 = arith.constant 16 : i32
      %sub3A_416 = vector.broadcast %sub3A_415 : i32 to vector<16xi32>
      %sub3A_417 = arith.subi %add3A_411, %sub3A_416 : vector<16xi32>
      %select_n3A_418 = arith.select %ge3A_414, %sub3A_417, %add3A_411 : vector<16xi1>, vector<16xi32>
      %broadcast_in_dim3A_419 = vector.shape_cast %select_n3A_418 : vector<16xi32> to vector<16x1xi32>
      %gather3A_420 = vector.shape_cast %broadcast_in_dim3A_419 : vector<16x1xi32> to vector<16xi32>
      %gather3A_421 = tpu.dynamic_gather %get3A_153[%gather3A_420] in [0] : vector<16xi32>, vector<16xi32> -> vector<16xi32>
      %eq3A_422 = arith.cmpi eq, %get3A_153, %gather3A_421 : vector<16xi32>
      %lt3A_423 = arith.constant 2 : i32
      %lt3A_424 = vector.broadcast %lt3A_423 : i32 to vector<16xi32>
      %lt3A_425 = arith.cmpi slt, %iota3A, %lt3A_424 : vector<16xi32>
      %and3A_426 = arith.andi %eq3A_422, %lt3A_425 : vector<16xi1>
      %or3A_427 = arith.ori %or3A_408, %and3A_426 : vector<16xi1>
      %add3A_428 = arith.constant 15 : i32
      %add3A_429 = vector.broadcast %add3A_428 : i32 to vector<16xi32>
      %add3A_430 = arith.addi %iota3A, %add3A_429 : vector<16xi32>
      %ge3A_431 = arith.constant 16 : i32
      %ge3A_432 = vector.broadcast %ge3A_431 : i32 to vector<16xi32>
      %ge3A_433 = arith.cmpi sge, %add3A_430, %ge3A_432 : vector<16xi32>
      %sub3A_434 = arith.constant 16 : i32
      %sub3A_435 = vector.broadcast %sub3A_434 : i32 to vector<16xi32>
      %sub3A_436 = arith.subi %add3A_430, %sub3A_435 : vector<16xi32>
      %select_n3A_437 = arith.select %ge3A_433, %sub3A_436, %add3A_430 : vector<16xi1>, vector<16xi32>
      %broadcast_in_dim3A_438 = vector.shape_cast %select_n3A_437 : vector<16xi32> to vector<16x1xi32>
      %gather3A_439 = vector.shape_cast %broadcast_in_dim3A_438 : vector<16x1xi32> to vector<16xi32>
      %gather3A_440 = tpu.dynamic_gather %get3A_153[%gather3A_439] in [0] : vector<16xi32>, vector<16xi32> -> vector<16xi32>
      %eq3A_441 = arith.cmpi eq, %get3A_153, %gather3A_440 : vector<16xi32>
      %lt3A_442 = arith.constant 1 : i32
      %lt3A_443 = vector.broadcast %lt3A_442 : i32 to vector<16xi32>
      %lt3A_444 = arith.cmpi slt, %iota3A, %lt3A_443 : vector<16xi32>
      %and3A_445 = arith.andi %eq3A_441, %lt3A_444 : vector<16xi1>
      %or3A_446 = arith.ori %or3A_427, %and3A_445 : vector<16xi1>
      %ge3A_447 = arith.constant 0 : i32
      %ge3A_448 = vector.broadcast %ge3A_447 : i32 to vector<16xi32>
      %ge3A_449 = arith.cmpi sge, %sub3A_155, %ge3A_448 : vector<16xi32>
      %lt3A_450 = arith.constant 25088 : i32
      %lt3A_451 = vector.broadcast %lt3A_450 : i32 to vector<16xi32>
      %lt3A_452 = arith.cmpi slt, %sub3A_155, %lt3A_451 : vector<16xi32>
      %and3A_453 = arith.andi %ge3A_449, %lt3A_452 : vector<16xi1>
      %not3A = arith.constant dense<true> : vector<16xi1>
      %not3A_454 = arith.xori %or3A_446, %not3A : vector<16xi1>
      %and3A_455 = arith.andi %and3A_453, %not3A_454 : vector<16xi1>
      tpu.vector_store_idx %arg17[%sub3A_155], %mul3A_160 masked %and3A_455 : memref<25088xf32, #tpu.memory_space<vmem>>[vector<16xi32>], vector<16xf32>, vector<16xi1>
    }
    %scan3A_145 = arith.constant 16 : i32
    %mul3A_146 = arith.constant 100000 : i32
    %mul3A_147 = arith.muli %add3A_42, %mul3A_146 : i32
    %add3A_148 = arith.addi %mul3A_147, %select_n3A_139 : i32
    "tpu.region"() ({
      %run_scoped3A = tpu.sem_alloc : memref<!tpu.dma_semaphore, #tpu.memory_space<semaphore_mem>>
      %dma_start3A_149 = tpu.memref_slice %arg7[%add3A_148] : memref<800000xf32, #tpu.memory_space<hbm>> -> memref<25088xf32, #tpu.memory_space<hbm>>
      %dma_start3A_150 = tpu.memref_slice %arg7[%add3A_148] : memref<800000xf32, #tpu.memory_space<hbm>> -> memref<25088xf32, #tpu.memory_space<hbm>>
      tpu.enqueue_dma source(%arg17 : memref<25088xf32, #tpu.memory_space<vmem>>) target(%dma_start3A_150 : memref<25088xf32, #tpu.memory_space<hbm>>) target_semaphore(%run_scoped3A : memref<!tpu.dma_semaphore, #tpu.memory_space<semaphore_mem>>)
      %dma_wait3A = tpu.memref_slice %arg7[%add3A_148] : memref<800000xf32, #tpu.memory_space<hbm>> -> memref<25088xf32, #tpu.memory_space<hbm>>
      %dma_wait3A_151 = tpu.memref_slice %arg7[%add3A_148] : memref<800000xf32, #tpu.memory_space<hbm>> -> memref<25088xf32, #tpu.memory_space<hbm>>
      tpu.wait_dma2 semaphore(%run_scoped3A : memref<!tpu.dma_semaphore, #tpu.memory_space<semaphore_mem>>) src(%arg17 : memref<25088xf32, #tpu.memory_space<vmem>>) dst(%dma_wait3A_151 : memref<25088xf32, #tpu.memory_space<hbm>>)
      tpu.yield
    }) : () -> ()
    return
  }
}

module attributes {stable_mosaic.version = 14 : i64} {
  func.func @_dense_body(%arg0: i32, %arg1: memref<1x256x768xf32, #tpu.memory_space<vmem>>, %arg2: memref<768x1xf32, #tpu.memory_space<vmem>>, %arg3: memref<1x1x32xi32, #tpu.memory_space<vmem>>, %arg4: memref<1x1x32xi32, #tpu.memory_space<vmem>>, %arg5: memref<256x256xf32, #tpu.memory_space<vmem>>, %arg6: memref<256x256xf32, #tpu.memory_space<vmem>>, %arg7: memref<256x256xf32, #tpu.memory_space<vmem>>, %arg8: memref<1x1x32xf32, #tpu.memory_space<vmem>>, %arg9: memref<1x32x768xf32, #tpu.memory_space<vmem>>) attributes {dimension_semantics = [#tpu.dimension_semantics<arbitrary>], iteration_bounds = array<i64: 8>, scalar_prefetch = 0 : i64, scratch_operands = 0 : i64, tpu.core_type = #tpu.core_type<tc>, window_params = [{transform_indices = @transform_0, window_bounds = array<i64: 1, 256, 768>}, {pipeline_mode = #tpu.pipeline_mode<synchronous>, transform_indices = @transform_1, window_bounds = array<i64: 768, 1>}, {transform_indices = @transform_2, window_bounds = array<i64: 1, 1, 32>}, {transform_indices = @transform_3, window_bounds = array<i64: 1, 1, 32>}, {pipeline_mode = #tpu.pipeline_mode<synchronous>, transform_indices = @transform_4, window_bounds = array<i64: 256, 256>}, {pipeline_mode = #tpu.pipeline_mode<synchronous>, transform_indices = @transform_5, window_bounds = array<i64: 256, 256>}, {pipeline_mode = #tpu.pipeline_mode<synchronous>, transform_indices = @transform_6, window_bounds = array<i64: 256, 256>}, {transform_indices = @transform_7, window_bounds = array<i64: 1, 1, 32>}, {transform_indices = @transform_8, window_bounds = array<i64: 1, 32, 768>}]} {
    %get3A = arith.constant 0 : index
    %get3A_0 = arith.constant 0 : index
    %get3A_1 = vector.load %arg2[%get3A, %get3A_0] : memref<768x1xf32, #tpu.memory_space<vmem>>, vector<768x1xf32>
    %iota3A = tpu.iota {dimensions = array<i32: 1>} : vector<32x256xi32>
    %get3A_2 = arith.constant 0 : index
    %get3A_3 = arith.constant 0 : index
    %get3A_4 = arith.constant 0 : index
    %get3A_5 = vector.load %arg1[%get3A_2, %get3A_3, %get3A_4] : memref<1x256x768xf32, #tpu.memory_space<vmem>>, vector<1x256x768xf32>
    %get3A_6 = vector.shape_cast %get3A_5 : vector<1x256x768xf32> to vector<256x768xf32>
    %get3A_7 = arith.constant 0 : index
    %get3A_8 = arith.constant 0 : index
    %get3A_9 = vector.load %arg5[%get3A_7, %get3A_8] : memref<256x256xf32, #tpu.memory_space<vmem>>, vector<256x256xf32>
    %dot_general3A = arith.constant dense<0.000000e+00> : vector<256x768xf32>
    %dot_general3A_10 = tpu.matmul %get3A_9, %get3A_6, %dot_general3A {dimension_numbers = #tpu.dot_dimension_numbers<[1], [0], [0], [1], [0, 0, 1, 1], [], []>, transpose_lhs_hint = false} : vector<256x256xf32>, vector<256x768xf32>, vector<256x768xf32> -> vector<256x768xf32>
    %dot_general3A_11 = arith.constant dense<0.000000e+00> : vector<256x1xf32>
    %dot_general3A_12 = tpu.matmul %dot_general3A_10, %get3A_1, %dot_general3A_11 {dimension_numbers = #tpu.dot_dimension_numbers<[1], [0], [0], [1], [0, 0, 1, 1], [], []>, transpose_lhs_hint = false} : vector<256x768xf32>, vector<768x1xf32>, vector<256x1xf32> -> vector<256x1xf32>
    %dot_general3A_13 = arith.constant dense<0.000000e+00> : vector<256x1xf32>
    %dot_general3A_14 = tpu.matmul %get3A_6, %get3A_1, %dot_general3A_13 {dimension_numbers = #tpu.dot_dimension_numbers<[1], [0], [0], [1], [0, 0, 1, 1], [], []>, transpose_lhs_hint = false} : vector<256x768xf32>, vector<768x1xf32>, vector<256x1xf32> -> vector<256x1xf32>
    %sub3A = arith.subf %dot_general3A_12, %dot_general3A_14 : vector<256x1xf32>
    %broadcast_in_dim3A = arith.constant 1.000000e+00 : f32
    %broadcast_in_dim3A_15 = vector.broadcast %broadcast_in_dim3A : f32 to vector<256x1xf32>
    %reshape3A = vector.shape_cast %dot_general3A_12 : vector<256x1xf32> to vector<1x256xf32>
    %concatenate3A = tpu.concatenate %broadcast_in_dim3A_15, %sub3A in 1 : vector<256x1xf32>, vector<256x1xf32> -> vector<256x2xf32>
    %reshape3A_16 = vector.shape_cast %broadcast_in_dim3A_15 : vector<256x1xf32> to vector<1x256xf32>
    %neg3A = arith.constant 0.000000e+00 : f32
    %neg3A_17 = vector.broadcast %neg3A : f32 to vector<1x256xf32>
    %neg3A_18 = arith.subf %neg3A_17, %reshape3A_16 : vector<1x256xf32>
    %concatenate3A_19 = tpu.concatenate %reshape3A, %neg3A_18 in 0 : vector<1x256xf32>, vector<1x256xf32> -> vector<2x256xf32>
    %dot_general3A_20 = arith.constant dense<0.000000e+00> : vector<256x256xf32>
    %dot_general3A_21 = tpu.matmul %concatenate3A, %concatenate3A_19, %dot_general3A_20 {dimension_numbers = #tpu.dot_dimension_numbers<[1], [0], [0], [1], [0, 0, 1, 1], [], []>, transpose_lhs_hint = false} : vector<256x2xf32>, vector<2x256xf32>, vector<256x256xf32> -> vector<256x256xf32>
    %get3A_22 = arith.constant 0 : index
    %get3A_23 = arith.constant 0 : index
    %get3A_24 = vector.load %arg6[%get3A_22, %get3A_23] : memref<256x256xf32, #tpu.memory_space<vmem>>, vector<256x256xf32>
    %mul3A = arith.mulf %dot_general3A_21, %get3A_24 : vector<256x256xf32>
    %get3A_25 = arith.constant 0 : index
    %get3A_26 = arith.constant 0 : index
    %get3A_27 = vector.load %arg7[%get3A_25, %get3A_26] : memref<256x256xf32, #tpu.memory_space<vmem>>, vector<256x256xf32>
    %add3A = arith.addf %mul3A, %get3A_27 : vector<256x256xf32>
    %exp3A = math.exp %add3A : vector<256x256xf32>
    %reshape3A_28 = vector.shape_cast %broadcast_in_dim3A_15 : vector<256x1xf32> to vector<1x256xf32>
    %dot_general3A_29 = arith.constant dense<0.000000e+00> : vector<1x256xf32>
    %dot_general3A_30 = tpu.matmul %reshape3A_28, %exp3A, %dot_general3A_29 {dimension_numbers = #tpu.dot_dimension_numbers<[1], [0], [0], [1], [0, 0, 1, 1], [], []>, transpose_lhs_hint = false} : vector<1x256xf32>, vector<256x256xf32>, vector<1x256xf32> -> vector<1x256xf32>
    %dot_general3A_31 = arith.constant dense<0.000000e+00> : vector<1x1xf32>
    %dot_general3A_32 = tpu.matmul %dot_general3A_30, %broadcast_in_dim3A_15, %dot_general3A_31 {dimension_numbers = #tpu.dot_dimension_numbers<[1], [0], [0], [1], [0, 0, 1, 1], [], []>, transpose_lhs_hint = false} : vector<1x256xf32>, vector<256x1xf32>, vector<1x1xf32> -> vector<1x1xf32>
    %squeeze3A = vector.extract %dot_general3A_32[0, 0] : f32 from vector<1x1xf32>
    %get3A_33 = arith.constant 0 : index
    %get3A_34 = arith.constant 0 : index
    %get3A_35 = arith.constant 0 : index
    %get3A_36 = vector.load %arg3[%get3A_33, %get3A_34, %get3A_35] : memref<1x1x32xi32, #tpu.memory_space<vmem>>, vector<1x1x32xi32>
    %get3A_37 = vector.shape_cast %get3A_36 : vector<1x1x32xi32> to vector<32xi32>
    %get3A_38 = arith.constant 0 : index
    %get3A_39 = arith.constant 0 : index
    %get3A_40 = arith.constant 0 : index
    %get3A_41 = vector.load %arg4[%get3A_38, %get3A_39, %get3A_40] : memref<1x1x32xi32, #tpu.memory_space<vmem>>, vector<1x1x32xi32>
    %get3A_42 = vector.shape_cast %get3A_41 : vector<1x1x32xi32> to vector<32xi32>
    %broadcast_in_dim3A_43 = vector.shape_cast %get3A_37 : vector<32xi32> to vector<32x1xi32>
    %eq3A = vector.broadcast %broadcast_in_dim3A_43 : vector<32x1xi32> to vector<32x256xi32>
    %eq3A_44 = arith.cmpi eq, %iota3A, %eq3A : vector<32x256xi32>
    %convert_element_type3A = arith.extui %eq3A_44 : vector<32x256xi1> to vector<32x256xi32>
    %convert_element_type3A_45 = arith.sitofp %convert_element_type3A : vector<32x256xi32> to vector<32x256xf32>
    %broadcast_in_dim3A_46 = vector.shape_cast %get3A_42 : vector<32xi32> to vector<32x1xi32>
    %eq3A_47 = vector.broadcast %broadcast_in_dim3A_46 : vector<32x1xi32> to vector<32x256xi32>
    %eq3A_48 = arith.cmpi eq, %iota3A, %eq3A_47 : vector<32x256xi32>
    %convert_element_type3A_49 = arith.extui %eq3A_48 : vector<32x256xi1> to vector<32x256xi32>
    %convert_element_type3A_50 = arith.sitofp %convert_element_type3A_49 : vector<32x256xi32> to vector<32x256xf32>
    %sub3A_51 = arith.subi %get3A_42, %get3A_37 : vector<32xi32>
    %add3A_52 = arith.constant 1 : i32
    %add3A_53 = vector.broadcast %add3A_52 : i32 to vector<32xi32>
    %add3A_54 = arith.addi %sub3A_51, %add3A_53 : vector<32xi32>
    %convert_element_type3A_55 = arith.sitofp %add3A_54 : vector<32xi32> to vector<32xf32>
    %broadcast_in_dim3A_56 = vector.shape_cast %convert_element_type3A_55 : vector<32xf32> to vector<32x1xf32>
    %dot_general3A_57 = arith.constant dense<0.000000e+00> : vector<32x1xf32>
    %dot_general3A_58 = tpu.matmul %convert_element_type3A_50, %dot_general3A_12, %dot_general3A_57 {dimension_numbers = #tpu.dot_dimension_numbers<[1], [0], [0], [1], [0, 0, 1, 1], [], []>, transpose_lhs_hint = false} : vector<32x256xf32>, vector<256x1xf32>, vector<32x1xf32> -> vector<32x1xf32>
    %dot_general3A_59 = arith.constant dense<0.000000e+00> : vector<32x1xf32>
    %dot_general3A_60 = tpu.matmul %convert_element_type3A_45, %sub3A, %dot_general3A_59 {dimension_numbers = #tpu.dot_dimension_numbers<[1], [0], [0], [1], [0, 0, 1, 1], [], []>, transpose_lhs_hint = false} : vector<32x256xf32>, vector<256x1xf32>, vector<32x1xf32> -> vector<32x1xf32>
    %sub3A_61 = arith.subf %dot_general3A_58, %dot_general3A_60 : vector<32x1xf32>
    %div3A = arith.divf %sub3A_61, %broadcast_in_dim3A_56 : vector<32x1xf32>
    %exp3A_62 = math.exp %div3A : vector<32x1xf32>
    %div3A_63 = vector.broadcast %squeeze3A : f32 to vector<32x1xf32>
    %div3A_64 = arith.divf %exp3A_62, %div3A_63 : vector<32x1xf32>
    %reshape3A_65 = vector.shape_cast %div3A_64 : vector<32x1xf32> to vector<32xf32>
    %swap3A = arith.constant 0 : index
    %swap3A_66 = arith.constant 0 : index
    %swap3A_67 = arith.constant 0 : index
    %swap3A_68 = vector.load %arg8[%swap3A, %swap3A_66, %swap3A_67] : memref<1x1x32xf32, #tpu.memory_space<vmem>>, vector<1x1x32xf32>
    %swap3A_69 = vector.shape_cast %swap3A_68 : vector<1x1x32xf32> to vector<32xf32>
    %swap3A_70 = vector.shape_cast %reshape3A_65 : vector<32xf32> to vector<1x1x32xf32>
    tpu.vector_store %arg8[%swap3A, %swap3A_66, %swap3A_67], %swap3A_70 {strides = array<i32>} : memref<1x1x32xf32, #tpu.memory_space<vmem>>, vector<1x1x32xf32>,
    %dot_general3A_71 = arith.constant dense<0.000000e+00> : vector<32x768xf32>
    %dot_general3A_72 = tpu.matmul %convert_element_type3A_50, %dot_general3A_10, %dot_general3A_71 {dimension_numbers = #tpu.dot_dimension_numbers<[1], [0], [0], [1], [0, 0, 1, 1], [], []>, transpose_lhs_hint = false} : vector<32x256xf32>, vector<256x768xf32>, vector<32x768xf32> -> vector<32x768xf32>
    %sub3A_73 = arith.subf %dot_general3A_10, %get3A_6 : vector<256x768xf32>
    %dot_general3A_74 = arith.constant dense<0.000000e+00> : vector<32x768xf32>
    %dot_general3A_75 = tpu.matmul %convert_element_type3A_45, %sub3A_73, %dot_general3A_74 {dimension_numbers = #tpu.dot_dimension_numbers<[1], [0], [0], [1], [0, 0, 1, 1], [], []>, transpose_lhs_hint = false} : vector<32x256xf32>, vector<256x768xf32>, vector<32x768xf32> -> vector<32x768xf32>
    %sub3A_76 = arith.subf %dot_general3A_72, %dot_general3A_75 : vector<32x768xf32>
    %div3A_77 = vector.broadcast %broadcast_in_dim3A_56 : vector<32x1xf32> to vector<32x768xf32>
    %div3A_78 = arith.divf %sub3A_76, %div3A_77 : vector<32x768xf32>
    %swap3A_79 = arith.constant 0 : index
    %swap3A_80 = arith.constant 0 : index
    %swap3A_81 = arith.constant 0 : index
    %swap3A_82 = vector.load %arg9[%swap3A_79, %swap3A_80, %swap3A_81] : memref<1x32x768xf32, #tpu.memory_space<vmem>>, vector<1x32x768xf32>
    %swap3A_83 = vector.shape_cast %swap3A_82 : vector<1x32x768xf32> to vector<32x768xf32>
    %swap3A_84 = vector.shape_cast %div3A_78 : vector<32x768xf32> to vector<1x32x768xf32>
    tpu.vector_store %arg9[%swap3A_79, %swap3A_80, %swap3A_81], %swap3A_84 {strides = array<i32>} : memref<1x32x768xf32, #tpu.memory_space<vmem>>, vector<1x32x768xf32>,
    return
  }
  func.func @transform_0(%arg0: i32) -> (i32, i32, i32) {
    %c0_i32 = arith.constant 0 : i32
    %c0_i32_0 = arith.constant 0 : i32
    %c0_i32_1 = arith.constant 0 : i32
    return %arg0, %c0_i32, %c0_i32_0 : i32, i32, i32
  }
  func.func @transform_1(%arg0: i32) -> (i32, i32) {
    %c0_i32 = arith.constant 0 : i32
    %c0_i32_0 = arith.constant 0 : i32
    %c0_i32_1 = arith.constant 0 : i32
    return %c0_i32, %c0_i32_0 : i32, i32
  }
  func.func @transform_2(%arg0: i32) -> (i32, i32, i32) {
    %c0_i32 = arith.constant 0 : i32
    %c0_i32_0 = arith.constant 0 : i32
    %c0_i32_1 = arith.constant 0 : i32
    return %arg0, %c0_i32, %c0_i32_0 : i32, i32, i32
  }
  func.func @transform_3(%arg0: i32) -> (i32, i32, i32) {
    %c0_i32 = arith.constant 0 : i32
    %c0_i32_0 = arith.constant 0 : i32
    %c0_i32_1 = arith.constant 0 : i32
    return %arg0, %c0_i32, %c0_i32_0 : i32, i32, i32
  }
  func.func @transform_4(%arg0: i32) -> (i32, i32) {
    %c0_i32 = arith.constant 0 : i32
    %c0_i32_0 = arith.constant 0 : i32
    %c0_i32_1 = arith.constant 0 : i32
    return %c0_i32, %c0_i32_0 : i32, i32
  }
  func.func @transform_5(%arg0: i32) -> (i32, i32) {
    %c0_i32 = arith.constant 0 : i32
    %c0_i32_0 = arith.constant 0 : i32
    %c0_i32_1 = arith.constant 0 : i32
    return %c0_i32, %c0_i32_0 : i32, i32
  }
  func.func @transform_6(%arg0: i32) -> (i32, i32) {
    %c0_i32 = arith.constant 0 : i32
    %c0_i32_0 = arith.constant 0 : i32
    %c0_i32_1 = arith.constant 0 : i32
    return %c0_i32, %c0_i32_0 : i32, i32
  }
  func.func @transform_7(%arg0: i32) -> (i32, i32, i32) {
    %c0_i32 = arith.constant 0 : i32
    %c0_i32_0 = arith.constant 0 : i32
    %c0_i32_1 = arith.constant 0 : i32
    return %arg0, %c0_i32, %c0_i32_0 : i32, i32, i32
  }
  func.func @transform_8(%arg0: i32) -> (i32, i32, i32) {
    %c0_i32 = arith.constant 0 : i32
    %c0_i32_0 = arith.constant 0 : i32
    %c0_i32_1 = arith.constant 0 : i32
    return %arg0, %c0_i32, %c0_i32_0 : i32, i32, i32
  }
}

</mosaic_0001>

<sc_bundles>
// kernel: kernel.4.cloned.1.call-start
scs
__scs_entry_jumppad:
0x0: {  	(pc) =	sbr.rel $0x88, $3  }
0x1: {  	(tag) =	ssettag $0x0;
	lr =	simm.s32 $0x1  }
0x2: {  	[smem:$0x3F9B] =	sst lr;
	_ =	strace $0xD0000000  }
0x3: {  	_ = 	snop  }
0x4: {  	_ = 	snop  }
0x5: {  	_ = 	snop  }
0x6: {  	_ = 	snop  }
0x7: {  	_ = 	snop  }
__scs_overlays_trampoline_lowered:
0x8: {  	[smem:$0x3FAA] =	sst s0  }
0x9: {  	[smem:$0x3FAB] =	sst s1  }
0xa: {  	[smem:$0x3FAC] =	sst s2  }
0xb: {  	[smem:$0x3FAD] =	sst s3  }
0xc: {  	[smem:$0x3FAE] =	sst s4  }
0xd: {  	[smem:$0x3FAF] =	sst s5  }
0xe: {  	[smem:$0x3FB0] =	sst s6  }
0xf: {  	[smem:$0x3FB1] =	sst s7  }
0x10: {  	[smem:$0x3FB2] =	sst s8  }
0x11: {  	[smem:$0x3FB3] =	sst s9;
	s0 =	simm.s32 @!p0 $0x0  }
0x12: {  	s1 =	sld [smem:$0x3F99];
	s0 =	simm.s32 @p0 $0x1  }
0x13: {  	[smem:$0x3FB4] =	sst s0;
	s0 =	simm.s32 @!p1 $0x0  }
0x14: {  	s2 =	sld [smem:$0x3F98];
	s0 =	simm.s32 @p1 $0x1  }
0x15: {  	[smem:$0x3FB5] =	sst s0;
	s0 =	simm.s32 @!p2 $0x0  }
0x16: {  	s3 =	sld [smem:$0x3FDB];
	s0 =	simm.s32 @p2 $0x1  }
0x17: {  	s4 =	simm.s32 $0x1BF5;
	[smem:$0x3FB7] =	sst s0  }
0x18: {  	s0 =	sld [smem:$0x3F9A];
	_ =	swait.ge [sflag:s4], $0x0  }
0x19: {  	s7 =	sld [smem:$0x3F9B]  }
0x1a: {  	s8 =	sadd.s32 $0xFFFFE003, lr  }
0x1b: {  	s9 =	sadd.s32 $0xFFFFFEF7, lr;
	s5 =	simm.s32 $0xFFFFFFFF;
	p2 =	slt.u32 s8, $0xFFFFF086  }
0x1c: {  	p1 =	slt.u32 s9, $0xF7A;
	s5 =	simm.s32 @!p2 $0x0  }
0x1d: {  	s5 =	simm.s32 @p1 $0x1;
	p0 =	seq.s32 s7, s2  }
0x1e: {  	s7 =	smul.u32 @!p0 $0xF7A, s2;
	p2 =	seq.s32 @!p0 s5, $0x0  }
0x1f: {  	s9 =	smul.u32 $0xF7A, s1;
	s8 =	simm.s32 @!p0 $0x1BF5;
	p2 =	por !p2, p0  }
0x20: {  	[sflag:s8] =	ssyncset.s32 @!p0 $0xFFFFF086;
	s6 =	sadd.s32 @!p0 s3, s7;
	s7 =	simm.s32 @!p0 $0x108  }
0x21: {  	s3 =	sadd.s32 s3, s9;
	s6 =	sadd.s32 @!p0 $0x88, s6;
	s7 =	simm.s32 @p2 $0x1082  }
0x22: {  	[simem:s7], [sflag:s8] =	dma.local @!p0 [hbm:s6], $0xF7A  }
0x23: {  	s9 =	sor.u32 $0xD0000000, s2;
	s6 =	simm.s32 $0x108;
	_ =	swait.ge @!p0 [sflag:s8], $0x0  }
0x24: {  	s3 =	sadd.s32 $0x88, s3;
	s6 =	simm.s32 @!p1 $0x1082;
	[sflag:s4] =	ssyncset.s32 $0xFFFFF086  }
0x25: {  	[simem:s6], [sflag:s4] =	dma.local [hbm:s3], $0xF7A  }
0x26: {  	[smem:$0x3F9B] =	sst s1;
	(tag) =	ssettag s2;
	_ =	strace s9  }
0x27: {  	s1 =	sld [smem:$0x3FAB]  }
0x28: {  	s2 =	sld [smem:$0x3FAC]  }
0x29: {  	s4 =	sld [smem:$0x3FAE]  }
0x2a: {  	p0 =	seq.s32 s5, $0x0;
	s5 =	sld [smem:$0x3FAF]  }
0x2b: {  	s6 =	sld [smem:$0x3FB0]  }
0x2c: {  	s7 =	sld [smem:$0x3FB1]  }
0x2d: {  	s3 =	simm.s32 $0x108;
	s8 =	sld [smem:$0x3FB2]  }
0x2e: {  	s3 =	simm.s32 @!p0 $0x1082;
	s9 =	sld [smem:$0x3FB3]  }
0x2f: {  	lr =	sadd.s32 s0, s3;
	s0 =	sld [smem:$0x3FAA]  }
0x30: {  	s3 =	sld [smem:$0x3FAD]  }
0x31: {  	[smem:$0x3FB6] =	sst s10  }
0x32: {  	s10 =	sld [smem:$0x3FB4];
	_ =	sdelay $0x3  }
0x33: {  	p0 =	seq.s32 s10, $0x1;
	s10 =	sld [smem:$0x3FB6];
	_ =	sdelay $0x3  }
0x34: {  	[smem:$0x3FB6] =	sst s10  }
0x35: {  	s10 =	sld [smem:$0x3FB5];
	_ =	sdelay $0x3  }
0x36: {  	p1 =	seq.s32 s10, $0x1;
	s10 =	sld [smem:$0x3FB6];
	_ =	sdelay $0x3  }
0x37: {  	[smem:$0x3FB6] =	sst s10  }
0x38: {  	s10 =	sld [smem:$0x3FB7]  }
0x39: {  	_ = 	snop;
	(pc) =	sbr.ind lr, $3  }
0x3a: {  	_ = 	snop  }
0x3b: {  	_ = 	snop  }
0x3c: {  	p2 =	seq.s32 s10, $0x1;
	s10 =	sld [smem:$0x3FB6]  }
0x3d: {  	_ =	shalt  }
0x3e: {  	_ =	shalt  }
0x3f: {  	_ =	shalt  }
0x40: {  	_ =	shalt  }
0x41: {  	_ =	shalt  }
0x42: {  	_ =	shalt  }
0x43: {  	_ =	shalt  }
0x44: {  	_ =	shalt  }
0x45: {  	_ =	shalt  }
0x46: {  	_ =	shalt  }
0x47: {  	_ =	shalt  }
0x48: {  	_ =	shalt  }
0x49: {  	_ =	shalt  }
0x4a: {  	_ =	shalt  }
0x4b: {  	_ =	shalt  }
0x4c: {  	_ =	shalt  }
0x4d: {  	_ =	shalt  }
0x4e: {  	_ =	shalt  }
0x4f: {  	_ =	shalt  }
0x50: {  	_ =	shalt  }
0x51: {  	_ =	shalt  }
0x52: {  	_ =	shalt  }
0x53: {  	_ =	shalt  }
0x54: {  	_ =	shalt  }
0x55: {  	_ =	shalt  }
0x56: {  	_ =	shalt  }
0x57: {  	_ =	shalt  }
0x58: {  	_ =	shalt  }
0x59: {  	_ =	shalt  }
0x5a: {  	_ =	shalt  }
0x5b: {  	_ =	shalt  }
0x5c: {  	_ =	shalt  }
0x5d: {  	_ =	shalt  }
0x5e: {  	_ =	shalt  }
0x5f: {  	_ =	shalt  }
0x60: {  	_ =	shalt  }
0x61: {  	_ =	shalt  }
0x62: {  	_ =	shalt  }
0x63: {  	_ =	shalt  }
0x64: {  	_ =	shalt  }
0x65: {  	_ =	shalt  }
0x66: {  	_ =	shalt  }
0x67: {  	_ =	shalt  }
0x68: {  	_ =	shalt  }
0x69: {  	_ =	shalt  }
0x6a: {  	_ =	shalt  }
0x6b: {  	_ =	shalt  }
0x6c: {  	_ =	shalt  }
0x6d: {  	_ =	shalt  }
0x6e: {  	_ =	shalt  }
0x6f: {  	_ =	shalt  }
0x70: {  	_ =	shalt  }
0x71: {  	_ =	shalt  }
0x72: {  	_ =	shalt  }
0x73: {  	_ =	shalt  }
0x74: {  	_ =	shalt  }
0x75: {  	_ =	shalt  }
0x76: {  	_ =	shalt  }
0x77: {  	_ =	shalt  }
0x78: {  	_ =	shalt  }
0x79: {  	_ =	shalt  }
0x7a: {  	_ =	shalt  }
0x7b: {  	_ =	shalt  }
0x7c: {  	_ =	shalt  }
0x7d: {  	_ =	shalt  }
0x7e: {  	_ =	shalt  }
0x7f: {  	_ =	shalt  }
0x80: {  	_ =	shalt  }
0x81: {  	_ =	shalt  }
0x82: {  	_ =	shalt  }
0x83: {  	_ =	shalt  }
0x84: {  	_ =	shalt  }
0x85: {  	_ =	shalt  }
0x86: {  	_ =	shalt  }
0x87: {  	_ =	shalt  }
.Lfunc_end0:
.L_simem_size_0:
called_computation_lowered:
.L_overlay_start_0:
0x88: {  	s2 =	sld [smem:$0x3FD9]  }
0x89: {  	s3 =	sld [smem:$0x3FFE];
	_ =	sdelay $0x1  }
0x8a: {  	s1 =	srdreg.scid  }
0x8b: {  	s0 =	sand.u32 $0x1, s1  }
0x8c: {  	s17 =	sshll.u32 s0, $0xA;
	s2 =	sadd.s32 s3, s2  }
0x8d: {  	s2 =	sadd.s32 s2, s17  }
0x8e: {  	[smem:$0x3FC2] =	sst s2  }
0x8f: {  	_ = 	snop  }
0x90: {  	s2 =	sld [smem:$0x3FC4]  }
0x91: {  	s18 =	sld [smem:$0x3FD0];
	(tm) =	ssettm $0x1  }
0x92: {  	s4 =	sld [smem:$0x3FFB];
	_ =	sdelay $0x3  }
0x93: {  	_ =	strace s4  }
0x94: {  	s4 =	sld [smem:$0x3FFC];
	_ =	sdelay $0x3  }
0x95: {  	_ =	strace s4  }
0x96: {  	s4 =	sld [smem:$0x3FFD];
	_ =	sdelay $0x3  }
0x97: {  	_ =	strace s4  }
0x98: {  	_ =	strace $0x8FFFFFFF  }
0x99: {  	s19 =	sld [smem:$0x3FDB];
	_ =	sdelay $0x1  }
0x9a: {  	s5 =	simm.s32 $_scs_section_size  }
0x9b: {  	s6 =	simm.s32 $_size__tile_overlayer_lowered;
	s7 =	simm.s32 $_tile_overlayer_lowered  }
0x9c: {  	s22 =	simm.s32 $0x1BFF;
	s21 =	sshll.u32 s7, $0x1;
	s4 =	sadd.s32 s5, s19  }
0x9d: {  	s8 =	simm.s32 $0x0;
	s20 =	sshll.u32 s6, $0x1;
	s6 =	sadd.s32 s21, s4  }
0x9e: {  	[timem:s8], [sflag:s22] =	dma.local [hbm:s6], s20  }
0x9f: {  	_ =	swait.ge [sflag:s22], s20  }
0xa0: {  	s5 =	ssub.s32 $0x0, s20;
	[sflag:s22] =	ssyncset.done $0x0  }
0xa1: {  	[sflag:s22] =	ssyncadd.s32 s5;
	_ =	sdelay $0x1  }
0xa2: {  	s23 =	simm.s32 $0x1B8B  }
0xa3: {  	_ =	swait.ge [sflag:s23], $0x1  }
0xa4: {  	[sflag:s23] =	ssyncset.done $0x0  }
0xa5: {  	s25 =	simm.s32 $0x1B8E;
	s24 =	sld [smem:$0x3FFE];
	[sflag:s23] =	ssyncadd.s32 $0xFFFFFFFF  }
0xa6: {  	s26 =	simm.s32 $execute0_lowered;
	[smem:$0x3FD2] =	sst s25  }
0xa7: {  	s6 =	sshll.u32 s26, $0x1;
	_ =	strace $0x80000046;
	[dreg:$0x1] =	wrdreg $0xFFFFFFFF  }
0xa8: {  	s28 =	simm.s32 $_size_execute0_lowered;
	s4 =	sadd.s32 s4, s6;
	[dreg:$0x0] =	wrdreg $0x0  }
0xa9: {  	s6 =	sshll.u32 s28, $0x1;
	[dreg:$0x2] =	wrdreg s4  }
0xaa: {  	[dreg:$0x3] =	wrdreg s6  }
0xab: {  	[dreg:$0x4] =	wrdreg $0xC0  }
0xac: {  	_ =	task [dreg:s8], $0x5FFFF  }
0xad: {  	[dreg:$0x1] =	wrdreg $0xFFFFFFFF  }
0xae: {  	[dreg:$0x0] =	wrdreg $0x60  }
0xaf: {  	[dreg:$0x2] =	wrdreg s24  }
0xb0: {  	[dreg:$0x3] =	wrdreg s18  }
0xb1: {  	[dreg:$0x4] =	wrdreg s2  }
0xb2: {  	[dreg:$0x5] =	wrdreg $0x142000  }
0xb3: {  	[dreg:$0x6] =	wrdreg $0x9  }
0xb4: {  	_ =	task.clear_ibuf [dreg:s8], $0x7FFFF;
	_ =	strace $0x90000046  }
0xb5: {  	s29 =	simm.s32 $0x9;
	_ =	strace $0x80000048  }
0xb6: {  	_ =	swait.ge [sflag:s29], $0x1  }
0xb7: {  	[sflag:s29] =	ssyncadd.s32 $0xFFFFFFFF  }
0xb8: {  	_ =	strace $0x90000048  }
0xb9: {  	_ =	sfence  }
0xba: {  	s30 =	sld [smem:$0x0];
	_ =	sdelay $0x2  }
0xbb: {  	s31 =	sshll.u32 s1, $0xD;
	s1 =	sshrl.u32 s1, $0x2  }
0xbc: {  	s3 =	sand.u32 $0x4000, s31;
	s1 =	sadd.s32 s1, s30  }
0xbd: {  	s0 =	sor.u32 s3, s0;
	s1 =	sshll.u32 s1, $0x11  }
0xbe: {  	s0 =	sor.u32 s1, s0  }
0xbf: {  	s0 =	sadd.s32 $0x8F2B, s0  }
0xc0: {  	[sflag:s0] =	ssyncadd.remote.s32 $0x1  }
0xc1: {  	_ =	sfence.sel $0xFFFF  }
0xc2: {  	[dreg:$0x0] =	wrdreg $0xFFFFFFFF;
	(pc) =	sbr.abs _section_cstart, $3  }
0xc3: {  	[dreg:$0x1] =	wrdreg $0xFFFFFFFF  }
0xc4: {  	_ =	task.clear_ibuf [dreg:s8], $0x2FFFF;
	_ =	strace $0x9FFFFFFF  }
0xc5: {  	(tm) =	ssettm $0x7FFFFFFF  }
tec
execute0_lowered:
.L_overlay_start_1:
0x0: {  	(tag) =	ssettag $0x1  }
0x1: {  	v0 =	vimm.s32 $0xFEDCBA98  }
0x2: {  	v8 =	vlaneseq.u32;
	v2 =	vimm.s32 $0x76543210;
	v35 =	vimm.s32 $0xBA98FEDC  }
0x3: {  	v3 =	vimm.s32 $0x32107654;
	v4 =	vimm.s32 $0xDCFE98BA;
	v5 =	vimm.s32 $0x54761032  }
0x4: {  	v6 =	vimm.s32 $0xEFCDAB89;
	v7 =	vimm.s32 $0x67452301;
	v1 =	vand.u32 $0x7, v8  }
0x5: {  	s5 =	stileid.u32;
	s2 =	rddreg [dreg:$0x0];
	v33 =	vshrl.u32 v8, $0x3;
	v34 =	vunpack.c.l.s4.s8 v2;
	v2 =	vunpack.c.l.s4.s8 v35  }
0x6: {  	s20 =	rddreg [dreg:$0x1];
	s0 =	sand.u32 $0x3, s5;
	v3 =	vunpack.c.l.s4.s8 v3;
	v4 =	vunpack.c.l.s4.s8 v4;
	v5 =	vunpack.c.l.s4.s8 v5  }
0x7: {  	s10 =	rddreg [dreg:$0x2];
	s12 =	simm.s32 $0x0;
	v6 =	vunpack.c.l.s4.s8 v6;
	v7 =	vunpack.c.l.s4.s8 v7;
	s1 =	smul.u32 $0x6200, s0;
	[tilespmem:$0x1FE60] =	vst v1;
	v1 =	vmul.u32 $0x8, v33  }
0x8: {  	s7 =	sshll.u32 s5, $0x3;
	[smem:$0x7FF] =	sst s12;
	v36 =	vor.u32 $0x8, v8;
	p0 =	seq.s32 s0, $0x3;
	v2 =	vunpack.c.0.s8.s32 v2;
	v3 =	vunpack.c.0.s8.s32 v3  }
0x9: {  	[dreg:$0x5] =	wrdreg s7;
	v4 =	vunpack.c.0.s8.s32 v4;
	v5 =	vunpack.c.0.s8.s32 v5;
	v6 =	vunpack.c.0.s8.s32 v6;
	s1 =	simm.s32 @p0 $0x124A0;
	[tilespmem:$0x1FE70] =	vst v1  }
0xa: {  	s11 =	rddreg [dreg:$0x3];
	v7 =	vunpack.c.0.s8.s32 v7;
	v23 =	vmov s1;
	v24 =	vcombine.low v3, v2;
	_ =	strace $0x80000047;
	[tilespmem:$0x1FE80] =	vst v36  }
0xb: {  	v0 =	vunpack.c.l.s4.s8 v0;
	v25 =	vcombine.low v5, v4;
	[tilespmem:$0x1FFA0] =	vst v23  }
0xc: {  	v40 =	vimm.s32 $0xFEDCBA9;
	v41 =	vimm.s32 $0x87654321;
	v26 =	vcombine.low v7, v6;
	[tilespmem:$0x1FFC0] =	vst v24  }
0xd: {  	v42 =	vimm.s32 $0x10FEDCBA;
	v43 =	vimm.s32 $0x98765432;
	v0 =	vunpack.c.0.s8.s32 v0;
	[tilespmem:$0x1FFD0] =	vst v25  }
0xe: {  	v51 =	vimm.s32 $0xBA987654;
	v1 =	vunpack.c.0.s8.s32 v34;
	v37 =	vand.u32 $0xF, v24;
	[tilespmem:$0x1FFE0] =	vst v26  }
0xf: {  	v0 =	vand.u32 $0xF, v0;
	v2 =	vunpack.c.l.s4.s8 v42;
	v38 =	vand.u32 $0xF, v25;
	[tilespmem:$0x1FE90] =	vst v37  }
0x10: {  	v3 =	vunpack.c.l.s4.s8 v43;
	v27 =	vcombine.low v0, v1;
	v39 =	vand.u32 $0xF, v26;
	[tilespmem:$0x1FEA0] =	vst v38  }
0x11: {  	v4 =	vimm.s32 $0x210FEDCB;
	v0 =	vunpack.c.l.s4.s8 v40;
	v46 =	vunpack.c.0.s8.s32 v2;
	[tilespmem:$0x1FEB0] =	vst v39  }
0x12: {  	v1 =	vunpack.c.l.s4.s8 v41;
	v45 =	vunpack.c.l.s4.s8 v4;
	v47 =	vunpack.c.0.s8.s32 v3;
	[tilespmem:$0x1FFF0] =	vst v27  }
0x13: {  	s3 =	srdreg.scid;
	v4 =	vimm.s32 $0xCBA98765;
	v2 =	vunpack.c.l.s4.s8 v51;
	v0 =	vunpack.c.0.s8.s32 v0;
	[tilespmem:$0x1FEE0] =	vst v46  }
0x14: {  	s3 =	sand.u32 $0x1, s3;
	s5 =	sshrl.u32 s5, $0x2;
	s24 =	sadd.s32 $0x100, s10;
	v5 =	vimm.s32 $0x543210FE;
	v58 =	vunpack.c.l.s4.s8 v4;
	v44 =	vunpack.c.0.s8.s32 v1;
	[tilespmem:$0x1FEF0] =	vst v47  }
0x15: {  	s26 =	sadd.s32 $0x200, s10;
	s4 =	sshll.u32 s3, $0x7;
	s6 =	sshll.u32 s3, $0x2;
	v4 =	vunpack.c.l.s4.s8 v5;
	v55 =	vunpack.c.0.s8.s32 v2;
	[tilespmem:$0x1FEC0] =	vst v0  }
0x16: {  	v50 =	vimm.s32 $0x3210FEDC;
	s3 =	ssub.s32 $0x2, s3;
	s25 =	sshll.u32 s5, $0x8;
	s4 =	sor.u32 s7, s4;
	v59 =	vunpack.c.0.s8.s32 v58;
	[tilespmem:$0x1FED0] =	vst v44  }
0x17: {  	v48 =	vimm.s32 $0xA9876543;
	s6 =	sor.u32 s5, s6;
	s21 =	sshrl.u32 s3, $0x1;
	s7 =	sshll.u32 s4, $0x4;
	v1 =	vunpack.c.l.s4.s8 v50;
	v60 =	vunpack.c.0.s8.s32 v4;
	[tilespmem:$0x1FF30] =	vst v55  }
0x18: {  	v52 =	vimm.s32 $0x43210FED;
	v49 =	vunpack.c.l.s4.s8 v48;
	s8 =	smul.u32 $0x186A0, s6;
	s4 =	sshrl.u32 s4, $0x3;
	s6 =	sshll.u32 s6, $0x5;
	v0 =	vunpack.c.0.s8.s32 v45;
	[tilespmem:$0x1FF50] =	vst v59  }
0x19: {  	v56 =	vunpack.c.l.s4.s8 v52;
	s7 =	sadd.s32 s7, s2;
	s9 =	sadd.s32 s4, s2;
	[dreg:$0x9] =	wrdreg s24;
	v5 =	vimm.s32 $0xEDCBA987;
	v53 =	vunpack.c.0.s8.s32 v1;
	[tilespmem:$0x1FF60] =	vst v60  }
0x1a: {  	v57 =	vimm.s32 $0x6543210F;
	s4 =	smul.u32 $0x300, s4;
	[dreg:$0xa] =	wrdreg s26;
	s22 =	sadd.s32 $0x1000, s7;
	v5 =	vunpack.c.l.s4.s8 v5;
	[tilespmem:$0x1FF00] =	vst v0;
	v0 =	vunpack.c.0.s8.s32 v49  }
0x1b: {  	v54 =	vimm.s32 $0xDCBA9876;
	s6 =	sadd.s32 s6, s2;
	s23 =	sadd.s32 $0x2000, s9;
	[dreg:$0x6] =	wrdreg s22;
	v2 =	vunpack.c.l.s4.s8 v57;
	v1 =	vunpack.c.0.s8.s32 v56;
	[tilespmem:$0x1FF20] =	vst v53  }
0x1c: {  	s1 =	sadd.s32 s1, s8;
	s28 =	sadd.s32 $0xE00, s6;
	[dreg:$0x8] =	wrdreg s23;
	v62 =	vunpack.c.0.s8.s32 v5;
	[tilespmem:$0x1FF10] =	vst v0;
	v0 =	vunpack.c.l.s4.s8 v54  }
0x1d: {  	vm1 =	vmmov $0xffff;
	vm10 =	vmmov $0x1;
	s1 =	sshrl.u32 s1, $0x3;
	s0 =	sadd.s32 s20, s4;
	[dreg:$0xc] =	wrdreg s28;
	v61 =	vunpack.c.0.s8.s32 v2;
	[tilespmem:$0x1FF40] =	vst v1  }
0x1e: {  	vm3 =	vcmask $0x320;
	vm4 =	vcmask $0x720;
	s1 =	sadd.s32 s1, s2;
	[dreg:$0x7] =	wrdreg s0;
	s0 =	sadd.s32 s25, s11;
	[tilespmem:$0x1FF90] =	vst v62;
	v0 =	vunpack.c.0.s8.s32 v0  }
0x1f: {  	vm5 =	vcmask $0xB20;
	vm6 =	vcmask $0xF20;
	v63 =	vimm.s32 $0x0;
	s2 =	ssub.s32 s3, s21;
	[dreg:$0xb] =	wrdreg s0;
	s30 =	sadd.s32 $0x2200, s1;
	[tilespmem:$0x1FF80] =	vst v61  }
0x20: {  	vm7 =	vcmask $0x1320;
	vm8 =	vcmask $0x1720;
	s29 =	simm.s32 $0xE000;
	s31 =	smax.u32 s2, $0x1;
	[dreg:$0xd] =	wrdreg s30;
	[tilespmem:$0x1FF70] =	vst v0;
	v0 =	vsel vm1, $0xFFFFFFFF, v63  }
0x21: {  	vm9 =	vcmask $0x1B20;
	vm13 =	vmmov $0xff;
	s5 =	simm.s32 $0x3;
	v6 =	vimm.f32 $0.0e+00;
	s1 =	simm.s32 $0x0;
	[dreg:$0xe] =	wrdreg s31;
	[tilespmem:$0x1FFB0] =	vst v0  }
.LBB2_1:
0x22: {  	[dreg:$0xf] =	wrdreg s1  }
0x23: {  	s0 =	rddreg [dreg:$0x6]  }
0x24: {  	[tilespmem:s12], [sflag:$0x3] =	stream.linear.gather [hbm4b:s0+s12], $0x400, $0x38;
	[tilespmem:$0x14240] =	vst v63  }
0x25: {  	_ =	swait.ge [sflag:s5], $0x400  }
0x26: {  	[sflag:s5] =	ssyncset.done $0x0  }
0x27: {  	s14 =	simm.s32 $0xC400;
	s13 =	rddreg [dreg:$0x7];
	[sflag:s5] =	ssyncadd.s32 $0xFFFFFC00  }
0x28: {  	[tilespmem:s14], [sflag:$0x3] =	stream.linear.gather [hbm4b:s13+s12], $0x1800, $0x38;
	[tilespmem:$0x14240] =	vst v63  }
0x29: {  	_ =	swait.ge [sflag:s5], $0x1800  }
0x2a: {  	[sflag:s5] =	ssyncset.done $0x0  }
0x2b: {  	s16 =	simm.s32 $0xDC00;
	s15 =	rddreg [dreg:$0x8];
	[sflag:s5] =	ssyncadd.s32 $0xFFFFE800  }
0x2c: {  	[tilespmem:s16], [sflag:$0x3] =	stream.linear.gather [hbm4b:s15+s12], $0x10, $0x38;
	[tilespmem:$0x14240] =	vst v63  }
0x2d: {  	_ =	swait.ge [sflag:s5], $0x10  }
0x2e: {  	[sflag:s5] =	ssyncset.done $0x0  }
0x2f: {  	[sflag:s5] =	ssyncadd.s32 $0xFFFFFFF0  }
0x30: {  	v0 =	vld [tilespmem:$0x0];
	_ =	sdelay $0x3  }
0x31: {  	v2 =	vld [tilespmem:$0x1FE60]  }
0x32: {  	v4 =	vld [tilespmem:$0xDC00];
	v1 =	vshrl.u32 v0, $0x3  }
0x33: {  	v3 =	vld [tilespmem:$0x1FE70];
	v1 =	vmul.u32 $0x30, v1  }
0x34: {  	v0 =	vand.u32 $0x7, v0  }
0x35: {  	v0 =	vor.u32 v0, v1  }
0x36: {  	v1 =	vperm.xlane v0, v2  }
0x37: {  	[tilespmem:$0x1FE50] =	vst v4;
	v4 =	vld [tilespmem:$0x1FE80]  }
0x38: {  	v1 =	vadd.s32 v3, v1;
	_ =	sdelay $0x3  }
0x39: {  	s18 =	simm.s32 $0x400;
	s17 =	rddreg [dreg:$0x2];
	v0 =	vperm.xlane v0, v4  }
0x3a: {  	[tilespmem:s18], [sflag:$0x1] =	stream.indirect_vreg.gather [hbm4b:s17+s12], $0x80, v1, vm1, $0xb8;
	[tilespmem:$0x14240] =	vst v63  }
0x3b: {  	s2 =	simm.s32 $0xC00;
	s19 =	rddreg [dreg:$0x9];
	v0 =	vadd.s32 v3, v0  }
0x3c: {  	[tilespmem:s2], [sflag:$0x1] =	stream.indirect_vreg.gather [hbm4b:s19+s12], $0x80, v1, vm1, $0xb8;
	[tilespmem:$0x14240] =	vst v63  }
0x3d: {  	s3 =	simm.s32 $0x1400;
	s20 =	rddreg [dreg:$0xa]  }
0x3e: {  	[tilespmem:s3], [sflag:$0x1] =	stream.indirect_vreg.gather [hbm4b:s20+s12], $0x80, v1, vm1, $0xb8;
	[tilespmem:$0x14240] =	vst v63  }
0x3f: {  	s21 =	simm.s32 $0x1C00  }
0x40: {  	[tilespmem:s21], [sflag:$0x1] =	stream.indirect_vreg.gather [hbm4b:s17+s12], $0x80, v0, vm1, $0xb8;
	[tilespmem:$0x14240] =	vst v63  }
0x41: {  	s22 =	simm.s32 $0x2400  }
0x42: {  	[tilespmem:s22], [sflag:$0x1] =	stream.indirect_vreg.gather [hbm4b:s19+s12], $0x80, v0, vm1, $0xb8;
	[tilespmem:$0x14240] =	vst v63  }
0x43: {  	s23 =	simm.s32 $0x2C00  }
0x44: {  	[tilespmem:s23], [sflag:$0x1] =	stream.indirect_vreg.gather [hbm4b:s20+s12], $0x80, v0, vm1, $0xb8;
	[tilespmem:$0x14240] =	vst v63  }
0x45: {  	v0 =	vld [tilespmem:$0x10];
	_ =	sdelay $0x4  }
0x46: {  	v63 =	vshrl.u32 v0, $0x3  }
0x47: {  	v1 =	vmul.u32 $0x30, v63  }
0x48: {  	v0 =	vand.u32 $0x7, v0  }
0x49: {  	v0 =	vor.u32 v0, v1  }
0x4a: {  	v1 =	vperm.xlane v0, v2;
	_ =	sdelay $0x1  }
0x4b: {  	v1 =	vadd.s32 v3, v1;
	_ =	sdelay $0x3  }
0x4c: {  	s24 =	simm.s32 $0x3400;
	v0 =	vperm.xlane v0, v4  }
0x4d: {  	[tilespmem:s24], [sflag:$0x1] =	stream.indirect_vreg.gather [hbm4b:s17+s12], $0x80, v1, vm1, $0xb8;
	[tilespmem:$0x14240] =	vst v63  }
0x4e: {  	s25 =	simm.s32 $0x3C00;
	v0 =	vadd.s32 v3, v0  }
0x4f: {  	[tilespmem:s25], [sflag:$0x1] =	stream.indirect_vreg.gather [hbm4b:s19+s12], $0x80, v1, vm1, $0xb8;
	[tilespmem:$0x14240] =	vst v63  }
0x50: {  	s26 =	simm.s32 $0x4400  }
0x51: {  	[tilespmem:s26], [sflag:$0x1] =	stream.indirect_vreg.gather [hbm4b:s20+s12], $0x80, v1, vm1, $0xb8;
	[tilespmem:$0x14240] =	vst v63  }
0x52: {  	s28 =	simm.s32 $0x4C00  }
0x53: {  	[tilespmem:s28], [sflag:$0x1] =	stream.indirect_vreg.gather [hbm4b:s17+s12], $0x80, v0, vm1, $0xb8;
	[tilespmem:$0x14240] =	vst v63  }
0x54: {  	s30 =	simm.s32 $0x5400  }
0x55: {  	[tilespmem:s30], [sflag:$0x1] =	stream.indirect_vreg.gather [hbm4b:s19+s12], $0x80, v0, vm1, $0xb8;
	[tilespmem:$0x14240] =	vst v63  }
0x56: {  	s31 =	simm.s32 $0x5C00;
	s1 =	simm.s32 $0x0;
	s0 =	simm.s32 $0x40  }
0x57: {  	[tilespmem:s31], [sflag:$0x1] =	stream.indirect_vreg.gather [hbm4b:s20+s12], $0x80, v0, vm1, $0xb8;
	[tilespmem:$0x14240] =	vst v63  }
.LBB2_2:
0x58: {  	p0 =	sne.s32 s0, $0x187C0;
	[tilespmem:s1+$0xE000] =	vst v6;
	s1 =	smov.u32 s0;
	s0 =	sadd.s32 $0x40, s0  }
.Ltmp0:
0x59: {  	(pc) =	sbr.rel @p0 .LBB2_2-.Ltmp0, $2  }
0x5a: {  	_ =	sdelay $0x2  }
0x5b: {  	s1 =	sshra.s32 s1, $0x2  }
0x5c: {  	[tilespmem:s1+$0xE000] =	vst v6;
	s7 =	simm.s32 $0x0  }
.LBB2_4:
0x5d: {  	s1 =	simm.s32 $0x1  }
0x5e: {  	_ =	swait.ge [sflag:s1], $0x6000  }
0x5f: {  	s0 =	sshll.u32 s7, $0x7;
	[sflag:s1] =	ssyncset.done $0x0  }
0x60: {  	s11 =	sand.u32 $0x3FFFFF80, s0;
	[sflag:s1] =	ssyncadd.s32 $0xFFFFA000  }
0x61: {  	v0 =	vld [tilespmem:s11+$0x20];
	_ =	sdelay $0x3  }
0x62: {  	v2 =	vld [tilespmem:$0x1FE60]  }
0x63: {  	v1 =	vshrl.u32 v0, $0x3  }
0x64: {  	v3 =	vld [tilespmem:$0x1FE70];
	v1 =	vmul.u32 $0x30, v1  }
0x65: {  	v0 =	vand.u32 $0x7, v0  }
0x66: {  	v0 =	vor.u32 v0, v1  }
0x67: {  	v1 =	vperm.xlane v0, v2  }
0x68: {  	v4 =	vld [tilespmem:$0x1FE80]  }
0x69: {  	v1 =	vadd.s32 v3, v1;
	_ =	sdelay $0x3  }
0x6a: {  	s9 =	simm.s32 $0x6400;
	s4 =	simm.s32 $0x0;
	s8 =	rddreg [dreg:$0x2];
	v0 =	vperm.xlane v0, v4  }
0x6b: {  	[tilespmem:s9], [sflag:$0x2] =	stream.indirect_vreg.gather [hbm4b:s8+s4], $0x80, v1, vm1, $0xb8;
	[tilespmem:$0x14240] =	vst v63  }
0x6c: {  	s2 =	simm.s32 $0x6C00;
	s10 =	rddreg [dreg:$0x9];
	v0 =	vadd.s32 v3, v0  }
0x6d: {  	[tilespmem:s2], [sflag:$0x2] =	stream.indirect_vreg.gather [hbm4b:s10+s4], $0x80, v1, vm1, $0xb8;
	[tilespmem:$0x14240] =	vst v63  }
0x6e: {  	s3 =	simm.s32 $0x7400;
	s12 =	rddreg [dreg:$0xa]  }
0x6f: {  	[tilespmem:s3], [sflag:$0x2] =	stream.indirect_vreg.gather [hbm4b:s12+s4], $0x80, v1, vm1, $0xb8;
	[tilespmem:$0x14240] =	vst v63  }
0x70: {  	s13 =	simm.s32 $0x7C00  }
0x71: {  	[tilespmem:s13], [sflag:$0x2] =	stream.indirect_vreg.gather [hbm4b:s8+s4], $0x80, v0, vm1, $0xb8;
	[tilespmem:$0x14240] =	vst v63  }
0x72: {  	s14 =	simm.s32 $0x8400  }
0x73: {  	[tilespmem:s14], [sflag:$0x2] =	stream.indirect_vreg.gather [hbm4b:s10+s4], $0x80, v0, vm1, $0xb8;
	[tilespmem:$0x14240] =	vst v63  }
0x74: {  	s15 =	simm.s32 $0x8C00  }
0x75: {  	[tilespmem:s15], [sflag:$0x2] =	stream.indirect_vreg.gather [hbm4b:s12+s4], $0x80, v0, vm1, $0xb8;
	[tilespmem:$0x14240] =	vst v63  }
0x76: {  	v0 =	vld [tilespmem:s11+$0x30];
	_ =	sdelay $0x4  }
0x77: {  	v1 =	vshrl.u32 v0, $0x3  }
0x78: {  	v1 =	vmul.u32 $0x30, v1  }
0x79: {  	v0 =	vand.u32 $0x7, v0  }
0x7a: {  	v0 =	vor.u32 v0, v1  }
0x7b: {  	v1 =	vperm.xlane v0, v2;
	_ =	sdelay $0x1  }
0x7c: {  	v1 =	vadd.s32 v3, v1;
	_ =	sdelay $0x3  }
0x7d: {  	s16 =	simm.s32 $0x9400;
	v0 =	vperm.xlane v0, v4  }
0x7e: {  	[tilespmem:s16], [sflag:$0x2] =	stream.indirect_vreg.gather [hbm4b:s8+s4], $0x80, v1, vm1, $0xb8;
	[tilespmem:$0x14240] =	vst v63  }
0x7f: {  	s17 =	simm.s32 $0x9C00;
	v0 =	vadd.s32 v3, v0  }
0x80: {  	[tilespmem:s17], [sflag:$0x2] =	stream.indirect_vreg.gather [hbm4b:s10+s4], $0x80, v1, vm1, $0xb8;
	[tilespmem:$0x14240] =	vst v63  }
0x81: {  	s18 =	simm.s32 $0xA400  }
0x82: {  	[tilespmem:s18], [sflag:$0x2] =	stream.indirect_vreg.gather [hbm4b:s12+s4], $0x80, v1, vm1, $0xb8;
	[tilespmem:$0x14240] =	vst v63  }
0x83: {  	s19 =	simm.s32 $0xAC00  }
0x84: {  	[tilespmem:s19], [sflag:$0x2] =	stream.indirect_vreg.gather [hbm4b:s8+s4], $0x80, v0, vm1, $0xb8;
	[tilespmem:$0x14240] =	vst v63  }
0x85: {  	s20 =	simm.s32 $0xB400;
	s21 =	simm.s32 $0xBC00  }
0x86: {  	[tilespmem:s20], [sflag:$0x2] =	stream.indirect_vreg.gather [hbm4b:s10+s4], $0x80, v0, vm1, $0xb8;
	[tilespmem:$0x14240] =	vst v63  }
0x87: {  	s22 =	sor.u32 s4, s4;
	s5 =	sand.u32 $0x1C00, s4;
	s9 =	sand.u32 $0x40, s4  }
0x88: {  	[tilespmem:s21], [sflag:$0x2] =	stream.indirect_vreg.gather [hbm4b:s12+s4], $0x80, v0, vm1, $0xb8;
	[tilespmem:$0x14240] =	vst v63  }
0x89: {  	s0 =	sor.u32 $0x380, s22;
	s4 =	sadd.s32 $0x1F80, s5;
	s12 =	sor.u32 $0x30, s9  }
0x8a: {  	s3 =	sadd.s32 $0x3780, s5;
	v18 =	vld [tilespmem:s0+$0x400];
	s23 =	sor.u32 s12, s4  }
0x8b: {  	s15 =	sadd.s32 $0x1F00, s5;
	s24 =	sor.u32 s12, s3;
	v31 =	vld [tilespmem:s23+$0x0]  }
0x8c: {  	s26 =	sadd.s32 $0x3700, s5;
	s25 =	sor.u32 s12, s15;
	v30 =	vld [tilespmem:s24+$0x0]  }
0x8d: {  	s16 =	sadd.s32 $0x1E80, s5;
	s28 =	sor.u32 s12, s26;
	v33 =	vld [tilespmem:s25+$0x0]  }
0x8e: {  	s14 =	sadd.s32 $0x3680, s5;
	s31 =	sor.u32 s12, s16;
	v32 =	vld [tilespmem:s28+$0x0]  }
0x8f: {  	s17 =	sadd.s32 $0x1E00, s5;
	s1 =	sor.u32 s12, s14;
	v35 =	vld [tilespmem:s31+$0x0]  }
0x90: {  	s30 =	sadd.s32 $0x3600, s5;
	s8 =	sadd.s32 $0xC400, s11;
	s2 =	sor.u32 s12, s17;
	v34 =	vld [tilespmem:s1+$0x0]  }
0x91: {  	s18 =	sadd.s32 s5, s8;
	s6 =	sor.u32 s12, s30;
	v37 =	vld [tilespmem:s2+$0x0]  }
0x92: {  	s19 =	sadd.s32 s12, s18;
	s1 =	sadd.s32 $0x1D80, s5;
	v36 =	vld [tilespmem:s6+$0x0]  }
0x93: {  	s31 =	sadd.s32 $0x1C80, s5;
	v28 =	vld [tilespmem:s19+$0x0];
	s10 =	sor.u32 s12, s1  }
0x94: {  	s2 =	sor.u32 $0x20, s9;
	s13 =	sor.u32 s12, s31;
	v29 =	vld [tilespmem:s10+$0x0]  }
0x95: {  	s21 =	sor.u32 s2, s15;
	v38 =	vld [tilespmem:s13+$0x0]  }
0x96: {  	s22 =	sor.u32 s2, s26;
	v43 =	vld [tilespmem:s21+$0x0]  }
0x97: {  	s19 =	sor.u32 s2, s16;
	v42 =	vld [tilespmem:s22+$0x0]  }
0x98: {  	s23 =	sor.u32 s2, s17;
	v44 =	vld [tilespmem:s19+$0x0]  }
0x99: {  	s28 =	sor.u32 s2, s1;
	v45 =	vld [tilespmem:s23+$0x0]  }
0x9a: {  	s6 =	sadd.s32 s2, s18;
	v47 =	vld [tilespmem:s28+$0x0]  }
0x9b: {  	s25 =	sor.u32 $0x10, s9;
	s13 =	sor.u32 s2, s4;
	v41 =	vld [tilespmem:s6+$0x0]  }
0x9c: {  	s21 =	sor.u32 s25, s15;
	v40 =	vld [tilespmem:s13+$0x0]  }
0x9d: {  	s22 =	sor.u32 s25, s16;
	v15 =	vld [tilespmem:s21+$0x0]  }
0x9e: {  	s23 =	sor.u32 s25, s14;
	v17 =	vld [tilespmem:s22+$0x0]  }
0x9f: {  	s6 =	sadd.s32 s25, s18;
	v16 =	vld [tilespmem:s23+$0x0]  }
0xa0: {  	s10 =	sadd.s32 $0x1C00, s5;
	s15 =	sor.u32 s9, s15;
	v14 =	vld [tilespmem:s6+$0x0]  }
0xa1: {  	s20 =	sor.u32 s12, s10;
	v11 =	vld [tilespmem:s15+$0x0]  }
0xa2: {  	s19 =	sor.u32 s2, s10;
	v39 =	vld [tilespmem:s20+$0x0]  }
0xa3: {  	s21 =	sor.u32 s9, s17;
	v6 =	vld [tilespmem:s19+$0x0]  }
0xa4: {  	s22 =	sor.u32 s9, s30;
	v20 =	vld [tilespmem:s21+$0x0]  }
0xa5: {  	s13 =	sadd.s32 $0x400, s5;
	s6 =	sor.u32 s9, s10;
	v21 =	vld [tilespmem:s22+$0x0]  }
0xa6: {  	s24 =	sor.u32 s2, s13;
	v27 =	vld [tilespmem:s6+$0x0]  }
0xa7: {  	v46 =	vld [tilespmem:s24+$0x180]  }
0xa8: {  	v48 =	vld [tilespmem:s24+$0x100]  }
0xa9: {  	v4 =	vld [tilespmem:s24+$0x80]  }
0xaa: {  	s20 =	sor.u32 s25, s4;
	v5 =	vld [tilespmem:s24+$0x0]  }
0xab: {  	s28 =	sor.u32 s25, s13;
	v13 =	vld [tilespmem:s20+$0x0]  }
0xac: {  	v1 =	vld [tilespmem:s28+$0x180]  }
0xad: {  	v2 =	vld [tilespmem:s28+$0x100]  }
0xae: {  	v7 =	vld [tilespmem:s28+$0x80]  }
0xaf: {  	s4 =	sor.u32 s9, s4;
	v0 =	vld [tilespmem:s28+$0x0]  }
0xb0: {  	s23 =	sor.u32 s9, s13;
	v8 =	vld [tilespmem:s4+$0x0]  }
0xb1: {  	v22 =	vld [tilespmem:s23+$0x180]  }
0xb2: {  	v23 =	vld [tilespmem:s23+$0x100]  }
0xb3: {  	v24 =	vld [tilespmem:s23+$0x80]  }
0xb4: {  	s6 =	sor.u32 s9, s1;
	v26 =	vld [tilespmem:s23+$0x0]  }
0xb5: {  	s0 =	sadd.s32 $0x1D00, s5;
	s24 =	sor.u32 s25, s17;
	v57 =	vld [tilespmem:s6+$0x0]  }
0xb6: {  	s20 =	sor.u32 s25, s0;
	v19 =	vld [tilespmem:s24+$0x0]  }
0xb7: {  	s28 =	sor.u32 s9, s31;
	v3 =	vld [tilespmem:s20+$0x0]  }
0xb8: {  	s4 =	sadd.s32 $0x3400, s5;
	s24 =	sadd.s32 s9, s18;
	v25 =	vld [tilespmem:s28+$0x0]  }
0xb9: {  	s20 =	sor.u32 s9, s16;
	s16 =	sor.u32 s9, s4;
	s28 =	sadd.s32 $0x4C00, s5;
	v10 =	vld [tilespmem:s24+$0x0]  }
0xba: {  	s22 =	sadd.s32 $0x3480, s5;
	v49 =	vld [tilespmem:s16+$0x0];
	s17 =	sor.u32 s9, s28  }
0xbb: {  	s21 =	sadd.s32 $0x4C80, s5;
	s18 =	sor.u32 s9, s22;
	v50 =	vld [tilespmem:s17+$0x0]  }
0xbc: {  	s19 =	sor.u32 s9, s21;
	v9 =	vmul.f32 v31, v28;
	v51 =	vld [tilespmem:s18+$0x0]  }
0xbd: {  	v35 =	vmul.f32 v35, v28;
	v52 =	vld [tilespmem:s19+$0x0];
	v0 =	vmul.f32 v0, v14  }
0xbe: {  	p0 =	por $0x0, $0x0;
	s15 =	sadd.s32 $0x4D00, s5;
	v12 =	vld [tilespmem:s20+$0x0];
	s20 =	sor.u32 s9, s0;
	v26 =	vmul.f32 v26, v10;
	v27 =	vmul.f32 v27, v10  }
0xbf: {  	s16 =	sadd.s32 $0x3500, s5;
	s18 =	simm.s32 $0x1;
	s24 =	sor.u32 s9, s15;
	v53 =	vld [tilespmem:s20+$0x0];
	v49 =	vmul.f32 v49, v10;
	v24 =	vmul.f32 v24, v10  }
0xc0: {  	v54 =	vimm.f32 $0.0e+00;
	s23 =	sor.u32 s9, s16;
	s18 =	simm.s32 @!p0 $0x0;
	s17 =	sadd.s32 $0x3580, s5;
	v56 =	vld [tilespmem:s24+$0x0];
	v25 =	vmul.f32 v25, v10;
	v50 =	vmul.f32 v50, v10  }
0xc1: {  	v55 =	vld [tilespmem:s23+$0x0];
	s20 =	sshll.u32 s18, $0x6;
	s23 =	sor.u32 s9, s17;
	s18 =	sadd.s32 $0x4D80, s5;
	v51 =	vmul.f32 v51, v10;
	v26 =	vadd.f32 v26, v54;
	v27 =	vadd.f32 v27, v54  }
0xc2: {  	s20 =	sadd.s32 $0x0, s20;
	v52 =	vmul.f32 v52, v10;
	v49 =	vadd.f32 v49, v54;
	v50 =	vadd.f32 v50, v54;
	v54 =	vld [tilespmem:s23+$0x0];
	s23 =	sor.u32 s9, s18  }
0xc3: {  	s19 =	sadd.s32 $0x4E00, s5;
	s24 =	sor.u32 $0x200, s20;
	v23 =	vmul.f32 v23, v10;
	v22 =	vmul.f32 v22, v10;
	v24 =	vadd.f32 v24, v26;
	v26 =	vld [tilespmem:s23+$0x0]  }
0xc4: {  	s6 =	sor.u32 s9, s19;
	v63 =	vmul.f32 v57, v10;
	v20 =	vmul.f32 v20, v10;
	v25 =	vadd.f32 v25, v27;
	v27 =	vld [tilespmem:s24+$0x400]  }
0xc5: {  	v21 =	vmul.f32 v21, v10;
	v60 =	vmul.f32 v53, v10;
	s24 =	sor.u32 $0x280, s20;
	s23 =	sadd.s32 $0x4E80, s5;
	v50 =	vadd.f32 v52, v50;
	v52 =	vld [tilespmem:s6+$0x0]  }
0xc6: {  	v61 =	vmul.f32 v55, v10;
	v49 =	vadd.f32 v51, v49;
	s6 =	sor.u32 s9, s23;
	v23 =	vadd.f32 v23, v24;
	v24 =	vld [tilespmem:s24+$0x400]  }
0xc7: {  	v12 =	vmul.f32 v12, v10;
	v11 =	vmul.f32 v11, v10;
	s24 =	sor.u32 s9, s14;
	v59 =	vld [tilespmem:s6+$0x0]  }
0xc8: {  	v62 =	vmul.f32 v56, v10;
	v25 =	vadd.f32 v60, v25;
	v49 =	vadd.f32 v61, v49;
	s6 =	sor.u32 $0x300, s20;
	v57 =	vld [tilespmem:s24+$0x0]  }
0xc9: {  	s24 =	sadd.s32 $0x4F00, s5;
	v58 =	vmul.f32 v54, v10;
	v22 =	vadd.f32 v22, v23;
	v23 =	vmul.f32 v26, v10;
	v26 =	vld [tilespmem:s6+$0x400];
	s6 =	sor.u32 s9, s26  }
0xca: {  	v18 =	vmul.f32 v18, v10;
	v25 =	vadd.f32 v63, v25;
	v27 =	vmul.f32 v27, v10;
	v60 =	vld [tilespmem:s6+$0x0];
	s6 =	sor.u32 s9, s24  }
0xcb: {  	v8 =	vmul.f32 v8, v10;
	v50 =	vadd.f32 v62, v50;
	s5 =	sadd.s32 $0x4F80, s5;
	v49 =	vadd.f32 v58, v49;
	v62 =	vld [tilespmem:s6+$0x0];
	s6 =	sor.u32 s9, s3  }
0xcc: {  	v20 =	vadd.f32 v20, v25;
	v22 =	vadd.f32 v27, v22;
	v24 =	vmul.f32 v24, v10;
	s9 =	sor.u32 s9, s5;
	v25 =	vld [tilespmem:s6+$0x0]  }
0xcd: {  	v61 =	vmul.f32 v52, v10;
	v23 =	vadd.f32 v23, v50;
	v21 =	vadd.f32 v21, v49;
	v27 =	vld [tilespmem:s9+$0x0];
	s9 =	sor.u32 s25, s10  }
0xce: {  	v63 =	vmul.f32 v57, v10;
	v12 =	vadd.f32 v12, v20;
	s10 =	sor.u32 s25, s4;
	v22 =	vadd.f32 v24, v22;
	v24 =	vld [tilespmem:s9+$0x0]  }
0xcf: {  	v54 =	vmul.f32 v59, v10;
	v23 =	vadd.f32 v61, v23;
	v20 =	vld [tilespmem:s10+$0x0];
	s9 =	sor.u32 s25, s28;
	v26 =	vmul.f32 v26, v10  }
0xd0: {  	s10 =	sor.u32 s25, s31;
	v21 =	vadd.f32 v63, v21;
	v56 =	vld [tilespmem:s9+$0x0];
	v11 =	vadd.f32 v11, v12;
	v55 =	vmul.f32 v60, v10  }
0xd1: {  	v57 =	vld [tilespmem:s10+$0x0];
	s9 =	sor.u32 s25, s22;
	v23 =	vadd.f32 v54, v23;
	v22 =	vadd.f32 v26, v22;
	v26 =	vmul.f32 v62, v10  }
0xd2: {  	v58 =	vld [tilespmem:s9+$0x0];
	s9 =	sor.u32 s25, s16;
	v8 =	vadd.f32 v8, v11;
	v21 =	vadd.f32 v55, v21;
	v25 =	vmul.f32 v25, v10  }
0xd3: {  	s10 =	sor.u32 s25, s21;
	v11 =	vld [tilespmem:s9+$0x0];
	v10 =	vmul.f32 v27, v10;
	v23 =	vadd.f32 v26, v23;
	v18 =	vadd.f32 v18, v22  }
0xd4: {  	v37 =	vmul.f32 v37, v28;
	v26 =	vld [tilespmem:s10+$0x0];
	v22 =	vmul.f32 v24, v14;
	s10 =	sor.u32 s25, s15;
	v21 =	vadd.f32 v25, v21  }
0xd5: {  	s1 =	sor.u32 s25, s1;
	v10 =	vadd.f32 v10, v23;
	v23 =	vld [tilespmem:s10+$0x0];
	v0 =	vadd.f32 v0, v18;
	v18 =	vmul.f32 v20, v14  }
0xd6: {  	v7 =	vmul.f32 v7, v14;
	s9 =	sor.u32 s25, s17;
	v20 =	vmul.f32 v56, v14;
	v8 =	vadd.f32 v22, v8;
	v22 =	vld [tilespmem:s1+$0x0]  }
0xd7: {  	v2 =	vmul.f32 v2, v14;
	v1 =	vmul.f32 v1, v14;
	s1 =	sadd.s32 $0x10, s20;
	s10 =	sor.u32 s25, s18;
	v18 =	vadd.f32 v18, v21;
	v21 =	vld [tilespmem:s9+$0x0]  }
0xd8: {  	v12 =	vmul.f32 v57, v14;
	v24 =	vmul.f32 v58, v14;
	v10 =	vadd.f32 v20, v10;
	v20 =	vld [tilespmem:s10+$0x0];
	s9 =	sor.u32 $0x200, s1  }
0xd9: {  	v3 =	vmul.f32 v3, v14;
	v0 =	vadd.f32 v7, v0;
	s10 =	sor.u32 s25, s30;
	v7 =	vmul.f32 v26, v14;
	v59 =	vld [tilespmem:s9+$0x400]  }
0xda: {  	v11 =	vmul.f32 v11, v14;
	v8 =	vadd.f32 v12, v8;
	s9 =	sor.u32 s25, s19;
	v18 =	vadd.f32 v24, v18;
	v24 =	vld [tilespmem:s10+$0x0]  }
0xdb: {  	v0 =	vadd.f32 v2, v0;
	s10 =	sor.u32 $0x280, s1;
	v7 =	vadd.f32 v7, v10;
	v10 =	vmul.f32 v23, v14;
	v23 =	vld [tilespmem:s9+$0x0]  }
0xdc: {  	v17 =	vmul.f32 v17, v14;
	v2 =	vadd.f32 v3, v8;
	v3 =	vld [tilespmem:s10+$0x400];
	s10 =	sor.u32 $0x300, s1;
	v8 =	vadd.f32 v11, v18  }
0xdd: {  	s9 =	sor.u32 s25, s23;
	v11 =	vmul.f32 v22, v14;
	v0 =	vadd.f32 v1, v0;
	v1 =	vld [tilespmem:s10+$0x400];
	v18 =	vmul.f32 v21, v14  }
0xde: {  	s26 =	sor.u32 s25, s26;
	v7 =	vadd.f32 v10, v7;
	v10 =	vld [tilespmem:s9+$0x0];
	v20 =	vmul.f32 v20, v14;
	v12 =	vmul.f32 v59, v14  }
0xdf: {  	s9 =	sor.u32 s25, s24;
	v2 =	vadd.f32 v11, v2;
	v11 =	vmul.f32 v19, v14;
	v8 =	vadd.f32 v18, v8;
	v18 =	vld [tilespmem:s26+$0x0]  }
0xe0: {  	s1 =	sor.u32 $0x380, s1;
	v19 =	vmul.f32 v24, v14;
	v7 =	vadd.f32 v20, v7;
	v20 =	vld [tilespmem:s9+$0x0];
	v0 =	vadd.f32 v12, v0  }
0xe1: {  	s10 =	sor.u32 s25, s3;
	v60 =	vmul.f32 v23, v14;
	v2 =	vadd.f32 v11, v2;
	v11 =	vld [tilespmem:s1+$0x400];
	v3 =	vmul.f32 v3, v14  }
0xe2: {  	v6 =	vmul.f32 v6, v41;
	v61 =	vmul.f32 v16, v14;
	s25 =	sor.u32 s25, s5;
	v8 =	vadd.f32 v19, v8;
	v19 =	vld [tilespmem:s10+$0x0]  }
0xe3: {  	s9 =	sor.u32 s2, s31;
	v7 =	vadd.f32 v60, v7;
	v10 =	vmul.f32 v10, v14;
	v0 =	vadd.f32 v3, v0;
	v3 =	vld [tilespmem:s25+$0x0]  }
0xe4: {  	v62 =	vmul.f32 v15, v14;
	s26 =	sor.u32 s2, s4;
	v49 =	vld [tilespmem:s9+$0x0];
	v1 =	vmul.f32 v1, v14;
	v2 =	vadd.f32 v17, v2  }
0xe5: {  	s6 =	sor.u32 s2, s28;
	v8 =	vadd.f32 v61, v8;
	v7 =	vadd.f32 v10, v7;
	v10 =	vld [tilespmem:s26+$0x0];
	v63 =	vmul.f32 v18, v14  }
0xe6: {  	v13 =	vmul.f32 v13, v14;
	v0 =	vadd.f32 v1, v0;
	v1 =	vld [tilespmem:s6+$0x0];
	v16 =	vmul.f32 v20, v14;
	s26 =	sor.u32 s2, s0  }
0xe7: {  	s10 =	sor.u32 s2, s22;
	v2 =	vadd.f32 v62, v2;
	v11 =	vmul.f32 v11, v14;
	v51 =	vld [tilespmem:s26+$0x0];
	v8 =	vadd.f32 v63, v8  }
0xe8: {  	s25 =	sor.u32 s2, s21;
	v50 =	vmul.f32 v19, v14;
	v7 =	vadd.f32 v16, v7;
	v16 =	vld [tilespmem:s10+$0x0];
	v3 =	vmul.f32 v3, v14  }
0xe9: {  	v5 =	vmul.f32 v5, v41;
	s31 =	sor.u32 s2, s16;
	v2 =	vadd.f32 v13, v2;
	v0 =	vadd.f32 v11, v0;
	v11 =	vld [tilespmem:s25+$0x0]  }
0xea: {  	s6 =	sor.u32 s2, s15;
	v8 =	vadd.f32 v50, v8;
	v3 =	vadd.f32 v3, v7;
	v7 =	vld [tilespmem:s31+$0x0];
	v10 =	vmul.f32 v10, v41  }
0xeb: {  	v4 =	vmul.f32 v4, v41;
	s9 =	sor.u32 s2, s17;
	v1 =	vmul.f32 v1, v41;
	v0 =	vadd.f32 v5, v0;
	v5 =	vld [tilespmem:s6+$0x0]  }
0xec: {  	s1 =	sadd.s32 $0x20, s20;
	s10 =	sor.u32 s2, s18;
	v2 =	vadd.f32 v6, v2;
	v6 =	vmul.f32 v49, v41;
	v8 =	vadd.f32 v10, v8;
	v10 =	vld [tilespmem:s9+$0x0]  }
0xed: {  	v36 =	vmul.f32 v36, v28;
	v54 =	vmul.f32 v47, v41;
	s25 =	sor.u32 $0x200, s1;
	v1 =	vadd.f32 v1, v3;
	v3 =	vld [tilespmem:s10+$0x0]  }
0xee: {  	v2 =	vadd.f32 v6, v2;
	v6 =	vmul.f32 v48, v41;
	v0 =	vadd.f32 v4, v0;
	v4 =	vld [tilespmem:s25+$0x400];
	s9 =	sor.u32 $0x280, s1  }
0xef: {  	s31 =	sor.u32 s2, s19;
	v52 =	vmul.f32 v16, v41;
	v11 =	vmul.f32 v11, v41;
	v53 =	vld [tilespmem:s9+$0x400]  }
0xf0: {  	v55 =	vmul.f32 v45, v41;
	v56 =	vmul.f32 v44, v41;
	s26 =	sor.u32 s2, s30;
	v0 =	vadd.f32 v6, v0;
	v6 =	vld [tilespmem:s31+$0x0]  }
0xf1: {  	v8 =	vadd.f32 v52, v8;
	s31 =	sor.u32 s2, s3;
	v1 =	vadd.f32 v11, v1;
	v11 =	vld [tilespmem:s26+$0x0];
	v7 =	vmul.f32 v7, v41  }
0xf2: {  	v58 =	vmul.f32 v43, v41;
	s3 =	sor.u32 s12, s13;
	v5 =	vmul.f32 v5, v41;
	v57 =	vld [tilespmem:s31+$0x0]  }
0xf3: {  	v59 =	vmul.f32 v42, v41;
	s10 =	sor.u32 s2, s14;
	v62 =	vld [tilespmem:s3+$0x180];
	v7 =	vadd.f32 v7, v8;
	v8 =	vmul.f32 v46, v41  }
0xf4: {  	v13 =	vmul.f32 v51, v41;
	s14 =	sor.u32 s2, s23;
	v1 =	vadd.f32 v5, v1;
	v5 =	vld [tilespmem:s10+$0x0];
	v10 =	vmul.f32 v10, v41  }
0xf5: {  	v60 =	vmul.f32 v40, v41;
	s25 =	sor.u32 $0x300, s1;
	v3 =	vmul.f32 v3, v41;
	v0 =	vadd.f32 v8, v0;
	v8 =	vld [tilespmem:s14+$0x0]  }
0xf6: {  	v2 =	vadd.f32 v13, v2;
	s26 =	sor.u32 s2, s24;
	v4 =	vmul.f32 v4, v41;
	v7 =	vadd.f32 v10, v7;
	v10 =	vld [tilespmem:s25+$0x400]  }
0xf7: {  	s1 =	sor.u32 $0x380, s1;
	v1 =	vadd.f32 v3, v1;
	v3 =	vld [tilespmem:s26+$0x0];
	v6 =	vmul.f32 v6, v41;
	v11 =	vmul.f32 v11, v41  }
0xf8: {  	v2 =	vadd.f32 v54, v2;
	s2 =	sor.u32 s2, s5;
	v12 =	vmul.f32 v53, v41;
	v0 =	vadd.f32 v4, v0;
	v4 =	vld [tilespmem:s1+$0x400]  }
0xf9: {  	v1 =	vadd.f32 v6, v1;
	v6 =	vld [tilespmem:s2+$0x0];
	v7 =	vadd.f32 v11, v7;
	v5 =	vmul.f32 v5, v41  }
0xfa: {  	v61 =	vmul.f32 v39, v28;
	s6 =	sor.u32 s12, s4;
	v2 =	vadd.f32 v55, v2;
	v11 =	vld [tilespmem:s3+$0x0];
	v8 =	vmul.f32 v8, v41  }
0xfb: {  	s9 =	sor.u32 s12, s28;
	v0 =	vadd.f32 v12, v0;
	v10 =	vmul.f32 v10, v41;
	v5 =	vadd.f32 v5, v7;
	v7 =	vld [tilespmem:s6+$0x0]  }
0xfc: {  	v2 =	vadd.f32 v56, v2;
	v3 =	vmul.f32 v3, v41;
	v1 =	vadd.f32 v8, v1;
	v8 =	vld [tilespmem:s9+$0x0]  }
0xfd: {  	s10 =	sor.u32 s12, s22;
	v13 =	vmul.f32 v57, v41;
	v0 =	vadd.f32 v10, v0;
	v4 =	vmul.f32 v4, v41;
	v10 =	vld [tilespmem:s3+$0x80]  }
0xfe: {  	s13 =	sor.u32 s12, s21;
	v5 =	vadd.f32 v59, v5;
	v6 =	vmul.f32 v6, v41;
	v1 =	vadd.f32 v3, v1;
	v3 =	vld [tilespmem:s10+$0x0]  }
0xff: {  	v2 =	vadd.f32 v58, v2;
	v11 =	vmul.f32 v11, v28;
	v0 =	vadd.f32 v4, v0;
	v4 =	vld [tilespmem:s13+$0x0]  }
0x100: {  	s0 =	sor.u32 s12, s0;
	v5 =	vadd.f32 v13, v5;
	v7 =	vmul.f32 v7, v28;
	v1 =	vadd.f32 v6, v1;
	v6 =	vld [tilespmem:s3+$0x100]  }
0x101: {  	s14 =	sor.u32 s12, s16;
	v0 =	vadd.f32 v11, v0;
	v11 =	vld [tilespmem:s0+$0x0];
	[tilespmem:$0x1FE30] =	vst v9;
	v9 =	vmul.f32 v33, v28;
	v8 =	vmul.f32 v8, v28  }
0x102: {  	s16 =	sor.u32 s12, s15;
	v2 =	vadd.f32 v60, v2;
	v10 =	vmul.f32 v10, v28;
	v5 =	vadd.f32 v7, v5;
	v7 =	vld [tilespmem:s14+$0x0]  }
0x103: {  	s17 =	sor.u32 s12, s17;
	v63 =	vmul.f32 v38, v28;
	v1 =	vadd.f32 v8, v1;
	v8 =	vld [tilespmem:s16+$0x0];
	[tilespmem:$0x1FE40] =	vst v9;
	v3 =	vmul.f32 v3, v28  }
0x104: {  	v38 =	vmul.f32 v29, v28;
	s21 =	sor.u32 s12, s18;
	v2 =	vadd.f32 v61, v2;
	s0 =	sadd.s32 $0x30, s20;
	v0 =	vadd.f32 v10, v0;
	v10 =	vld [tilespmem:s17+$0x0]  }
0x105: {  	v48 =	vmul.f32 v30, v28;
	s22 =	sor.u32 $0x200, s0;
	v4 =	vmul.f32 v4, v28;
	v3 =	vadd.f32 v3, v5;
	v5 =	vld [tilespmem:s21+$0x0]  }
0x106: {  	v53 =	vmul.f32 v34, v28;
	s25 =	sor.u32 s12, s19;
	v2 =	vadd.f32 v63, v2;
	v21 =	vld [tilespmem:s22+$0x400];
	v6 =	vmul.f32 v6, v28  }
0x107: {  	s26 =	sor.u32 $0x280, s0;
	v23 =	vld [tilespmem:s25+$0x0];
	v11 =	vmul.f32 v11, v28;
	v1 =	vadd.f32 v4, v1;
	v4 =	vmul.f32 v7, v28  }
0x108: {  	s28 =	sor.u32 s12, s23;
	v39 =	vmul.f32 v62, v28;
	v19 =	vld [tilespmem:s26+$0x400];
	v26 =	vadd.f32 v6, v0;
	v0 =	vmul.f32 v8, v28  }
0x109: {  	s30 =	simm.s32 $0x40;
	v33 =	vmul.f32 v32, v28;
	s31 =	sor.u32 $0x300, s0;
	v22 =	vld [tilespmem:s28+$0x0];
	v2 =	vadd.f32 v11, v2;
	v63 =	vadd.f32 v4, v3  }
0x10a: {  	s1 =	sor.u32 s12, s24;
	s13 =	simm.s32 $0x0;
	s14 =	simm.s32 $0x200;
	v18 =	vld [tilespmem:s31+$0x400];
	v27 =	vmul.f32 v10, v28;
	v7 =	vadd.f32 v0, v1;
	v10 =	vmul.f32 v5, v28  }
.LBB2_5:
0x10b: {  	_ = 	snop  }
0x10c: {  	s3 =	sor.u32 s14, s30;
	s4 =	sor.u32 $0x380, s0;
	v3 =	vld [tilespmem:s1+$0x0];
	v2 =	vadd.f32 v38, v2  }
0x10d: {  	v0 =	vadd.f32 v39, v26;
	s2 =	sand.u32 $0x40, s30;
	s0 =	sand.u32 $0x1C00, s14;
	s23 =	sor.u32 s12, s5;
	v4 =	vld [tilespmem:s4+$0x400]  }
0x10e: {  	v6 =	vadd.f32 v10, v7;
	s3 =	sor.u32 $0x380, s3;
	s12 =	sor.u32 $0x30, s2;
	v10 =	vld [tilespmem:s23+$0x0];
	s16 =	sadd.s32 $0x1F00, s0;
	v2 =	vadd.f32 v37, v2;
	v1 =	vmul.f32 v21, v28  }
0x10f: {  	s1 =	sadd.s32 $0x1F80, s0;
	v17 =	vld [tilespmem:s3+$0x400];
	s26 =	sor.u32 s12, s16;
	v7 =	vmul.f32 v23, v28  }
0x110: {  	s5 =	sadd.s32 $0x3780, s0;
	s24 =	sor.u32 s12, s1;
	v8 =	vmul.f32 v19, v28;
	v12 =	vadd.f32 v35, v2;
	v2 =	vld [tilespmem:s26+$0x0];
	v1 =	vadd.f32 v1, v0  }
0x111: {  	s25 =	sor.u32 s12, s5;
	v6 =	vadd.f32 v7, v6;
	v7 =	vmul.f32 v22, v28;
	v0 =	vld [tilespmem:s24+$0x0]  }
0x112: {  	s17 =	sadd.s32 $0x1D00, s0;
	v8 =	vadd.f32 v8, v1;
	v1 =	vld [tilespmem:s25+$0x0]  }
0x113: {  	s19 =	sadd.s32 $0x1E80, s0;
	v11 =	vmul.f32 v18, v28;
	v6 =	vadd.f32 v7, v6;
	v7 =	vmul.f32 v3, v28;
	v3 =	vld [tilespmem:$0x1FE40];
	s25 =	sor.u32 s12, s17  }
0x114: {  	s31 =	sor.u32 s12, s19;
	v15 =	vld [tilespmem:s25+$0x0]  }
0x115: {  	s3 =	sor.u32 $0x20, s2;
	v8 =	vadd.f32 v11, v8;
	v11 =	vmul.f32 v4, v28;
	v4 =	vld [tilespmem:s31+$0x0]  }
0x116: {  	s20 =	sadd.s32 $0x3680, s0;
	v7 =	vadd.f32 v7, v6;
	v6 =	vld [tilespmem:$0x1FE30];
	s31 =	sor.u32 s3, s1  }
0x117: {  	s23 =	sadd.s32 $0x3600, s0;
	s6 =	sor.u32 s12, s20;
	v10 =	vmul.f32 v10, v28;
	v21 =	vld [tilespmem:s31+$0x0]  }
0x118: {  	s21 =	sadd.s32 $0x1D80, s0;
	s10 =	sor.u32 s12, s23;
	v14 =	vadd.f32 v11, v8;
	v8 =	vld [tilespmem:s6+$0x0]  }
0x119: {  	s15 =	sor.u32 s12, s21;
	v61 =	vadd.f32 v10, v7;
	v7 =	vld [tilespmem:s10+$0x0]  }
0x11a: {  	s18 =	sadd.s32 $0x3700, s0;
	s31 =	sor.u32 s3, s19;
	v11 =	vld [tilespmem:s15+$0x0]  }
0x11b: {  	s28 =	sor.u32 s12, s18;
	s24 =	sadd.s32 $0x400, s0;
	v25 =	vld [tilespmem:s31+$0x0]  }
0x11c: {  	s6 =	sor.u32 s12, s24;
	v12 =	vadd.f32 v3, v12;
	v3 =	vld [tilespmem:s28+$0x0]  }
0x11d: {  	v10 =	vld [tilespmem:s6+$0x180]  }
0x11e: {  	s25 =	sadd.s32 s0, s8;
	v50 =	vld [tilespmem:s6+$0x100]  }
0x11f: {  	v5 =	vadd.f32 v27, v63;
	s10 =	sadd.s32 s12, s25;
	v16 =	vld [tilespmem:s6+$0x80]  }
0x120: {  	v28 =	vld [tilespmem:s10+$0x0]  }
0x121: {  	v5 =	vadd.f32 v36, v5;
	s15 =	sor.u32 s3, s5;
	v19 =	vld [tilespmem:s6+$0x0]  }
0x122: {  	s4 =	sadd.s32 $0x1C00, s0;
	s31 =	sor.u32 s3, s21;
	v22 =	vld [tilespmem:s15+$0x0]  }
0x123: {  	v5 =	vadd.f32 v53, v5;
	s28 =	sor.u32 s12, s4;
	v56 =	vld [tilespmem:s31+$0x0]  }
0x124: {  	s22 =	sadd.s32 $0x1E00, s0;
	s10 =	sor.u32 s3, s20;
	v20 =	vld [tilespmem:s28+$0x0]  }
0x125: {  	v5 =	vadd.f32 v33, v5;
	s15 =	sor.u32 s3, s22;
	v26 =	vld [tilespmem:s10+$0x0]  }
0x126: {  	s9 =	sor.u32 s12, s22;
	v27 =	vld [tilespmem:s15+$0x0]  }
0x127: {  	s28 =	sor.u32 s3, s18;
	v13 =	vadd.f32 v6, v12;
	v6 =	vadd.f32 v48, v5;
	v5 =	vld [tilespmem:s9+$0x0]  }
0x128: {  	s15 =	sor.u32 s3, s17;
	v24 =	vld [tilespmem:s28+$0x0]  }
0x129: {  	s28 =	sor.u32 s3, s24;
	v59 =	vld [tilespmem:s15+$0x0]  }
0x12a: {  	v54 =	vld [tilespmem:s28+$0x180]  }
0x12b: {  	v57 =	vld [tilespmem:s28+$0x100]  }
0x12c: {  	s15 =	sadd.s32 s3, s25;
	v60 =	vld [tilespmem:s28+$0x80]  }
0x12d: {  	s9 =	sadd.s32 $0x1C80, s0;
	v29 =	vld [tilespmem:s15+$0x0]  }
0x12e: {  	s26 =	sor.u32 s12, s9;
	v63 =	vld [tilespmem:s28+$0x0]  }
0x12f: {  	s28 =	sor.u32 s3, s4;
	v18 =	vld [tilespmem:s26+$0x0]  }
0x130: {  	s15 =	sor.u32 $0x10, s2;
	s26 =	sor.u32 s3, s16;
	v9 =	vld [tilespmem:s28+$0x0]  }
0x131: {  	s31 =	sor.u32 s15, s1;
	v23 =	vld [tilespmem:s26+$0x0]  }
0x132: {  	s10 =	sor.u32 s15, s5;
	v30 =	vld [tilespmem:s31+$0x0]  }
0x133: {  	s28 =	sor.u32 s15, s18;
	v40 =	vld [tilespmem:s10+$0x0]  }
0x134: {  	s1 =	sor.u32 s2, s1;
	v42 =	vld [tilespmem:s28+$0x0]  }
0x135: {  	s26 =	sor.u32 s3, s23;
	v47 =	vld [tilespmem:s1+$0x0]  }
0x136: {  	s31 =	sor.u32 s15, s19;
	v52 =	vld [tilespmem:s26+$0x0]  }
0x137: {  	s10 =	sor.u32 s15, s20;
	v43 =	vld [tilespmem:s31+$0x0]  }
0x138: {  	s28 =	sor.u32 s15, s23;
	v0 =	vmul.f32 v0, v28;
	v44 =	vld [tilespmem:s10+$0x0]  }
0x139: {  	v34 =	vmul.f32 v1, v28;
	v1 =	vmul.f32 v2, v28;
	s26 =	sor.u32 s3, s9;
	v46 =	vld [tilespmem:s28+$0x0]  }
0x13a: {  	v35 =	vmul.f32 v4, v28;
	v4 =	vmul.f32 v50, v28;
	s10 =	sor.u32 s15, s24;
	v62 =	vld [tilespmem:s26+$0x0];
	[tilespmem:$0x1FE30] =	vst v0  }
0x13b: {  	s31 =	sor.u32 s15, s21;
	v0 =	vld [tilespmem:s10+$0x180];
	[tilespmem:$0x1FE40] =	vst v1  }
0x13c: {  	v1 =	vld [tilespmem:s31+$0x0];
	[tilespmem:$0x1FE10] =	vst v4;
	v4 =	vmul.f32 v15, v28  }
0x13d: {  	v2 =	vld [tilespmem:s10+$0x100]  }
0x13e: {  	v53 =	vmul.f32 v8, v28;
	s28 =	sor.u32 s15, s9;
	v8 =	vld [tilespmem:s10+$0x80];
	[tilespmem:$0x1FE20] =	vst v4;
	v4 =	vmul.f32 v16, v28  }
0x13f: {  	v39 =	vmul.f32 v10, v28;
	v10 =	vld [tilespmem:s28+$0x0]  }
0x140: {  	v38 =	vmul.f32 v11, v28;
	s26 =	sor.u32 s15, s16;
	v11 =	vld [tilespmem:s10+$0x0];
	[tilespmem:$0x1FDF0] =	vst v4;
	v4 =	vmul.f32 v18, v28  }
0x141: {  	v41 =	vld [tilespmem:s26+$0x0];
	s26 =	sor.u32 s15, s22  }
0x142: {  	v45 =	vld [tilespmem:s26+$0x0];
	s26 =	sor.u32 s15, s17;
	[tilespmem:$0x1FE00] =	vst v4;
	v4 =	vmul.f32 v19, v28  }
0x143: {  	v33 =	vmul.f32 v3, v28;
	v3 =	vld [tilespmem:s26+$0x0];
	s26 =	sadd.s32 s15, s25  }
0x144: {  	s31 =	sor.u32 s15, s4;
	v58 =	vld [tilespmem:s26+$0x0];
	[tilespmem:$0x1FDD0] =	vst v4;
	v4 =	vmul.f32 v20, v28  }
0x145: {  	v36 =	vmul.f32 v7, v28;
	v37 =	vmul.f32 v5, v28;
	s10 =	sor.u32 s2, s16;
	v12 =	vld [tilespmem:s31+$0x0]  }
0x146: {  	s16 =	sor.u32 s2, s18;
	s18 =	sor.u32 s2, s19;
	s19 =	sor.u32 s2, s20;
	v48 =	vld [tilespmem:s10+$0x0];
	v55 =	vmul.f32 v54, v29;
	[tilespmem:$0x1FDE0] =	vst v4;
	v4 =	vmul.f32 v21, v29  }
0x147: {  	s20 =	sor.u32 s2, s22;
	v54 =	vmul.f32 v56, v29;
	v56 =	vmul.f32 v59, v29;
	v31 =	vld [tilespmem:s19+$0x0];
	s26 =	sadd.s32 s2, s25  }
0x148: {  	s22 =	sor.u32 s2, s23;
	v5 =	vmul.f32 v63, v29;
	s23 =	sor.u32 s2, s24;
	s24 =	sor.u32 s2, s21;
	v7 =	vld [tilespmem:s26+$0x0];
	[tilespmem:$0x1FDB0] =	vst v4;
	v4 =	vmul.f32 v22, v29  }
0x149: {  	v63 =	vld [tilespmem:s24+$0x0];
	v59 =	vmul.f32 v62, v29;
	v16 =	vmul.f32 v30, v58  }
0x14a: {  	v15 =	vmul.f32 v40, v58;
	v30 =	vld [tilespmem:s23+$0x180];
	[tilespmem:$0x1FDC0] =	vst v4;
	v4 =	vmul.f32 v23, v29  }
0x14b: {  	s28 =	sor.u32 s2, s17;
	v19 =	vmul.f32 v41, v58;
	v18 =	vmul.f32 v42, v58;
	v41 =	vld [tilespmem:s23+$0x100]  }
0x14c: {  	s31 =	sor.u32 s2, s9;
	v20 =	vmul.f32 v44, v58;
	v42 =	vld [tilespmem:s28+$0x0];
	[tilespmem:$0x1FD90] =	vst v4;
	v4 =	vmul.f32 v24, v29  }
0x14d: {  	v44 =	vld [tilespmem:s31+$0x0];
	v21 =	vmul.f32 v43, v58;
	v31 =	vmul.f32 v31, v7  }
0x14e: {  	v49 =	vld [tilespmem:s18+$0x0];
	v40 =	vmul.f32 v63, v7;
	[tilespmem:$0x1FDA0] =	vst v4;
	v4 =	vmul.f32 v25, v29  }
0x14f: {  	v51 =	vld [tilespmem:s20+$0x0];
	s19 =	sadd.s32 $0x4C80, s0;
	v22 =	vmul.f32 v46, v58;
	v23 =	vmul.f32 v45, v58  }
0x150: {  	s20 =	sor.u32 s2, s19;
	v43 =	vld [tilespmem:s23+$0x80];
	v30 =	vmul.f32 v30, v7;
	[tilespmem:$0x1FD70] =	vst v4;
	v4 =	vmul.f32 v26, v29  }
0x151: {  	v63 =	vld [tilespmem:s20+$0x0];
	v41 =	vmul.f32 v41, v7;
	v42 =	vmul.f32 v42, v7  }
0x152: {  	s6 =	sor.u32 s2, s4;
	v44 =	vmul.f32 v44, v7;
	[tilespmem:$0x1FD80] =	vst v4;
	v4 =	vmul.f32 v27, v29;
	v27 =	vld [tilespmem:s16+$0x0]  }
0x153: {  	s4 =	sadd.s32 $0x3400, s0;
	v46 =	vld [tilespmem:s6+$0x0];
	v24 =	vmul.f32 v1, v58;
	v1 =	vmul.f32 v3, v58  }
0x154: {  	s9 =	sor.u32 s2, s4;
	v45 =	vld [tilespmem:s23+$0x0];
	v26 =	vmul.f32 v2, v58;
	v2 =	vmul.f32 v10, v58;
	s16 =	sadd.s32 $0x3480, s0  }
0x155: {  	s17 =	sadd.s32 $0x4C00, s0;
	v10 =	vmul.f32 v11, v58;
	v11 =	vmul.f32 v47, v7;
	v47 =	vld [tilespmem:s9+$0x0];
	s18 =	sor.u32 s2, s16  }
0x156: {  	s10 =	sor.u32 s2, s17;
	v3 =	vmul.f32 v8, v58;
	v8 =	vmul.f32 v12, v58;
	v62 =	vld [tilespmem:s18+$0x0]  }
0x157: {  	p0 =	por !p0, !p0;
	s1 =	simm.s32 $0x1;
	s20 =	sadd.s32 $0x4D00, s0;
	v12 =	vmul.f32 v27, v7;
	v27 =	vmul.f32 v49, v7;
	v49 =	vld [tilespmem:s10+$0x0]  }
0x158: {  	s1 =	simm.s32 @!p0 $0x0;
	v46 =	vmul.f32 v46, v7;
	[tilespmem:$0x1FD60] =	vst v4;
	v4 =	vmul.f32 v9, v29;
	v9 =	vld [tilespmem:s22+$0x0];
	s18 =	sadd.s32 $0x3500, s0;
	s22 =	sor.u32 s2, s20  }
0x159: {  	s1 =	sshll.u32 s1, $0x6;
	v43 =	vmul.f32 v43, v7;
	v45 =	vmul.f32 v45, v7;
	s21 =	sor.u32 s2, s18;
	v50 =	vld [tilespmem:s22+$0x0];
	s22 =	sadd.s32 $0x4D80, s0  }
0x15a: {  	s31 =	sadd.s32 s1, s14;
	v25 =	vmul.f32 v0, v58;
	v0 =	vmul.f32 v17, v7;
	v13 =	vadd.f32 v46, v13;
	v32 =	vld [tilespmem:s21+$0x0];
	s24 =	sor.u32 s2, s22  }
0x15b: {  	s25 =	sor.u32 $0x200, s31;
	v17 =	vmul.f32 v48, v7;
	v14 =	vadd.f32 v45, v14;
	v47 =	vmul.f32 v47, v7;
	s21 =	sadd.s32 $0x3580, s0;
	v46 =	vld [tilespmem:s24+$0x0]  }
0x15c: {  	v13 =	vadd.f32 v44, v13;
	s23 =	sor.u32 s2, s21;
	v45 =	vmul.f32 v62, v7;
	v62 =	vld [tilespmem:s25+$0x400];
	v49 =	vmul.f32 v49, v7  }
0x15d: {  	s28 =	sor.u32 $0x280, s31;
	v48 =	vmul.f32 v51, v7;
	v14 =	vadd.f32 v43, v14;
	v6 =	vadd.f32 v47, v6;
	v51 =	vld [tilespmem:s23+$0x0];
	s23 =	sadd.s32 $0x4E00, s0  }
0x15e: {  	v63 =	vmul.f32 v63, v7;
	v44 =	vld [tilespmem:s28+$0x400];
	v13 =	vadd.f32 v42, v13;
	s26 =	sor.u32 s2, s23;
	v61 =	vadd.f32 v49, v61  }
0x15f: {  	v14 =	vadd.f32 v41, v14;
	s24 =	sadd.s32 $0x4E80, s0;
	s10 =	sor.u32 $0x300, s31;
	v43 =	vld [tilespmem:s26+$0x0];
	v32 =	vmul.f32 v32, v7;
	v6 =	vadd.f32 v45, v6  }
0x160: {  	v13 =	vadd.f32 v40, v13;
	s9 =	sor.u32 s2, s24;
	v47 =	vmul.f32 v50, v7;
	v49 =	vld [tilespmem:s10+$0x400];
	v45 =	vadd.f32 v63, v61  }
0x161: {  	s28 =	sadd.s32 $0x4F00, s0;
	v14 =	vadd.f32 v30, v14;
	v6 =	vadd.f32 v32, v6;
	v30 =	vmul.f32 v62, v7;
	v63 =	vld [tilespmem:s9+$0x0]  }
0x162: {  	s25 =	sor.u32 s2, s28;
	v61 =	vmul.f32 v51, v7;
	v51 =	vmul.f32 v46, v7;
	v50 =	vadd.f32 v47, v45  }
0x163: {  	v9 =	vmul.f32 v9, v7;
	s26 =	sor.u32 s2, s5;
	v40 =	vld [tilespmem:s25+$0x0];
	s5 =	sadd.s32 $0x4F80, s0;
	v14 =	vadd.f32 v30, v14;
	v30 =	vmul.f32 v44, v7  }
0x164: {  	v41 =	vld [tilespmem:s26+$0x0];
	s0 =	sor.u32 s2, s5;
	v43 =	vmul.f32 v43, v7;
	v6 =	vadd.f32 v61, v6;
	v32 =	vadd.f32 v51, v50  }
0x165: {  	s1 =	sor.u32 s15, s4;
	v13 =	vadd.f32 v48, v13;
	v61 =	vld [tilespmem:s0+$0x0];
	v14 =	vadd.f32 v30, v14;
	v30 =	vmul.f32 v49, v7  }
0x166: {  	s2 =	sor.u32 s15, s17;
	v6 =	vadd.f32 v9, v6;
	v62 =	vmul.f32 v63, v7;
	v63 =	vld [tilespmem:s1+$0x0];
	v9 =	vadd.f32 v43, v32  }
0x167: {  	v13 =	vadd.f32 v27, v13;
	v27 =	vld [tilespmem:s2+$0x0];
	s9 =	sor.u32 s15, s19;
	v14 =	vadd.f32 v30, v14  }
0x168: {  	s6 =	sor.u32 s15, s16;
	v30 =	vld [tilespmem:s9+$0x0];
	v6 =	vadd.f32 v31, v6;
	v31 =	vmul.f32 v40, v7;
	v9 =	vadd.f32 v62, v9  }
0x169: {  	v60 =	vmul.f32 v60, v29;
	v13 =	vadd.f32 v17, v13;
	s10 =	sor.u32 s15, s18;
	v17 =	vmul.f32 v41, v7;
	v43 =	vld [tilespmem:s6+$0x0]  }
0x16a: {  	s25 =	sor.u32 s15, s20;
	v45 =	vld [tilespmem:s10+$0x0];
	v7 =	vmul.f32 v61, v7;
	v6 =	vadd.f32 v12, v6;
	v9 =	vadd.f32 v31, v9  }
0x16b: {  	s26 =	sor.u32 s15, s21;
	v11 =	vadd.f32 v11, v13;
	v47 =	vld [tilespmem:s25+$0x0];
	v0 =	vadd.f32 v0, v14;
	v46 =	vmul.f32 v63, v58  }
0x16c: {  	s2 =	sor.u32 s15, s22;
	s0 =	sadd.s32 $0x10, s31;
	v6 =	vadd.f32 v17, v6;
	v17 =	vmul.f32 v27, v58;
	v7 =	vadd.f32 v7, v9;
	v9 =	vld [tilespmem:s26+$0x0]  }
0x16d: {  	v8 =	vadd.f32 v8, v11;
	v11 =	vld [tilespmem:s2+$0x0];
	s6 =	sor.u32 $0x200, s0;
	v0 =	vadd.f32 v10, v0;
	v49 =	vmul.f32 v30, v58  }
0x16e: {  	s9 =	sor.u32 s15, s23;
	v27 =	vld [tilespmem:s6+$0x400];
	v10 =	vmul.f32 v43, v58;
	v6 =	vadd.f32 v46, v6;
	v7 =	vadd.f32 v17, v7  }
0x16f: {  	v2 =	vadd.f32 v2, v8;
	s10 =	sor.u32 $0x280, s0;
	v8 =	vld [tilespmem:s9+$0x0];
	v0 =	vadd.f32 v3, v0;
	v3 =	vmul.f32 v45, v58  }
0x170: {  	s25 =	sor.u32 s15, s24;
	v50 =	vld [tilespmem:s10+$0x400];
	v6 =	vadd.f32 v10, v6;
	v10 =	vmul.f32 v47, v58;
	v7 =	vadd.f32 v49, v7  }
0x171: {  	v1 =	vadd.f32 v1, v2;
	s26 =	sor.u32 $0x300, s0;
	v0 =	vadd.f32 v26, v0;
	v2 =	vmul.f32 v9, v58;
	v9 =	vld [tilespmem:s25+$0x0]  }
0x172: {  	s2 =	sor.u32 s15, s28;
	v51 =	vld [tilespmem:s26+$0x400];
	v3 =	vadd.f32 v3, v6;
	v6 =	vadd.f32 v10, v7;
	v7 =	vmul.f32 v11, v58  }
0x173: {  	v1 =	vadd.f32 v24, v1;
	s0 =	sor.u32 $0x380, s0;
	v0 =	vadd.f32 v25, v0;
	v10 =	vmul.f32 v27, v58;
	v11 =	vld [tilespmem:s2+$0x0]  }
0x174: {  	s6 =	sor.u32 s15, s5;
	v61 =	vld [tilespmem:s0+$0x400];
	v2 =	vadd.f32 v2, v3;
	v3 =	vadd.f32 v7, v6;
	v6 =	vmul.f32 v8, v58  }
0x175: {  	s9 =	sor.u32 s3, s4;
	v1 =	vadd.f32 v23, v1;
	v0 =	vadd.f32 v10, v0;
	v7 =	vmul.f32 v50, v58;
	v8 =	vld [tilespmem:s6+$0x0]  }
0x176: {  	s10 =	sor.u32 s3, s17;
	v2 =	vadd.f32 v22, v2;
	v3 =	vadd.f32 v6, v3;
	v6 =	vmul.f32 v9, v58;
	v9 =	vld [tilespmem:s9+$0x0]  }
0x177: {  	v1 =	vadd.f32 v21, v1;
	s15 =	sor.u32 s3, s16;
	v10 =	vld [tilespmem:s10+$0x0];
	v0 =	vadd.f32 v7, v0;
	v7 =	vmul.f32 v51, v58  }
0x178: {  	s25 =	sor.u32 s3, s19;
	v2 =	vadd.f32 v20, v2;
	v3 =	vadd.f32 v6, v3;
	v6 =	vmul.f32 v11, v58;
	v11 =	vld [tilespmem:s15+$0x0]  }
0x179: {  	v1 =	vadd.f32 v19, v1;
	s26 =	sor.u32 s3, s18;
	v62 =	vld [tilespmem:s25+$0x0];
	v0 =	vadd.f32 v7, v0;
	v7 =	vmul.f32 v61, v58  }
0x17a: {  	s1 =	sor.u32 s3, s20;
	v2 =	vadd.f32 v18, v2;
	v3 =	vadd.f32 v6, v3;
	v6 =	vmul.f32 v8, v58;
	v8 =	vld [tilespmem:s26+$0x0]  }
0x17b: {  	v1 =	vadd.f32 v16, v1;
	s2 =	sor.u32 s3, s21;
	v0 =	vadd.f32 v7, v0;
	v7 =	vmul.f32 v9, v29;
	v9 =	vld [tilespmem:s1+$0x0]  }
0x17c: {  	s0 =	sadd.s32 $0x20, s31;
	s6 =	sor.u32 s3, s22;
	v10 =	vmul.f32 v10, v29;
	v2 =	vadd.f32 v15, v2;
	v3 =	vadd.f32 v6, v3;
	v6 =	vld [tilespmem:s2+$0x0]  }
0x17d: {  	v1 =	vadd.f32 v4, v1;
	s9 =	sor.u32 $0x200, s0;
	v0 =	vadd.f32 v5, v0;
	v5 =	vld [tilespmem:s6+$0x0];
	v4 =	vmul.f32 v11, v29  }
0x17e: {  	s10 =	sor.u32 s3, s23;
	v11 =	vld [tilespmem:s9+$0x400];
	v2 =	vadd.f32 v7, v2;
	v7 =	vmul.f32 v62, v29;
	v3 =	vadd.f32 v10, v3  }
0x17f: {  	v57 =	vmul.f32 v57, v29;
	s15 =	sor.u32 $0x280, s0;
	v0 =	vadd.f32 v60, v0;
	v10 =	vld [tilespmem:s10+$0x0]  }
0x180: {  	s25 =	sor.u32 s3, s24;
	v63 =	vld [tilespmem:s15+$0x400];
	v2 =	vadd.f32 v4, v2;
	v3 =	vadd.f32 v7, v3;
	v4 =	vmul.f32 v9, v29  }
0x181: {  	s26 =	sor.u32 $0x300, s0;
	v8 =	vmul.f32 v8, v29;
	v0 =	vadd.f32 v57, v0;
	v7 =	vld [tilespmem:s25+$0x0]  }
0x182: {  	s6 =	sor.u32 s3, s28;
	v9 =	vld [tilespmem:s26+$0x400];
	v6 =	vmul.f32 v6, v29;
	v3 =	vadd.f32 v4, v3;
	v4 =	vmul.f32 v5, v29  }
0x183: {  	s0 =	sor.u32 $0x380, s0;
	v2 =	vadd.f32 v8, v2;
	v8 =	vld [tilespmem:s6+$0x0];
	v0 =	vadd.f32 v55, v0;
	v5 =	vmul.f32 v11, v29  }
0x184: {  	v1 =	vadd.f32 v59, v1;
	v11 =	vld [tilespmem:s0+$0x400];
	v3 =	vadd.f32 v4, v3;
	v4 =	vmul.f32 v10, v29  }
0x185: {  	v2 =	vadd.f32 v6, v2;
	v6 =	vld [tilespmem:$0x1FD60];
	v0 =	vadd.f32 v5, v0;
	v5 =	vmul.f32 v63, v29  }
0x186: {  	v52 =	vmul.f32 v52, v29;
	v1 =	vadd.f32 v56, v1;
	s10 =	sor.u32 s12, s4;
	v10 =	vld [tilespmem:$0x1FD80];
	v3 =	vadd.f32 v4, v3  }
0x187: {  	v4 =	vmul.f32 v7, v29;
	v7 =	vld [tilespmem:s10+$0x0];
	v0 =	vadd.f32 v5, v0;
	v5 =	vmul.f32 v9, v29  }
0x188: {  	v1 =	vadd.f32 v54, v1;
	v9 =	vld [tilespmem:$0x1FD70]  }
0x189: {  	s9 =	sor.u32 s3, s5;
	v2 =	vadd.f32 v52, v2;
	v0 =	vadd.f32 v5, v0;
	v5 =	vmul.f32 v11, v29;
	v11 =	vld [tilespmem:$0x1FDA0]  }
0x18a: {  	v1 =	vadd.f32 v6, v1;
	v6 =	vld [tilespmem:s9+$0x0]  }
0x18b: {  	v2 =	vadd.f32 v10, v2;
	v10 =	vld [tilespmem:$0x1FD90]  }
0x18c: {  	s15 =	sor.u32 s12, s17;
	v0 =	vadd.f32 v5, v0;
	v5 =	vld [tilespmem:$0x1FDB0]  }
0x18d: {  	v1 =	vadd.f32 v9, v1;
	v9 =	vld [tilespmem:s15+$0x0]  }
0x18e: {  	v3 =	vadd.f32 v4, v3;
	v4 =	vmul.f32 v8, v29;
	v2 =	vadd.f32 v11, v2;
	v11 =	vld [tilespmem:$0x1FDC0]  }
0x18f: {  	s16 =	sor.u32 s12, s16  }
0x190: {  	v8 =	vld [tilespmem:s16+$0x0];
	v3 =	vadd.f32 v4, v3;
	v4 =	vmul.f32 v6, v29;
	v1 =	vadd.f32 v10, v1;
	_ =	sdelay $0x1  }
0x191: {  	v3 =	vadd.f32 v4, v3;
	v1 =	vadd.f32 v5, v1  }
0x192: {  	s18 =	sor.u32 s12, s18;
	v5 =	vmul.f32 v7, v28;
	v9 =	vmul.f32 v9, v28;
	v2 =	vadd.f32 v11, v2;
	v11 =	vld [tilespmem:$0x1FDD0]  }
0x193: {  	v6 =	vld [tilespmem:s18+$0x0]  }
0x194: {  	s17 =	sor.u32 s12, s19;
	v8 =	vmul.f32 v8, v28;
	v3 =	vadd.f32 v9, v3;
	v9 =	vld [tilespmem:$0x1FDF0];
	v2 =	vadd.f32 v5, v2  }
0x195: {  	v10 =	vld [tilespmem:s17+$0x0]  }
0x196: {  	v8 =	vadd.f32 v8, v2;
	v2 =	vld [tilespmem:$0x1FE10]  }
0x197: {  	s19 =	sor.u32 s12, s20;
	s20 =	sor.u32 s12, s21;
	v0 =	vadd.f32 v11, v0;
	v11 =	vld [tilespmem:$0x1FDE0]  }
0x198: {  	v4 =	vld [tilespmem:s20+$0x0]  }
0x199: {  	v7 =	vld [tilespmem:s19+$0x0];
	v0 =	vadd.f32 v9, v0  }
0x19a: {  	v9 =	vld [tilespmem:$0x1FE00]  }
0x19b: {  	s13 =	sadd.s32 $0x4, s13;
	s21 =	sor.u32 s12, s22;
	v26 =	vadd.f32 v2, v0;
	v0 =	vld [tilespmem:$0x1FE20]  }
0x19c: {  	p1 =	slt.u32 s13, $0x2C;
	s23 =	sor.u32 s12, s23;
	v1 =	vadd.f32 v11, v1;
	v11 =	vld [tilespmem:s21+$0x0]  }
.Ltmp1:
0x19d: {  	v23 =	vld [tilespmem:s23+$0x0];
	s26 =	sor.u32 s12, s24;
	s0 =	sadd.s32 $0x30, s31;
	v5 =	vmul.f32 v10, v28;
	(pc) =	sbr.rel @p1 .LBB2_5-.Ltmp1, $4  }
0x19e: {  	v22 =	vld [tilespmem:s26+$0x0];
	s22 =	sor.u32 $0x200, s0;
	v6 =	vmul.f32 v6, v28  }
0x19f: {  	s25 =	sor.u32 $0x280, s0;
	v21 =	vld [tilespmem:s22+$0x400];
	v3 =	vadd.f32 v5, v3;
	v5 =	vmul.f32 v7, v28;
	v1 =	vadd.f32 v9, v1  }
0x1a0: {  	s31 =	sor.u32 $0x300, s0;
	v19 =	vld [tilespmem:s25+$0x400];
	v27 =	vmul.f32 v4, v28;
	v63 =	vadd.f32 v6, v8  }
0x1a1: {  	s30 =	sadd.s32 $0x40, s30;
	s14 =	sadd.s32 $0x200, s14;
	v48 =	vmovc v34;
	s1 =	sor.u32 s12, s28;
	v18 =	vld [tilespmem:s31+$0x400];
	v7 =	vadd.f32 v5, v3;
	v2 =	vadd.f32 v0, v1;
	v10 =	vmul.f32 v11, v28  }
0x1a2: {  	s0 =	sor.u32 $0x380, s0;
	v11 =	vld [tilespmem:s1+$0x0]  }
0x1a3: {  	s31 =	sor.u32 s12, s5;
	s1 =	simm.s32 $0x2;
	v4 =	vld [tilespmem:s0+$0x400]  }
0x1a4: {  	v62 =	vld [tilespmem:s31+$0x0];
	_ =	swait.ge [sflag:s1], $0x6000  }
0x1a5: {  	[sflag:s1] =	ssyncset.done $0x0  }
0x1a6: {  	p0 =	seq.s32 s7, $0x7;
	[sflag:s1] =	ssyncadd.s32 $0xFFFFA000  }
0x1a7: {  	v0 =	vld @!p0 [tilespmem:s11+$0x80];
	_ =	sdelay $0x4  }
0x1a8: {  	v1 =	vshrl.u32 @!p0 v0, $0x3  }
0x1a9: {  	v1 =	vmul.u32 @!p0 $0x30, v1  }
0x1aa: {  	v3 =	vlaneseq.u32 @!p0;
	v0 =	vand.u32 @!p0 $0x7, v0  }
0x1ab: {  	v5 =	vshrl.u32 @!p0 v3, $0x3;
	v0 =	vor.u32 @!p0 v0, v1;
	v1 =	vand.u32 @!p0 $0x7, v3  }
0x1ac: {  	v5 =	vmul.u32 @!p0 $0x8, v5;
	v6 =	vperm.xlane @!p0 v0, v1;
	_ =	sdelay $0x1  }
0x1ad: {  	v6 =	vadd.s32 @!p0 v5, v6;
	_ =	sdelay $0x2  }
0x1ae: {  	v3 =	vor.u32 @!p0 $0x8, v3  }
0x1af: {  	vm2 =	vmmov @!p0 $0xffff;
	s0 =	simm.s32 @!p0 $0x0;
	s1 =	simm.s32 @!p0 $0x400;
	s2 =	rddreg [dreg:$0x2];
	v0 =	vperm.xlane @!p0 v0, v3  }
0x1b0: {  	[tilespmem:s1], [sflag:$0x1] =	stream.indirect_vreg.gather @!p0 [hbm4b:s2+s0], $0x80, v6, vm2, $0xb8;
	[tilespmem:$0x14240] =	vst v63  }
0x1b1: {  	s3 =	rddreg [dreg:$0x9];
	v0 =	vadd.s32 @!p0 v5, v0;
	s1 =	simm.s32 @!p0 $0xC00  }
0x1b2: {  	[tilespmem:s1], [sflag:$0x1] =	stream.indirect_vreg.gather @!p0 [hbm4b:s3+s0], $0x80, v6, vm2, $0xb8;
	[tilespmem:$0x14240] =	vst v63  }
0x1b3: {  	s4 =	rddreg [dreg:$0xa];
	s1 =	simm.s32 @!p0 $0x1400  }
0x1b4: {  	[tilespmem:s1], [sflag:$0x1] =	stream.indirect_vreg.gather @!p0 [hbm4b:s4+s0], $0x80, v6, vm2, $0xb8;
	[tilespmem:$0x14240] =	vst v63  }
0x1b5: {  	s1 =	simm.s32 @!p0 $0x1C00  }
0x1b6: {  	[tilespmem:s1], [sflag:$0x1] =	stream.indirect_vreg.gather @!p0 [hbm4b:s2+s0], $0x80, v0, vm2, $0xb8;
	[tilespmem:$0x14240] =	vst v63  }
0x1b7: {  	s1 =	simm.s32 @!p0 $0x2400  }
0x1b8: {  	[tilespmem:s1], [sflag:$0x1] =	stream.indirect_vreg.gather @!p0 [hbm4b:s3+s0], $0x80, v0, vm2, $0xb8;
	[tilespmem:$0x14240] =	vst v63  }
0x1b9: {  	s1 =	simm.s32 @!p0 $0x2C00  }
0x1ba: {  	[tilespmem:s1], [sflag:$0x1] =	stream.indirect_vreg.gather @!p0 [hbm4b:s4+s0], $0x80, v0, vm2, $0xb8;
	[tilespmem:$0x14240] =	vst v63  }
0x1bb: {  	v0 =	vld @!p0 [tilespmem:s11+$0x90];
	_ =	sdelay $0x4  }
0x1bc: {  	v6 =	vshrl.u32 @!p0 v0, $0x3  }
0x1bd: {  	v6 =	vmul.u32 @!p0 $0x30, v6  }
0x1be: {  	v0 =	vand.u32 @!p0 $0x7, v0  }
0x1bf: {  	v0 =	vor.u32 @!p0 v0, v6  }
0x1c0: {  	v1 =	vperm.xlane @!p0 v0, v1;
	_ =	sdelay $0x1  }
0x1c1: {  	v1 =	vadd.s32 @!p0 v5, v1;
	_ =	sdelay $0x3  }
0x1c2: {  	s1 =	simm.s32 @!p0 $0x3400;
	v0 =	vperm.xlane @!p0 v0, v3  }
0x1c3: {  	[tilespmem:s1], [sflag:$0x1] =	stream.indirect_vreg.gather @!p0 [hbm4b:s2+s0], $0x80, v1, vm2, $0xb8;
	[tilespmem:$0x14240] =	vst v63  }
0x1c4: {  	v0 =	vadd.s32 @!p0 v5, v0;
	s1 =	simm.s32 @!p0 $0x3C00  }
0x1c5: {  	[tilespmem:s1], [sflag:$0x1] =	stream.indirect_vreg.gather @!p0 [hbm4b:s3+s0], $0x80, v1, vm2, $0xb8;
	[tilespmem:$0x14240] =	vst v63  }
0x1c6: {  	s1 =	simm.s32 @!p0 $0x4400  }
0x1c7: {  	[tilespmem:s1], [sflag:$0x1] =	stream.indirect_vreg.gather @!p0 [hbm4b:s4+s0], $0x80, v1, vm2, $0xb8;
	[tilespmem:$0x14240] =	vst v63  }
0x1c8: {  	s1 =	simm.s32 @!p0 $0x4C00  }
0x1c9: {  	[tilespmem:s1], [sflag:$0x1] =	stream.indirect_vreg.gather @!p0 [hbm4b:s2+s0], $0x80, v0, vm2, $0xb8;
	[tilespmem:$0x14240] =	vst v63  }
0x1ca: {  	s1 =	simm.s32 @!p0 $0x5400  }
0x1cb: {  	[tilespmem:s1], [sflag:$0x1] =	stream.indirect_vreg.gather @!p0 [hbm4b:s3+s0], $0x80, v0, vm2, $0xb8;
	[tilespmem:$0x14240] =	vst v63  }
0x1cc: {  	s2 =	simm.s32 $0x0;
	s1 =	simm.s32 @!p0 $0x5C00  }
0x1cd: {  	[tilespmem:s1], [sflag:$0x1] =	stream.indirect_vreg.gather @!p0 [hbm4b:s4+s0], $0x80, v0, vm2, $0xb8;
	[tilespmem:$0x14240] =	vst v63  }
0x1ce: {  	s30 =	sand.u32 $0x1C00, s2;
	s3 =	sor.u32 s2, s2;
	s1 =	sand.u32 $0x40, s2  }
0x1cf: {  	s4 =	sor.u32 $0x380, s3;
	s2 =	sadd.s32 $0x7F80, s30;
	s11 =	sor.u32 $0x30, s1  }
0x1d0: {  	s3 =	sadd.s32 $0x9780, s30;
	v16 =	vld [tilespmem:s4+$0x6400];
	s5 =	sor.u32 s11, s2  }
0x1d1: {  	s0 =	sadd.s32 $0x9600, s30;
	s6 =	sor.u32 s11, s3;
	v47 =	vld [tilespmem:s5+$0x0]  }
0x1d2: {  	s10 =	sadd.s32 $0x7F00, s30;
	s19 =	sor.u32 s11, s0;
	v46 =	vld [tilespmem:s6+$0x0]  }
0x1d3: {  	s31 =	sadd.s32 $0x9700, s30;
	s9 =	sor.u32 s11, s10;
	v0 =	vld [tilespmem:s19+$0x0]  }
0x1d4: {  	s15 =	sadd.s32 $0x7E80, s30;
	s12 =	sor.u32 s11, s31;
	v32 =	vld [tilespmem:s9+$0x0]  }
0x1d5: {  	s14 =	sadd.s32 $0x9680, s30;
	s13 =	sor.u32 s11, s15;
	v44 =	vld [tilespmem:s12+$0x0]  }
0x1d6: {  	s16 =	sadd.s32 $0x7E00, s30;
	s17 =	sor.u32 s11, s14;
	v43 =	vld [tilespmem:s13+$0x0]  }
0x1d7: {  	s25 =	sadd.s32 $0x7D80, s30;
	s18 =	sor.u32 s11, s16;
	v42 =	vld [tilespmem:s17+$0x0]  }
0x1d8: {  	v26 =	vadd.f32 v39, v26;
	v21 =	vmul.f32 v21, v28;
	s20 =	sor.u32 s11, s25;
	v41 =	vld [tilespmem:s18+$0x0];
	[tilespmem:$0x1FD40] =	vst v0  }
0x1d9: {  	v0 =	vld [tilespmem:s20+$0x0]  }
0x1da: {  	v19 =	vmul.f32 v19, v28;
	v21 =	vadd.f32 v21, v26;
	_ =	sdelay $0x1  }
0x1db: {  	v18 =	vmul.f32 v18, v28;
	v19 =	vadd.f32 v19, v21  }
0x1dc: {  	s4 =	sadd.s32 $0x7C80, s30  }
0x1dd: {  	v18 =	vadd.f32 v18, v19;
	v19 =	vld [tilespmem:$0x1FE40];
	s21 =	sor.u32 s11, s4;
	s17 =	sadd.s32 s30, s8;
	[tilespmem:$0x1FD50] =	vst v0  }
0x1de: {  	s9 =	sadd.s32 $0x7C00, s30;
	s6 =	sadd.s32 s11, s17;
	v45 =	vld [tilespmem:s21+$0x0]  }
0x1df: {  	s12 =	sor.u32 $0x20, s1;
	s22 =	sor.u32 s11, s9;
	v29 =	vld [tilespmem:s6+$0x0]  }
0x1e0: {  	s23 =	sor.u32 s12, s2;
	v49 =	vld [tilespmem:s22+$0x0]  }
0x1e1: {  	s24 =	sor.u32 s12, s10;
	v50 =	vld [tilespmem:s23+$0x0]  }
0x1e2: {  	s26 =	sor.u32 s12, s31;
	v54 =	vld [tilespmem:s24+$0x0]  }
0x1e3: {  	s28 =	sor.u32 s12, s15;
	v34 =	vld [tilespmem:s26+$0x0]  }
0x1e4: {  	s13 =	sadd.s32 $0x6400, s30;
	s18 =	sor.u32 s12, s16;
	v55 =	vld [tilespmem:s28+$0x0]  }
0x1e5: {  	s19 =	sor.u32 s12, s13;
	v56 =	vld [tilespmem:s18+$0x0]  }
0x1e6: {  	s20 =	sor.u32 s12, s25;
	v57 =	vld [tilespmem:s19+$0x180]  }
0x1e7: {  	v58 =	vld [tilespmem:s20+$0x0]  }
0x1e8: {  	v59 =	vld [tilespmem:s19+$0x100]  }
0x1e9: {  	v60 =	vld [tilespmem:s19+$0x80]  }
0x1ea: {  	s21 =	sadd.s32 s12, s17;
	v40 =	vld [tilespmem:s19+$0x0]  }
0x1eb: {  	s26 =	sor.u32 $0x10, s1;
	s22 =	sor.u32 s12, s9;
	v52 =	vld [tilespmem:s21+$0x0]  }
0x1ec: {  	s23 =	sor.u32 s26, s2;
	v61 =	vld [tilespmem:s22+$0x0]  }
0x1ed: {  	s24 =	sor.u32 s26, s10;
	v9 =	vld [tilespmem:s23+$0x0]  }
0x1ee: {  	s28 =	sor.u32 s26, s15;
	v13 =	vld [tilespmem:s24+$0x0]  }
0x1ef: {  	s6 =	sor.u32 s26, s14;
	v15 =	vld [tilespmem:s28+$0x0]  }
0x1f0: {  	s18 =	sor.u32 s26, s16;
	v14 =	vld [tilespmem:s6+$0x0]  }
0x1f1: {  	s19 =	sor.u32 s26, s13;
	v17 =	vld [tilespmem:s18+$0x0]  }
0x1f2: {  	v20 =	vld [tilespmem:s19+$0x180]  }
0x1f3: {  	v24 =	vld [tilespmem:s19+$0x100]  }
0x1f4: {  	s20 =	sadd.s32 s26, s17;
	v5 =	vld [tilespmem:s19+$0x80]  }
0x1f5: {  	v6 =	vld [tilespmem:s20+$0x0]  }
0x1f6: {  	s2 =	sor.u32 s1, s2;
	v12 =	vld [tilespmem:s19+$0x0]  }
0x1f7: {  	s21 =	sor.u32 s1, s10;
	v8 =	vld [tilespmem:s2+$0x0]  }
0x1f8: {  	s22 =	sor.u32 s1, s15;
	v3 =	vld [tilespmem:s21+$0x0]  }
0x1f9: {  	v2 =	vadd.f32 v38, v2;
	s10 =	sadd.s32 s1, s17;
	v1 =	vld [tilespmem:s22+$0x0]  }
0x1fa: {  	s5 =	sadd.s32 $0x7D00, s30;
	s15 =	sor.u32 s1, s4;
	v0 =	vld [tilespmem:s10+$0x0]  }
0x1fb: {  	v2 =	vadd.f32 v37, v2;
	s18 =	sor.u32 s26, s5;
	v37 =	vld [tilespmem:s15+$0x0]  }
0x1fc: {  	s23 =	sor.u32 s1, s16;
	v25 =	vld [tilespmem:s18+$0x0]  }
0x1fd: {  	s24 =	sor.u32 s1, s0;
	v51 =	vld [tilespmem:s23+$0x0]  }
0x1fe: {  	s28 =	sor.u32 s1, s13;
	v30 =	vld [tilespmem:s24+$0x0]  }
0x1ff: {  	v31 =	vld [tilespmem:s28+$0x180]  }
0x200: {  	v7 =	vadd.f32 v10, v7;
	v10 =	vmul.f32 v23, v28;
	v38 =	vld [tilespmem:s28+$0x100]  }
0x201: {  	v23 =	vld [tilespmem:s28+$0x80]  }
0x202: {  	v7 =	vadd.f32 v10, v7;
	v10 =	vmul.f32 v22, v28;
	s16 =	sor.u32 s1, s9;
	s20 =	sadd.s32 $0x9400, s30;
	v39 =	vld [tilespmem:s28+$0x0]  }
0x203: {  	v27 =	vadd.f32 v27, v63;
	v2 =	vadd.f32 v35, v2;
	v4 =	vmul.f32 v4, v28;
	s21 =	sadd.s32 $0xAC00, s30;
	v63 =	vld [tilespmem:s16+$0x0];
	s17 =	sor.u32 s1, s20  }
0x204: {  	v7 =	vadd.f32 v10, v7;
	v10 =	vmul.f32 v11, v28;
	s16 =	sadd.s32 $0x9480, s30;
	s18 =	sor.u32 s1, s21;
	v11 =	vld [tilespmem:s17+$0x0]  }
0x205: {  	v4 =	vadd.f32 v4, v18;
	v2 =	vadd.f32 v19, v2;
	s19 =	sor.u32 s1, s16;
	v19 =	vld [tilespmem:s18+$0x0]  }
0x206: {  	v7 =	vadd.f32 v10, v7;
	v10 =	vmul.f32 v62, v28;
	v28 =	vld [tilespmem:s19+$0x0]  }
0x207: {  	v27 =	vadd.f32 v36, v27;
	[tilespmem:$0x1FD00] =	vst v4;
	v4 =	vld [tilespmem:$0x1FE30];
	_ =	sdelay $0x1  }
0x208: {  	v27 =	vadd.f32 v53, v27;
	_ =	sdelay $0x1  }
0x209: {  	v27 =	vadd.f32 v33, v27  }
0x20a: {  	v2 =	vadd.f32 v4, v2  }
0x20b: {  	s17 =	sadd.s32 $0xAC80, s30;
	v4 =	vadd.f32 v48, v27  }
0x20c: {  	s22 =	sor.u32 s1, s17;
	[tilespmem:$0x1FD10] =	vst v2  }
0x20d: {  	v2 =	vld [tilespmem:s22+$0x0];
	[tilespmem:$0x1FD20] =	vst v4;
	v4 =	vadd.f32 v10, v7;
	_ =	sdelay $0x1  }
0x20e: {  	s2 =	sadd.s32 $0x9500, s30;
	s23 =	sor.u32 s1, s5;
	[tilespmem:$0x1FD30] =	vst v4  }
0x20f: {  	s15 =	sadd.s32 $0xAD00, s30;
	s24 =	sor.u32 s1, s2;
	v26 =	vmul.f32 v37, v0;
	v4 =	vld [tilespmem:s23+$0x0]  }
0x210: {  	p0 =	por $0x0, $0x0;
	s28 =	sor.u32 s1, s15;
	v21 =	vmul.f32 v63, v0;
	v11 =	vmul.f32 v11, v0;
	v18 =	vld [tilespmem:s24+$0x0]  }
0x211: {  	s10 =	simm.s32 $0x1;
	s18 =	sadd.s32 $0x9580, s30;
	s19 =	sor.u32 s1, s25;
	v19 =	vmul.f32 v19, v0;
	v7 =	vmul.f32 v39, v0;
	v10 =	vimm.f32 $0.0e+00;
	v35 =	vld [tilespmem:s28+$0x0]  }
0x212: {  	s10 =	simm.s32 @!p0 $0x0;
	v33 =	vmul.f32 v23, v0;
	s22 =	sor.u32 s1, s18;
	v21 =	vadd.f32 v21, v10;
	v11 =	vadd.f32 v11, v10;
	v27 =	vld [tilespmem:s19+$0x0];
	s19 =	sadd.s32 $0xAD80, s30  }
0x213: {  	s10 =	sshll.u32 s10, $0x6;
	v36 =	vmul.f32 v38, v0;
	v7 =	vadd.f32 v7, v10;
	v10 =	vadd.f32 v19, v10;
	v19 =	vld [tilespmem:s22+$0x0];
	s22 =	sadd.s32 $0xAE00, s30;
	s24 =	sor.u32 s1, s19  }
0x214: {  	v28 =	vmul.f32 v28, v0;
	s23 =	sadd.s32 $0x0, s10;
	s10 =	sor.u32 s1, s22;
	v2 =	vmul.f32 v2, v0;
	v37 =	vld [tilespmem:s24+$0x0]  }
0x215: {  	v30 =	vmul.f32 v30, v0;
	v21 =	vadd.f32 v26, v21;
	v7 =	vadd.f32 v33, v7;
	s28 =	sor.u32 $0x200, s23;
	v38 =	vld [tilespmem:s10+$0x0]  }
0x216: {  	v11 =	vadd.f32 v28, v11;
	v28 =	vmul.f32 v31, v0;
	s24 =	sor.u32 $0x280, s23;
	v2 =	vadd.f32 v2, v10;
	v10 =	vld [tilespmem:s28+$0x6400]  }
0x217: {  	v7 =	vadd.f32 v36, v7;
	v39 =	vld [tilespmem:s24+$0x6400];
	s24 =	sadd.s32 $0xAE80, s30;
	v4 =	vmul.f32 v4, v0;
	v18 =	vmul.f32 v18, v0  }
0x218: {  	s10 =	sor.u32 s1, s24;
	v23 =	vmul.f32 v35, v0;
	v27 =	vmul.f32 v27, v0  }
0x219: {  	s28 =	sor.u32 s1, s14;
	v19 =	vmul.f32 v19, v0;
	v7 =	vadd.f32 v28, v7;
	v48 =	vld [tilespmem:s10+$0x0];
	v4 =	vadd.f32 v4, v21  }
0x21a: {  	v11 =	vadd.f32 v18, v11;
	v2 =	vadd.f32 v23, v2;
	v18 =	vld [tilespmem:s28+$0x0];
	s28 =	sor.u32 $0x300, s23;
	v26 =	vmul.f32 v37, v0  }
0x21b: {  	s10 =	sor.u32 s1, s31;
	v28 =	vmul.f32 v51, v0;
	v4 =	vadd.f32 v27, v4;
	v27 =	vld [tilespmem:s28+$0x6400];
	v10 =	vmul.f32 v10, v0;
	s28 =	sadd.s32 $0xAF00, s30  }
0x21c: {  	v22 =	vmul.f32 v38, v0;
	v11 =	vadd.f32 v19, v11;
	v19 =	vld [tilespmem:s10+$0x0];
	v2 =	vadd.f32 v26, v2;
	s10 =	sor.u32 s1, s28  }
0x21d: {  	s30 =	sadd.s32 $0xAF80, s30;
	v53 =	vld [tilespmem:s10+$0x0];
	v7 =	vadd.f32 v10, v7;
	v10 =	vmul.f32 v39, v0;
	v4 =	vadd.f32 v28, v4;
	s10 =	sor.u32 s1, s3  }
0x21e: {  	v1 =	vmul.f32 v1, v0;
	v11 =	vadd.f32 v30, v11;
	s1 =	sor.u32 s1, s30;
	v2 =	vadd.f32 v22, v2;
	v62 =	vld [tilespmem:s10+$0x0]  }
0x21f: {  	s9 =	sor.u32 s26, s9;
	v63 =	vld [tilespmem:s1+$0x0];
	v7 =	vadd.f32 v10, v7;
	v10 =	vmul.f32 v18, v0;
	v18 =	vmul.f32 v48, v0  }
0x220: {  	v3 =	vmul.f32 v3, v0;
	v16 =	vmul.f32 v16, v0;
	s10 =	sor.u32 s26, s20;
	v1 =	vadd.f32 v1, v4;
	v4 =	vld [tilespmem:s9+$0x0]  }
0x221: {  	s6 =	sor.u32 s26, s21;
	v10 =	vadd.f32 v10, v11;
	v11 =	vmul.f32 v19, v0;
	v2 =	vadd.f32 v18, v2;
	v18 =	vld [tilespmem:s10+$0x0]  }
0x222: {  	s9 =	sor.u32 s26, s4;
	v33 =	vmul.f32 v27, v0;
	v1 =	vadd.f32 v3, v1;
	v3 =	vld [tilespmem:s6+$0x0];
	v19 =	vmul.f32 v53, v0  }
0x223: {  	v8 =	vmul.f32 v8, v0;
	v12 =	vmul.f32 v12, v6;
	s10 =	sor.u32 s26, s16;
	v10 =	vadd.f32 v11, v10;
	v11 =	vld [tilespmem:s9+$0x0]  }
0x224: {  	s6 =	sor.u32 s26, s17;
	v7 =	vadd.f32 v33, v7;
	v35 =	vld [tilespmem:s10+$0x0];
	v2 =	vadd.f32 v19, v2;
	v19 =	vmul.f32 v62, v0  }
0x225: {  	v5 =	vmul.f32 v5, v6;
	s10 =	sor.u32 s26, s15;
	v1 =	vadd.f32 v8, v1;
	v8 =	vld [tilespmem:s6+$0x0];
	v0 =	vmul.f32 v63, v0  }
0x226: {  	s9 =	sor.u32 s26, s2;
	v36 =	vld [tilespmem:s10+$0x0];
	v7 =	vadd.f32 v16, v7;
	v4 =	vmul.f32 v4, v6;
	v10 =	vadd.f32 v19, v10  }
0x227: {  	s25 =	sor.u32 s26, s25;
	v0 =	vadd.f32 v0, v2;
	v2 =	vld [tilespmem:s9+$0x0];
	v16 =	vmul.f32 v18, v6;
	v3 =	vmul.f32 v3, v6  }
0x228: {  	v7 =	vadd.f32 v12, v7;
	v1 =	vadd.f32 v4, v1;
	v4 =	vld [tilespmem:s25+$0x0];
	s9 =	sor.u32 s26, s18;
	v11 =	vmul.f32 v11, v6  }
0x229: {  	s6 =	sadd.s32 $0x10, s23;
	s10 =	sor.u32 s26, s19;
	v10 =	vadd.f32 v16, v10;
	v0 =	vadd.f32 v3, v0;
	v3 =	vld [tilespmem:s9+$0x0];
	v16 =	vmul.f32 v35, v6  }
0x22a: {  	v15 =	vmul.f32 v15, v6;
	s25 =	sor.u32 $0x200, s6;
	v5 =	vadd.f32 v5, v7;
	v7 =	vld [tilespmem:s10+$0x0];
	v8 =	vmul.f32 v8, v6  }
0x22b: {  	v18 =	vmul.f32 v25, v6;
	s9 =	sor.u32 s26, s0;
	v1 =	vadd.f32 v11, v1;
	v10 =	vadd.f32 v16, v10;
	v11 =	vld [tilespmem:s25+$0x6400]  }
0x22c: {  	s10 =	sor.u32 s26, s22;
	v16 =	vmul.f32 v24, v6;
	v0 =	vadd.f32 v8, v0;
	v8 =	vld [tilespmem:s9+$0x0];
	v2 =	vmul.f32 v2, v6  }
0x22d: {  	v12 =	vmul.f32 v36, v6;
	s25 =	sor.u32 $0x280, s6;
	v4 =	vmul.f32 v4, v6;
	v1 =	vadd.f32 v18, v1;
	v18 =	vld [tilespmem:s10+$0x0]  }
0x22e: {  	s9 =	sor.u32 s26, s24;
	v5 =	vadd.f32 v16, v5;
	v16 =	vmul.f32 v20, v6;
	v2 =	vadd.f32 v2, v10;
	v10 =	vld [tilespmem:s25+$0x6400]  }
0x22f: {  	v37 =	vld [tilespmem:s9+$0x0];
	v0 =	vadd.f32 v12, v0;
	s10 =	sor.u32 $0x300, s6;
	v3 =	vmul.f32 v3, v6;
	v7 =	vmul.f32 v7, v6  }
0x230: {  	s25 =	sor.u32 s26, s31;
	v5 =	vadd.f32 v16, v5;
	v16 =	vld [tilespmem:s10+$0x6400];
	v1 =	vadd.f32 v4, v1;
	v11 =	vmul.f32 v11, v6  }
0x231: {  	s31 =	sor.u32 s26, s28;
	v4 =	vmul.f32 v17, v6;
	v2 =	vadd.f32 v3, v2;
	v3 =	vld [tilespmem:s25+$0x0];
	v8 =	vmul.f32 v8, v6  }
0x232: {  	s9 =	sor.u32 $0x380, s6;
	v0 =	vadd.f32 v7, v0;
	v7 =	vld [tilespmem:s31+$0x0];
	v5 =	vadd.f32 v11, v5;
	v11 =	vmul.f32 v18, v6  }
0x233: {  	v9 =	vmul.f32 v9, v6;
	s10 =	sor.u32 s26, s3;
	v1 =	vadd.f32 v4, v1;
	v4 =	vld [tilespmem:s9+$0x6400];
	v10 =	vmul.f32 v10, v6  }
0x234: {  	s25 =	sor.u32 s26, s30;
	v2 =	vadd.f32 v8, v2;
	v8 =	vld [tilespmem:s10+$0x0];
	v0 =	vadd.f32 v11, v0;
	v11 =	vmul.f32 v14, v6  }
0x235: {  	s26 =	sor.u32 s12, s20;
	v12 =	vmul.f32 v37, v6;
	v1 =	vadd.f32 v15, v1;
	v5 =	vadd.f32 v10, v5;
	v10 =	vld [tilespmem:s25+$0x0]  }
0x236: {  	s31 =	sor.u32 s12, s21;
	v39 =	vld [tilespmem:s26+$0x0];
	v38 =	vmul.f32 v16, v6;
	v2 =	vadd.f32 v11, v2;
	v11 =	vmul.f32 v13, v6  }
0x237: {  	s4 =	sor.u32 s12, s4;
	v48 =	vld [tilespmem:s31+$0x0];
	v3 =	vmul.f32 v3, v6;
	v7 =	vmul.f32 v7, v6;
	v0 =	vadd.f32 v12, v0  }
0x238: {  	v4 =	vmul.f32 v4, v6;
	v5 =	vadd.f32 v38, v5;
	v1 =	vadd.f32 v11, v1;
	v11 =	vld [tilespmem:s4+$0x0];
	s4 =	sor.u32 s12, s16  }
0x239: {  	s6 =	sor.u32 s12, s17;
	v2 =	vadd.f32 v3, v2;
	v3 =	vmul.f32 v8, v6;
	v0 =	vadd.f32 v7, v0;
	v7 =	vld [tilespmem:s4+$0x0]  }
0x23a: {  	s9 =	sor.u32 s12, s5;
	v4 =	vadd.f32 v4, v5;
	v5 =	vld [tilespmem:s6+$0x0];
	v6 =	vmul.f32 v10, v6  }
0x23b: {  	s10 =	sor.u32 s12, s2;
	v1 =	vadd.f32 v9, v1;
	v2 =	vadd.f32 v3, v2;
	v3 =	vld [tilespmem:s9+$0x0];
	v9 =	vmul.f32 v61, v52  }
0x23c: {  	s25 =	sor.u32 s12, s15;
	v8 =	vmul.f32 v40, v52;
	v0 =	vadd.f32 v6, v0;
	v6 =	vld [tilespmem:s10+$0x0]  }
0x23d: {  	s31 =	sor.u32 s12, s19;
	v51 =	vmul.f32 v48, v52;
	v10 =	vmul.f32 v39, v52;
	v1 =	vadd.f32 v9, v1;
	v9 =	vld [tilespmem:s25+$0x0]  }
0x23e: {  	s1 =	sadd.s32 $0x20, s23;
	s26 =	sor.u32 s12, s18;
	v53 =	vld [tilespmem:s31+$0x0];
	v4 =	vadd.f32 v8, v4;
	v8 =	vmul.f32 v60, v52;
	v11 =	vmul.f32 v11, v52  }
0x23f: {  	s6 =	sor.u32 $0x200, s1;
	v2 =	vadd.f32 v10, v2;
	v10 =	vld [tilespmem:s26+$0x0];
	v0 =	vadd.f32 v51, v0;
	v5 =	vmul.f32 v5, v52  }
0x240: {  	s0 =	sor.u32 s12, s0;
	v4 =	vadd.f32 v8, v4;
	v8 =	vld [tilespmem:s6+$0x6400];
	v7 =	vmul.f32 v7, v52;
	v1 =	vadd.f32 v11, v1  }
0x241: {  	s9 =	sor.u32 s12, s22;
	v11 =	vmul.f32 v59, v52;
	v3 =	vmul.f32 v3, v52;
	v0 =	vadd.f32 v5, v0;
	v5 =	vld [tilespmem:s0+$0x0]  }
0x242: {  	s10 =	sor.u32 $0x280, s1;
	v2 =	vadd.f32 v7, v2;
	v7 =	vld [tilespmem:s9+$0x0];
	v6 =	vmul.f32 v6, v52;
	v9 =	vmul.f32 v9, v52  }
0x243: {  	s14 =	sor.u32 s12, s14;
	v4 =	vadd.f32 v11, v4;
	v1 =	vadd.f32 v3, v1;
	v3 =	vld [tilespmem:s10+$0x6400];
	v11 =	vmul.f32 v58, v52  }
0x244: {  	s31 =	sor.u32 s12, s28;
	v2 =	vadd.f32 v6, v2;
	v6 =	vmul.f32 v57, v52;
	v0 =	vadd.f32 v9, v0;
	v9 =	vld [tilespmem:s14+$0x0]  }
0x245: {  	s25 =	sor.u32 s12, s24;
	v10 =	vmul.f32 v10, v52;
	v1 =	vadd.f32 v11, v1;
	v11 =	vmul.f32 v56, v52;
	v56 =	vld [tilespmem:s31+$0x0]  }
0x246: {  	v12 =	vmul.f32 v53, v52;
	s26 =	sor.u32 $0x300, s1;
	v8 =	vmul.f32 v8, v52;
	v4 =	vadd.f32 v6, v4;
	v6 =	vld [tilespmem:s25+$0x0]  }
0x247: {  	s3 =	sor.u32 s12, s3;
	v57 =	vmul.f32 v55, v52;
	v2 =	vadd.f32 v10, v2;
	v10 =	vld [tilespmem:s26+$0x6400];
	v5 =	vmul.f32 v5, v52  }
0x248: {  	s1 =	sor.u32 $0x380, s1;
	v0 =	vadd.f32 v12, v0;
	v7 =	vmul.f32 v7, v52;
	v1 =	vadd.f32 v11, v1;
	v11 =	vld [tilespmem:s3+$0x0]  }
0x249: {  	s4 =	sor.u32 s12, s30;
	v3 =	vmul.f32 v3, v52;
	v4 =	vadd.f32 v8, v4;
	v8 =	vld [tilespmem:s1+$0x6400];
	v2 =	vadd.f32 v5, v2  }
0x24a: {  	s6 =	sor.u32 s11, s13;
	s13 =	sor.u32 s11, s17;
	s17 =	sor.u32 s11, s15;
	v0 =	vadd.f32 v7, v0;
	v7 =	vld [tilespmem:s4+$0x0];
	v1 =	vadd.f32 v57, v1;
	v5 =	vmul.f32 v9, v52  }
0x24b: {  	v61 =	vld [tilespmem:s17+$0x0];
	s9 =	sor.u32 s11, s20;
	v9 =	vmul.f32 v54, v52;
	v3 =	vadd.f32 v3, v4;
	v4 =	vmul.f32 v6, v52  }
0x24c: {  	v58 =	vmul.f32 v34, v52;
	v10 =	vmul.f32 v10, v52;
	v2 =	vadd.f32 v5, v2;
	v5 =	vld [tilespmem:s9+$0x0]  }
0x24d: {  	v6 =	vld [tilespmem:s6+$0x0];
	v1 =	vadd.f32 v9, v1;
	v0 =	vadd.f32 v4, v0;
	v4 =	vmul.f32 v56, v52  }
0x24e: {  	s10 =	sor.u32 s11, s21;
	v9 =	vld [tilespmem:s6+$0x80];
	v11 =	vmul.f32 v11, v52;
	v3 =	vadd.f32 v10, v3;
	v8 =	vmul.f32 v8, v52  }
0x24f: {  	s12 =	sor.u32 s11, s16;
	v59 =	vld [tilespmem:s10+$0x0];
	v2 =	vadd.f32 v58, v2;
	v7 =	vmul.f32 v7, v52;
	v0 =	vadd.f32 v4, v0  }
0x250: {  	v10 =	vmul.f32 v50, v52;
	v4 =	vld [tilespmem:s12+$0x0];
	v3 =	vadd.f32 v8, v3  }
0x251: {  	v2 =	vadd.f32 v11, v2;
	v5 =	vmul.f32 v5, v29;
	v0 =	vadd.f32 v7, v0;
	v7 =	vld [tilespmem:s6+$0x100]  }
0x252: {  	s16 =	sor.u32 s11, s2;
	v8 =	vld [tilespmem:s13+$0x0];
	v1 =	vadd.f32 v10, v1;
	v10 =	vmul.f32 v49, v29;
	v6 =	vmul.f32 v6, v29  }
0x253: {  	v35 =	vmul.f32 v32, v29;
	s14 =	sor.u32 s11, s5;
	v9 =	vmul.f32 v9, v29;
	v2 =	vadd.f32 v5, v2;
	v5 =	vld [tilespmem:s16+$0x0]  }
0x254: {  	s20 =	sor.u32 s11, s19;
	v1 =	vadd.f32 v10, v1;
	v10 =	vld [tilespmem:s14+$0x0];
	v3 =	vadd.f32 v6, v3;
	v6 =	vmul.f32 v59, v29  }
0x255: {  	v36 =	vmul.f32 v44, v29;
	v17 =	vmul.f32 v46, v29;
	v62 =	vld [tilespmem:s20+$0x0]  }
0x256: {  	s18 =	sor.u32 s11, s18;
	v11 =	vld [tilespmem:s6+$0x180];
	v0 =	vadd.f32 v6, v0;
	v6 =	vadd.f32 v9, v3;
	v7 =	vmul.f32 v7, v29  }
0x257: {  	v60 =	vmul.f32 v45, v29;
	v9 =	vld [tilespmem:s18+$0x0];
	v3 =	vmul.f32 v8, v29  }
0x258: {  	s0 =	sadd.s32 $0x30, s23;
	v4 =	vmul.f32 v4, v29;
	v63 =	vmul.f32 v5, v29;
	v5 =	vadd.f32 v7, v6;
	v7 =	vld [tilespmem:$0x1FD50]  }
0x259: {  	s21 =	sor.u32 $0x200, s0;
	v1 =	vadd.f32 v60, v1;
	v8 =	vmul.f32 v10, v29;
	v10 =	vadd.f32 v3, v0;
	v0 =	vld [tilespmem:$0x1FD40]  }
0x25a: {  	v37 =	vmul.f32 v43, v29;
	v38 =	vmul.f32 v42, v29;
	s23 =	sor.u32 s11, s22;
	v2 =	vadd.f32 v4, v2;
	v3 =	vld [tilespmem:s21+$0x6400]  }
0x25b: {  	v40 =	vmul.f32 v41, v29;
	s26 =	sor.u32 s11, s24;
	v4 =	vld [tilespmem:s23+$0x0];
	v6 =	vadd.f32 v8, v1;
	v1 =	vmul.f32 v61, v29  }
0x25c: {  	v34 =	vmul.f32 v47, v29;
	s31 =	sor.u32 $0x300, s0;
	v42 =	vmul.f32 v11, v29;
	v8 =	vadd.f32 v63, v2;
	v2 =	vld [tilespmem:s26+$0x0]  }
0x25d: {  	s25 =	sor.u32 $0x280, s0;
	s1 =	sor.u32 s11, s28;
	v11 =	vmul.f32 v62, v29;
	v10 =	vadd.f32 v1, v10;
	v1 =	vld [tilespmem:s31+$0x6400];
	v41 =	vmul.f32 v7, v29  }
0x25e: {  	s12 =	simm.s32 $0x0;
	s13 =	simm.s32 $0x200;
	s14 =	simm.s32 $0x40;
	v39 =	vmul.f32 v0, v29;
	v0 =	vld [tilespmem:s25+$0x6400];
	v7 =	vmul.f32 v9, v29  }
.LBB2_7:
0x25f: {  	v6 =	vadd.f32 v41, v6  }
0x260: {  	s3 =	sor.u32 s13, s14;
	s4 =	sor.u32 $0x380, s0;
	v9 =	vld [tilespmem:s1+$0x0];
	v7 =	vadd.f32 v7, v8  }
0x261: {  	v5 =	vadd.f32 v42, v5;
	s2 =	sand.u32 $0x40, s14;
	s0 =	sand.u32 $0x1C00, s13;
	s23 =	sor.u32 s11, s30;
	v12 =	vld [tilespmem:s4+$0x6400];
	v6 =	vadd.f32 v40, v6;
	v3 =	vmul.f32 v3, v29  }
0x262: {  	v8 =	vadd.f32 v11, v10;
	s3 =	sor.u32 $0x380, s3;
	s1 =	sadd.s32 $0x7F80, s0;
	s11 =	sor.u32 $0x30, s2;
	v10 =	vld [tilespmem:s23+$0x0];
	v7 =	vadd.f32 v39, v7;
	v4 =	vmul.f32 v4, v29  }
0x263: {  	s5 =	sadd.s32 $0x9780, s0;
	v19 =	vld [tilespmem:s3+$0x6400];
	s24 =	sor.u32 s11, s1;
	v6 =	vadd.f32 v37, v6;
	v3 =	vadd.f32 v3, v5;
	v5 =	vmul.f32 v0, v29  }
0x264: {  	s16 =	sadd.s32 $0x7F00, s0;
	s25 =	sor.u32 s11, s5;
	v2 =	vmul.f32 v2, v29;
	v7 =	vadd.f32 v38, v7;
	v4 =	vadd.f32 v4, v8;
	v0 =	vld [tilespmem:s24+$0x0]  }
0x265: {  	s22 =	sadd.s32 $0x7E00, s0;
	s26 =	sor.u32 s11, s16;
	v6 =	vadd.f32 v35, v6;
	v3 =	vadd.f32 v5, v3;
	v5 =	vmul.f32 v1, v29;
	v1 =	vld [tilespmem:s25+$0x0]  }
0x266: {  	s23 =	sadd.s32 $0x9600, s0;
	s9 =	sor.u32 s11, s22;
	v7 =	vadd.f32 v36, v7;
	v4 =	vadd.f32 v2, v4;
	v2 =	vld [tilespmem:s26+$0x0]  }
0x267: {  	s17 =	sadd.s32 $0x7D00, s0;
	s10 =	sor.u32 s11, s23;
	v15 =	vadd.f32 v34, v6;
	v6 =	vld [tilespmem:s9+$0x0]  }
0x268: {  	s18 =	sadd.s32 $0x9700, s0;
	s25 =	sor.u32 s11, s17;
	v13 =	vadd.f32 v17, v7;
	v7 =	vld [tilespmem:s10+$0x0]  }
0x269: {  	s19 =	sadd.s32 $0x7E80, s0;
	s28 =	sor.u32 s11, s18;
	v8 =	vmul.f32 v9, v29;
	v11 =	vld [tilespmem:s25+$0x0]  }
0x26a: {  	s31 =	sor.u32 s11, s19;
	s9 =	sadd.s32 $0x7C80, s0;
	v5 =	vadd.f32 v5, v3;
	v3 =	vld [tilespmem:s28+$0x0]  }
0x26b: {  	s25 =	sadd.s32 s0, s8;
	v8 =	vadd.f32 v8, v4;
	v4 =	vld [tilespmem:s31+$0x0];
	s26 =	sor.u32 s11, s9  }
0x26c: {  	s4 =	sadd.s32 $0x7C00, s0;
	s10 =	sadd.s32 s11, s25;
	v17 =	vld [tilespmem:s26+$0x0]  }
0x26d: {  	s3 =	sor.u32 $0x20, s2;
	v9 =	vmul.f32 v12, v29;
	v10 =	vmul.f32 v10, v29;
	s28 =	sor.u32 s11, s4;
	v29 =	vld [tilespmem:s10+$0x0]  }
0x26e: {  	s20 =	sadd.s32 $0x9680, s0;
	s31 =	sor.u32 s3, s1;
	v20 =	vld [tilespmem:s28+$0x0]  }
0x26f: {  	s21 =	sadd.s32 $0x7D80, s0;
	s6 =	sor.u32 s11, s20;
	v21 =	vld [tilespmem:s31+$0x0]  }
0x270: {  	s15 =	sor.u32 s11, s21;
	v16 =	vadd.f32 v9, v5;
	v5 =	vld [tilespmem:s6+$0x0]  }
0x271: {  	s26 =	sor.u32 s3, s16;
	v9 =	vld [tilespmem:s15+$0x0]  }
0x272: {  	s28 =	sor.u32 s3, s18;
	v23 =	vld [tilespmem:s26+$0x0]  }
0x273: {  	s31 =	sor.u32 s3, s19;
	v24 =	vld [tilespmem:s28+$0x0]  }
0x274: {  	s24 =	sadd.s32 $0x6400, s0;
	s10 =	sor.u32 s3, s20;
	v25 =	vld [tilespmem:s31+$0x0]  }
0x275: {  	s6 =	sor.u32 s11, s24;
	v26 =	vld [tilespmem:s10+$0x0]  }
0x276: {  	v14 =	vadd.f32 v10, v8;
	v8 =	vld [tilespmem:s6+$0x180]  }
0x277: {  	v10 =	vld [tilespmem:s6+$0x100]  }
0x278: {  	v12 =	vld [tilespmem:s6+$0x80]  }
0x279: {  	s15 =	sor.u32 s3, s5;
	v18 =	vld [tilespmem:s6+$0x0]  }
0x27a: {  	s26 =	sor.u32 s3, s23;
	v22 =	vld [tilespmem:s15+$0x0]  }
0x27b: {  	s28 =	sor.u32 s3, s24;
	v28 =	vld [tilespmem:s26+$0x0]  }
0x27c: {  	s31 =	sor.u32 s3, s21;
	v30 =	vld [tilespmem:s28+$0x180]  }
0x27d: {  	v31 =	vld [tilespmem:s31+$0x0]  }
0x27e: {  	v60 =	vld [tilespmem:s28+$0x100]  }
0x27f: {  	v32 =	vld [tilespmem:s28+$0x80]  }
0x280: {  	s15 =	sor.u32 s3, s22;
	v58 =	vld [tilespmem:s28+$0x0]  }
0x281: {  	s26 =	sor.u32 s3, s9;
	v27 =	vld [tilespmem:s15+$0x0]  }
0x282: {  	s15 =	sor.u32 s3, s17;
	v44 =	vld [tilespmem:s26+$0x0]  }
0x283: {  	v63 =	vld [tilespmem:s15+$0x0];
	s15 =	sadd.s32 s3, s25  }
0x284: {  	s28 =	sor.u32 s3, s4;
	v43 =	vld [tilespmem:s15+$0x0];
	s15 =	sor.u32 $0x10, s2  }
0x285: {  	v61 =	vld [tilespmem:s28+$0x0];
	s31 =	sor.u32 s15, s1  }
0x286: {  	s10 =	sor.u32 s15, s5;
	v33 =	vld [tilespmem:s31+$0x0]  }
0x287: {  	s26 =	sor.u32 s15, s16;
	v45 =	vld [tilespmem:s10+$0x0]  }
0x288: {  	s28 =	sor.u32 s15, s18;
	v46 =	vld [tilespmem:s26+$0x0]  }
0x289: {  	s1 =	sor.u32 s2, s1;
	v47 =	vld [tilespmem:s28+$0x0]  }
0x28a: {  	s16 =	sor.u32 s2, s16;
	v53 =	vld [tilespmem:s1+$0x0]  }
0x28b: {  	v34 =	vmul.f32 v0, v29;
	s18 =	sor.u32 s2, s18;
	v54 =	vld [tilespmem:s16+$0x0]  }
0x28c: {  	v0 =	vmul.f32 v1, v29;
	s31 =	sor.u32 s15, s19;
	v1 =	vmul.f32 v10, v29;
	v55 =	vld [tilespmem:s18+$0x0]  }
0x28d: {  	s26 =	sor.u32 s15, s20;
	v48 =	vld [tilespmem:s31+$0x0]  }
0x28e: {  	s28 =	sor.u32 s15, s22;
	v49 =	vld [tilespmem:s26+$0x0];
	[tilespmem:$0x1FCE0] =	vst v1;
	v1 =	vmul.f32 v11, v29  }
0x28f: {  	s10 =	sor.u32 s15, s24;
	[tilespmem:$0x1FC10] =	vst v0;
	v50 =	vld [tilespmem:s28+$0x0]  }
0x290: {  	v0 =	vld [tilespmem:s10+$0x180];
	[tilespmem:$0x1FCF0] =	vst v1;
	v1 =	vmul.f32 v12, v29  }
0x291: {  	v36 =	vmul.f32 v3, v29;
	v3 =	vld [tilespmem:s10+$0x100]  }
0x292: {  	v35 =	vmul.f32 v2, v29;
	s31 =	sor.u32 s15, s23;
	v52 =	vld [tilespmem:s10+$0x80];
	[tilespmem:$0x1FCC0] =	vst v1;
	v1 =	vmul.f32 v17, v29  }
0x293: {  	v37 =	vmul.f32 v4, v29;
	v40 =	vmul.f32 v6, v29;
	s26 =	sor.u32 s15, s21;
	v51 =	vld [tilespmem:s31+$0x0]  }
0x294: {  	v39 =	vmul.f32 v7, v29;
	v2 =	vld [tilespmem:s26+$0x0];
	s31 =	sor.u32 s15, s9;
	[tilespmem:$0x1FCD0] =	vst v1;
	v1 =	vmul.f32 v18, v29  }
0x295: {  	v38 =	vmul.f32 v5, v29;
	v41 =	vmul.f32 v9, v29;
	s26 =	sadd.s32 s15, s25;
	v10 =	vld [tilespmem:s31+$0x0]  }
0x296: {  	v42 =	vmul.f32 v8, v29;
	s22 =	sor.u32 s2, s22;
	v62 =	vld [tilespmem:s26+$0x0];
	[tilespmem:$0x1FCA0] =	vst v1;
	v1 =	vmul.f32 v20, v29  }
0x297: {  	v9 =	vmul.f32 v30, v43;
	v4 =	vmul.f32 v32, v43;
	v32 =	vld [tilespmem:s22+$0x0];
	s31 =	sadd.s32 s2, s25  }
0x298: {  	s19 =	sor.u32 s2, s19;
	v30 =	vmul.f32 v31, v43;
	v8 =	vld [tilespmem:s31+$0x0];
	[tilespmem:$0x1FCB0] =	vst v1;
	v1 =	vmul.f32 v21, v43  }
0x299: {  	v56 =	vld [tilespmem:s19+$0x0];
	v31 =	vmul.f32 v60, v43;
	v60 =	vmul.f32 v63, v43;
	s26 =	sor.u32 s2, s24  }
0x29a: {  	s20 =	sor.u32 s2, s20;
	v6 =	vmul.f32 v58, v43;
	v58 =	vld [tilespmem:s26+$0x180];
	[tilespmem:$0x1FC80] =	vst v1;
	v1 =	vmul.f32 v22, v43  }
0x29b: {  	s28 =	sor.u32 s15, s17;
	v57 =	vld [tilespmem:s20+$0x0];
	v63 =	vmul.f32 v44, v43;
	v5 =	vmul.f32 v61, v43  }
0x29c: {  	s18 =	sor.u32 s2, s4;
	v7 =	vld [tilespmem:s28+$0x0];
	v18 =	vmul.f32 v33, v62;
	[tilespmem:$0x1FC90] =	vst v1;
	v1 =	vmul.f32 v23, v43  }
0x29d: {  	s16 =	sor.u32 s2, s17;
	s17 =	sor.u32 s2, s9;
	v61 =	vld [tilespmem:s18+$0x0];
	v17 =	vmul.f32 v45, v62;
	v32 =	vmul.f32 v32, v8  }
0x29e: {  	v22 =	vmul.f32 v49, v62;
	v49 =	vld [tilespmem:s17+$0x0];
	[tilespmem:$0x1FC60] =	vst v1;
	v1 =	vmul.f32 v24, v43  }
0x29f: {  	s23 =	sor.u32 s2, s23;
	v11 =	vld [tilespmem:s10+$0x0];
	v33 =	vmul.f32 v58, v8;
	v20 =	vmul.f32 v47, v62  }
0x2a0: {  	s10 =	sor.u32 s15, s4;
	v44 =	vld [tilespmem:s23+$0x0];
	v21 =	vmul.f32 v46, v62;
	[tilespmem:$0x1FC70] =	vst v1;
	v1 =	vmul.f32 v25, v43  }
0x2a1: {  	s28 =	sor.u32 s2, s21;
	s18 =	sadd.s32 $0x9500, s0;
	v12 =	vld [tilespmem:s10+$0x0];
	v23 =	vmul.f32 v48, v62;
	v24 =	vmul.f32 v51, v62  }
0x2a2: {  	v59 =	vld [tilespmem:s28+$0x0];
	s23 =	sor.u32 s2, s18;
	v51 =	vmul.f32 v61, v8;
	[tilespmem:$0x1FC40] =	vst v1;
	v1 =	vmul.f32 v26, v43  }
0x2a3: {  	v58 =	vld [tilespmem:s23+$0x0];
	v49 =	vmul.f32 v49, v8;
	v25 =	vmul.f32 v50, v62  }
0x2a4: {  	v47 =	vld [tilespmem:s16+$0x0];
	v26 =	vmul.f32 v2, v62;
	[tilespmem:$0x1FC50] =	vst v1;
	v1 =	vmul.f32 v27, v43  }
0x2a5: {  	v50 =	vld [tilespmem:s26+$0x0];
	v2 =	vmul.f32 v3, v62;
	v3 =	vmul.f32 v10, v62  }
0x2a6: {  	s4 =	sadd.s32 $0x9400, s0;
	v46 =	vld [tilespmem:s26+$0x100];
	v10 =	vmul.f32 v12, v62;
	[tilespmem:$0x1FC20] =	vst v1;
	v1 =	vmul.f32 v28, v43  }
0x2a7: {  	s19 =	sor.u32 s2, s4;
	s17 =	sadd.s32 $0xAC00, s0;
	v48 =	vld [tilespmem:s26+$0x80];
	v12 =	vmul.f32 v53, v8;
	v27 =	vmul.f32 v7, v62  }
0x2a8: {  	s16 =	sadd.s32 $0x9480, s0;
	s20 =	sor.u32 s2, s17;
	v53 =	vld [tilespmem:s19+$0x0];
	v7 =	vmul.f32 v52, v62;
	[tilespmem:$0x1FC30] =	vst v1;
	v1 =	vmul.f32 v0, v62  }
0x2a9: {  	s21 =	sor.u32 s2, s16;
	s19 =	sadd.s32 $0xAC80, s0;
	v0 =	vmul.f32 v19, v8;
	v19 =	vmul.f32 v55, v8;
	v55 =	vld [tilespmem:s20+$0x0]  }
0x2aa: {  	p0 =	por !p0, !p0;
	s23 =	sadd.s32 $0xAE00, s0;
	v15 =	vadd.f32 v51, v15;
	s22 =	sor.u32 s2, s19;
	v52 =	vmul.f32 v56, v8;
	v56 =	vld [tilespmem:s21+$0x0];
	v50 =	vmul.f32 v50, v8  }
0x2ab: {  	s1 =	simm.s32 $0x1;
	s9 =	sor.u32 s2, s23;
	v28 =	vmul.f32 v54, v8;
	v54 =	vmul.f32 v57, v8;
	v57 =	vld [tilespmem:s22+$0x0];
	s20 =	sadd.s32 $0xAD00, s0  }
0x2ac: {  	s1 =	simm.s32 @!p0 $0x0;
	v45 =	vmul.f32 v59, v8;
	v47 =	vmul.f32 v47, v8;
	v15 =	vadd.f32 v49, v15;
	v49 =	vld [tilespmem:s9+$0x0];
	s21 =	sadd.s32 $0x9580, s0;
	s24 =	sor.u32 s2, s20  }
0x2ad: {  	s1 =	sshll.u32 s1, $0x6;
	v48 =	vmul.f32 v48, v8;
	s25 =	sor.u32 s2, s21;
	s22 =	sadd.s32 $0xAD80, s0;
	v53 =	vmul.f32 v53, v8;
	v16 =	vadd.f32 v50, v16;
	v61 =	vld [tilespmem:s24+$0x0]  }
0x2ae: {  	s31 =	sadd.s32 s1, s13;
	v46 =	vmul.f32 v46, v8;
	v59 =	vld [tilespmem:s25+$0x0];
	s26 =	sor.u32 s2, s22;
	v55 =	vmul.f32 v55, v8  }
0x2af: {  	s28 =	sor.u32 $0x200, s31;
	v51 =	vld [tilespmem:s26+$0x0];
	v50 =	vmul.f32 v56, v8;
	v13 =	vadd.f32 v53, v13;
	v16 =	vadd.f32 v48, v16  }
0x2b0: {  	s5 =	sor.u32 s2, s5;
	v15 =	vadd.f32 v47, v15;
	v56 =	vld [tilespmem:s28+$0x6400];
	v53 =	vmul.f32 v57, v8;
	v14 =	vadd.f32 v55, v14  }
0x2b1: {  	s10 =	sor.u32 $0x280, s31;
	s24 =	sadd.s32 $0xAE80, s0;
	v57 =	vmul.f32 v58, v8;
	v13 =	vadd.f32 v50, v13;
	v16 =	vadd.f32 v46, v16;
	v46 =	vld [tilespmem:s5+$0x0]  }
0x2b2: {  	v15 =	vadd.f32 v45, v15;
	s25 =	sor.u32 s2, s24;
	v55 =	vld [tilespmem:s10+$0x6400];
	v58 =	vmul.f32 v61, v8;
	v14 =	vadd.f32 v53, v14  }
0x2b3: {  	v44 =	vmul.f32 v44, v8;
	s26 =	sor.u32 $0x300, s31;
	s28 =	sadd.s32 $0xAF00, s0;
	v47 =	vld [tilespmem:s25+$0x0];
	v13 =	vadd.f32 v57, v13;
	v61 =	vmul.f32 v59, v8  }
0x2b4: {  	v15 =	vadd.f32 v32, v15;
	s9 =	sor.u32 s2, s28;
	v57 =	vmul.f32 v51, v8;
	v53 =	vld [tilespmem:s26+$0x6400];
	v14 =	vadd.f32 v58, v14  }
0x2b5: {  	s30 =	sadd.s32 $0xAF80, s0;
	v16 =	vadd.f32 v33, v16;
	v59 =	vld [tilespmem:s9+$0x0];
	v13 =	vadd.f32 v61, v13;
	v58 =	vmul.f32 v56, v8  }
0x2b6: {  	s0 =	sor.u32 s2, s30;
	v15 =	vadd.f32 v52, v15;
	v61 =	vmul.f32 v49, v8;
	v14 =	vadd.f32 v57, v14  }
0x2b7: {  	v32 =	vld [tilespmem:s0+$0x0];
	s10 =	sor.u32 s15, s4;
	v13 =	vadd.f32 v44, v13;
	v51 =	vmul.f32 v55, v8;
	v16 =	vadd.f32 v58, v16  }
0x2b8: {  	s25 =	sor.u32 s15, s17;
	v15 =	vadd.f32 v28, v15;
	v56 =	vld [tilespmem:s10+$0x0];
	v55 =	vmul.f32 v47, v8;
	v14 =	vadd.f32 v61, v14  }
0x2b9: {  	s1 =	sor.u32 s15, s19;
	v58 =	vld [tilespmem:s25+$0x0];
	v13 =	vadd.f32 v54, v13;
	v57 =	vmul.f32 v53, v8;
	v16 =	vadd.f32 v51, v16  }
0x2ba: {  	v28 =	vmul.f32 v46, v8;
	v46 =	vld [tilespmem:s1+$0x0];
	s26 =	sor.u32 s15, s16;
	v59 =	vmul.f32 v59, v8;
	v14 =	vadd.f32 v55, v14  }
0x2bb: {  	v11 =	vmul.f32 v11, v62;
	s2 =	sor.u32 s15, s18;
	v61 =	vld [tilespmem:s26+$0x0];
	v13 =	vadd.f32 v19, v13;
	v16 =	vadd.f32 v57, v16  }
0x2bc: {  	s5 =	sor.u32 s15, s20;
	v12 =	vadd.f32 v12, v15;
	v8 =	vmul.f32 v32, v8;
	v19 =	vld [tilespmem:s2+$0x0];
	v14 =	vadd.f32 v59, v14  }
0x2bd: {  	s6 =	sor.u32 s15, s21;
	v15 =	vmul.f32 v56, v62;
	v13 =	vadd.f32 v28, v13;
	v0 =	vadd.f32 v0, v16;
	v16 =	vld [tilespmem:s5+$0x0]  }
0x2be: {  	s0 =	sadd.s32 $0x10, s31;
	s9 =	sor.u32 s15, s22;
	v10 =	vadd.f32 v10, v12;
	v47 =	vld [tilespmem:s6+$0x0];
	v28 =	vmul.f32 v58, v62;
	v8 =	vadd.f32 v8, v14  }
0x2bf: {  	v49 =	vld [tilespmem:s9+$0x0];
	s10 =	sor.u32 $0x200, s0;
	v13 =	vadd.f32 v15, v13;
	v0 =	vadd.f32 v11, v0  }
0x2c0: {  	v50 =	vld [tilespmem:s10+$0x6400];
	s25 =	sor.u32 s15, s23;
	v15 =	vmul.f32 v46, v62;
	v11 =	vmul.f32 v61, v62;
	v8 =	vadd.f32 v28, v8  }
0x2c1: {  	v3 =	vadd.f32 v3, v10;
	v10 =	vld [tilespmem:s25+$0x0];
	s26 =	sor.u32 $0x280, s0;
	v0 =	vadd.f32 v7, v0;
	v7 =	vmul.f32 v19, v62  }
0x2c2: {  	s5 =	sor.u32 s15, s24;
	v19 =	vld [tilespmem:s26+$0x6400];
	v11 =	vadd.f32 v11, v13;
	v51 =	vmul.f32 v16, v62;
	v8 =	vadd.f32 v15, v8  }
0x2c3: {  	s6 =	sor.u32 $0x300, s0;
	v52 =	vld [tilespmem:s5+$0x0];
	v0 =	vadd.f32 v2, v0;
	v2 =	vadd.f32 v27, v3;
	v3 =	vmul.f32 v47, v62  }
0x2c4: {  	s9 =	sor.u32 s15, s28;
	v15 =	vld [tilespmem:s6+$0x6400];
	v7 =	vadd.f32 v7, v11;
	v11 =	vmul.f32 v49, v62;
	v8 =	vadd.f32 v51, v8  }
0x2c5: {  	v53 =	vld [tilespmem:s9+$0x0];
	s0 =	sor.u32 $0x380, s0;
	v0 =	vadd.f32 v1, v0;
	v1 =	vmul.f32 v50, v62;
	v2 =	vadd.f32 v26, v2  }
0x2c6: {  	v54 =	vld [tilespmem:s0+$0x6400];
	v3 =	vadd.f32 v3, v7;
	v7 =	vadd.f32 v11, v8;
	v8 =	vmul.f32 v10, v62  }
0x2c7: {  	s10 =	sor.u32 s15, s30;
	v0 =	vadd.f32 v1, v0;
	v1 =	vmul.f32 v19, v62;
	v2 =	vadd.f32 v25, v2  }
0x2c8: {  	s15 =	sor.u32 s3, s4;
	v10 =	vld [tilespmem:s10+$0x0];
	v3 =	vadd.f32 v24, v3;
	v7 =	vadd.f32 v8, v7;
	v8 =	vmul.f32 v52, v62  }
0x2c9: {  	s25 =	sor.u32 s3, s17;
	v11 =	vld [tilespmem:s15+$0x0];
	v0 =	vadd.f32 v1, v0;
	v1 =	vmul.f32 v15, v62;
	v2 =	vadd.f32 v23, v2  }
0x2ca: {  	v55 =	vld [tilespmem:s25+$0x0];
	s26 =	sor.u32 s3, s16;
	v3 =	vadd.f32 v22, v3;
	v7 =	vadd.f32 v8, v7  }
0x2cb: {  	s1 =	sor.u32 s3, s19;
	v56 =	vld [tilespmem:s26+$0x0];
	v8 =	vmul.f32 v53, v62;
	v0 =	vadd.f32 v1, v0;
	v1 =	vmul.f32 v54, v62  }
0x2cc: {  	s2 =	sor.u32 s3, s18;
	v57 =	vld [tilespmem:s1+$0x0];
	v2 =	vadd.f32 v21, v2;
	v3 =	vadd.f32 v20, v3  }
0x2cd: {  	s9 =	sadd.s32 $0x20, s31;
	s5 =	sor.u32 s3, s20;
	v7 =	vadd.f32 v8, v7;
	v8 =	vmul.f32 v10, v62;
	v10 =	vld [tilespmem:s2+$0x0];
	v0 =	vadd.f32 v1, v0  }
0x2ce: {  	s26 =	sor.u32 $0x280, s9;
	v1 =	vadd.f32 v18, v2;
	v2 =	vmul.f32 v11, v43;
	v11 =	vld [tilespmem:s5+$0x0];
	v3 =	vadd.f32 v17, v3  }
0x2cf: {  	v14 =	vmul.f32 v55, v43;
	v59 =	vld [tilespmem:s26+$0x6400];
	s10 =	sor.u32 s3, s22;
	v7 =	vadd.f32 v8, v7;
	v0 =	vadd.f32 v6, v0  }
0x2d0: {  	s15 =	sor.u32 $0x200, s9;
	v1 =	vadd.f32 v5, v1;
	v5 =	vmul.f32 v56, v43;
	v6 =	vld [tilespmem:s10+$0x0];
	v2 =	vadd.f32 v2, v3  }
0x2d1: {  	s6 =	sor.u32 s3, s21;
	v58 =	vld [tilespmem:s15+$0x6400];
	v3 =	vadd.f32 v14, v7;
	v7 =	vmul.f32 v57, v43  }
0x2d2: {  	s25 =	sor.u32 s3, s23;
	v8 =	vld [tilespmem:s6+$0x0];
	v0 =	vadd.f32 v4, v0;
	v2 =	vadd.f32 v5, v2  }
0x2d3: {  	v4 =	vmul.f32 v10, v43;
	v10 =	vld [tilespmem:s25+$0x0];
	v5 =	vmul.f32 v11, v43;
	v3 =	vadd.f32 v7, v3  }
0x2d4: {  	s5 =	sor.u32 $0x300, s9;
	v0 =	vadd.f32 v31, v0  }
0x2d5: {  	v11 =	vld [tilespmem:s5+$0x6400];
	v2 =	vadd.f32 v4, v2;
	v4 =	vmul.f32 v6, v43;
	v3 =	vadd.f32 v5, v3  }
0x2d6: {  	s2 =	sor.u32 s3, s24;
	v0 =	vadd.f32 v9, v0;
	v5 =	vmul.f32 v58, v43  }
0x2d7: {  	v7 =	vmul.f32 v8, v43;
	v8 =	vld [tilespmem:s2+$0x0];
	v3 =	vadd.f32 v4, v3  }
0x2d8: {  	s0 =	sor.u32 $0x380, s9;
	v4 =	vmul.f32 v10, v43;
	v0 =	vadd.f32 v5, v0;
	v5 =	vmul.f32 v59, v43;
	v10 =	vld [tilespmem:$0x1FC30]  }
0x2d9: {  	v9 =	vld [tilespmem:s0+$0x6400]  }
0x2da: {  	v1 =	vadd.f32 v63, v1;
	v0 =	vadd.f32 v5, v0;
	v5 =	vmul.f32 v11, v43;
	v11 =	vld [tilespmem:$0x1FC50]  }
0x2db: {  	s6 =	sor.u32 s3, s28;
	v2 =	vadd.f32 v7, v2;
	v7 =	vld [tilespmem:$0x1FC20]  }
0x2dc: {  	s10 =	sor.u32 s11, s4;
	v1 =	vadd.f32 v60, v1;
	v6 =	vld [tilespmem:s6+$0x0]  }
0x2dd: {  	v3 =	vadd.f32 v4, v3;
	v4 =	vmul.f32 v8, v43;
	v8 =	vld [tilespmem:s10+$0x0];
	v2 =	vadd.f32 v10, v2  }
0x2de: {  	v1 =	vadd.f32 v30, v1;
	v10 =	vld [tilespmem:$0x1FC40]  }
0x2df: {  	s9 =	sor.u32 s3, s30;
	v2 =	vadd.f32 v11, v2;
	v11 =	vld [tilespmem:$0x1FC70]  }
0x2e0: {  	v1 =	vadd.f32 v7, v1;
	v7 =	vld [tilespmem:s9+$0x0];
	v0 =	vadd.f32 v5, v0;
	v5 =	vmul.f32 v9, v43  }
0x2e1: {  	v9 =	vld [tilespmem:$0x1FC60]  }
0x2e2: {  	s15 =	sor.u32 s11, s17;
	v0 =	vadd.f32 v5, v0;
	v5 =	vld [tilespmem:$0x1FC80]  }
0x2e3: {  	v1 =	vadd.f32 v10, v1;
	v10 =	vld [tilespmem:s15+$0x0]  }
0x2e4: {  	v3 =	vadd.f32 v4, v3;
	v4 =	vmul.f32 v6, v43;
	v2 =	vadd.f32 v11, v2;
	v11 =	vld [tilespmem:$0x1FC90]  }
0x2e5: {  	s16 =	sor.u32 s11, s16  }
0x2e6: {  	s17 =	sor.u32 s11, s19;
	v6 =	vld [tilespmem:s16+$0x0];
	v3 =	vadd.f32 v4, v3;
	v4 =	vmul.f32 v7, v43;
	v1 =	vadd.f32 v9, v1  }
0x2e7: {  	s19 =	sor.u32 s11, s20;
	s20 =	sor.u32 s11, s21;
	s21 =	sor.u32 s11, s22  }
0x2e8: {  	v61 =	vld [tilespmem:s21+$0x0];
	v4 =	vadd.f32 v4, v3;
	v1 =	vadd.f32 v5, v1  }
0x2e9: {  	v3 =	vld [tilespmem:$0x1FCA0];
	v5 =	vmul.f32 v8, v29;
	v10 =	vmul.f32 v10, v29;
	v2 =	vadd.f32 v11, v2  }
0x2ea: {  	v9 =	vld [tilespmem:s17+$0x0]  }
0x2eb: {  	s18 =	sor.u32 s11, s18;
	v6 =	vmul.f32 v6, v29;
	v2 =	vadd.f32 v5, v2;
	v5 =	vadd.f32 v10, v4;
	v4 =	vld [tilespmem:$0x1FCC0]  }
0x2ec: {  	v7 =	vld [tilespmem:s18+$0x0]  }
0x2ed: {  	v63 =	vadd.f32 v6, v2;
	v2 =	vld [tilespmem:$0x1FCE0]  }
0x2ee: {  	v0 =	vadd.f32 v3, v0;
	v3 =	vld [tilespmem:$0x1FCB0]  }
0x2ef: {  	v8 =	vld [tilespmem:s19+$0x0]  }
0x2f0: {  	v9 =	vmul.f32 v9, v29;
	v10 =	vadd.f32 v4, v0;
	v0 =	vld [tilespmem:$0x1FCD0]  }
0x2f1: {  	v11 =	vld [tilespmem:s20+$0x0]  }
0x2f2: {  	s12 =	sadd.s32 $0x4, s12;
	s0 =	sadd.s32 $0x30, s31;
	v9 =	vadd.f32 v9, v5;
	v5 =	vadd.f32 v2, v10;
	v2 =	vld [tilespmem:$0x1FCF0]  }
0x2f3: {  	p1 =	slt.u32 s12, $0x2C;
	v17 =	vld [tilespmem:$0x1FC10];
	s22 =	sor.u32 $0x200, s0;
	v1 =	vadd.f32 v3, v1  }
.Ltmp2:
0x2f4: {  	s23 =	sor.u32 s11, s23;
	v3 =	vld [tilespmem:s22+$0x6400];
	(pc) =	sbr.rel @p1 .LBB2_7-.Ltmp2, $4  }
0x2f5: {  	s25 =	sor.u32 $0x280, s0;
	v4 =	vld [tilespmem:s23+$0x0];
	v1 =	vadd.f32 v0, v1  }
0x2f6: {  	s26 =	sor.u32 s11, s24;
	v62 =	vmul.f32 v7, v29;
	v15 =	vmul.f32 v8, v29;
	v0 =	vld [tilespmem:s25+$0x6400]  }
0x2f7: {  	s31 =	sor.u32 $0x300, s0;
	v7 =	vmul.f32 v11, v29;
	v6 =	vadd.f32 v2, v1;
	v2 =	vld [tilespmem:s26+$0x0]  }
0x2f8: {  	s14 =	sadd.s32 $0x40, s14;
	s13 =	sadd.s32 $0x200, s13;
	s1 =	sor.u32 s11, s28;
	v11 =	vmul.f32 v61, v29;
	v8 =	vadd.f32 v62, v63;
	v10 =	vadd.f32 v15, v9;
	v1 =	vld [tilespmem:s31+$0x6400]  }
0x2f9: {  	v27 =	vld [tilespmem:$0x1FFF0]  }
0x2fa: {  	v13 =	vld [tilespmem:$0x1FD10];
	_ =	sdelay $0x2  }
0x2fb: {  	v14 =	vld [tilespmem:$0x1FD00];
	_ =	sdelay $0x1  }
0x2fc: {  	v5 =	vadd.f32 v42, v5;
	v12 =	vperm.xlane v13, v27  }
0x2fd: {  	v6 =	vadd.f32 v41, v6;
	v3 =	vmul.f32 v3, v29;
	v7 =	vadd.f32 v7, v8  }
0x2fe: {  	v10 =	vadd.f32 v11, v10;
	v53 =	vadd.f32 v12, v13;
	v13 =	vld [tilespmem:$0x1FE90]  }
0x2ff: {  	v57 =	vld [tilespmem:s1+$0x0];
	v4 =	vmul.f32 v4, v29;
	v3 =	vadd.f32 v3, v5;
	v9 =	vperm.xlane v14, v27  }
0x300: {  	s0 =	sor.u32 $0x380, s0;
	v22 =	vld [tilespmem:$0x1FD30];
	v55 =	vadd.f32 v40, v6;
	v0 =	vmul.f32 v0, v29;
	v7 =	vadd.f32 v39, v7  }
0x301: {  	v58 =	vld [tilespmem:s0+$0x6400];
	v4 =	vadd.f32 v4, v10;
	v9 =	vadd.f32 v9, v14  }
0x302: {  	v2 =	vmul.f32 v2, v29;
	v0 =	vadd.f32 v0, v3;
	v1 =	vmul.f32 v1, v29;
	v14 =	vld [tilespmem:$0x1FEA0]  }
0x303: {  	s26 =	sor.u32 s11, s30;
	v5 =	vadd.f32 v37, v55;
	v7 =	vadd.f32 v38, v7;
	v54 =	vperm.xlane v9, v13  }
0x304: {  	v60 =	vld [tilespmem:s26+$0x0];
	v2 =	vadd.f32 v2, v4;
	v61 =	vmul.f32 v57, v29;
	v56 =	vperm.xlane v53, v13  }
0x305: {  	v20 =	vld [tilespmem:$0x1FD20];
	v23 =	vperm.xlane v22, v27;
	v0 =	vadd.f32 v1, v0;
	v9 =	vadd.f32 v54, v9  }
0x306: {  	v63 =	vmul.f32 v58, v29;
	v5 =	vadd.f32 v35, v5;
	v12 =	vld [tilespmem:$0x1FEB0];
	v6 =	vadd.f32 v56, v53  }
0x307: {  	v7 =	vadd.f32 v36, v7;
	v2 =	vadd.f32 v61, v2;
	v59 =	vperm.xlane v9, v14  }
0x308: {  	v31 =	vadd.f32 v23, v22;
	v0 =	vadd.f32 v63, v0;
	v8 =	vperm.xlane v6, v14  }
0x309: {  	v18 =	vmul.f32 v60, v29;
	v5 =	vadd.f32 v34, v5;
	v3 =	vadd.f32 v59, v9  }
0x30a: {  	v21 =	vperm.xlane v20, v27;
	v19 =	vadd.f32 v17, v7;
	v62 =	vadd.f32 v8, v6  }
0x30b: {  	v2 =	vadd.f32 v18, v2;
	v30 =	vperm.xlane v0, v27;
	v15 =	vperm.xlane v3, v12  }
0x30c: {  	v7 =	vadd.f32 v21, v20;
	v32 =	vperm.xlane v5, v27;
	v16 =	vperm.xlane v62, v12  }
0x30d: {  	v34 =	vperm.xlane v19, v27;
	v36 =	vperm.xlane v2, v27;
	v3 =	vadd.f32 v15, v3  }
0x30e: {  	v33 =	vperm.xlane v7, v13;
	v0 =	vadd.f32 v30, v0;
	v1 =	vadd.f32 v16, v62  }
0x30f: {  	v35 =	vperm.xlane v31, v13;
	v5 =	vadd.f32 v32, v5;
	v3 =	vmul.f32 $1.250000000e-01, v3  }
0x310: {  	v4 =	vadd.f32 v34, v19;
	v2 =	vadd.f32 v36, v2;
	v1 =	vmul.f32 $1.250000000e-01, v1  }
0x311: {  	v7 =	vadd.f32 v33, v7;
	v37 =	vperm.xlane v0, v13;
	v3 =	vnsel vm10, $0xF149F2CA, v3  }
0x312: {  	v38 =	vperm.xlane v5, v13;
	v1 =	vsel vm3, v3, v1;
	v3 =	vadd.f32 v35, v31  }
0x313: {  	v40 =	vperm.xlane v4, v13;
	v39 =	vperm.xlane v7, v14;
	v0 =	vadd.f32 v37, v0  }
0x314: {  	v41 =	vperm.xlane v2, v13;
	v5 =	vadd.f32 v38, v5;
	v10 =	vperm.xlane v3, v14  }
0x315: {  	v4 =	vadd.f32 v40, v4;
	v6 =	vadd.f32 v39, v7;
	v42 =	vperm.xlane v0, v14  }
0x316: {  	v2 =	vadd.f32 v41, v2;
	v43 =	vperm.xlane v5, v14;
	v3 =	vadd.f32 v10, v3  }
0x317: {  	v45 =	vperm.xlane v4, v14;
	v44 =	vperm.xlane v6, v12;
	v0 =	vadd.f32 v42, v0  }
0x318: {  	v46 =	vperm.xlane v2, v14;
	v5 =	vadd.f32 v43, v5;
	v10 =	vperm.xlane v3, v12  }
0x319: {  	v4 =	vadd.f32 v45, v4;
	v6 =	vadd.f32 v44, v6;
	v47 =	vperm.xlane v0, v12  }
0x31a: {  	v2 =	vadd.f32 v46, v2;
	v48 =	vperm.xlane v5, v12;
	v3 =	vadd.f32 v10, v3  }
0x31b: {  	v49 =	vperm.xlane v4, v12;
	v6 =	vmul.f32 $1.250000000e-01, v6;
	v0 =	vadd.f32 v47, v0  }
0x31c: {  	v50 =	vperm.xlane v2, v12;
	v5 =	vadd.f32 v48, v5;
	v3 =	vmul.f32 $1.250000000e-01, v3  }
0x31d: {  	v4 =	vadd.f32 v49, v4;
	v0 =	vmul.f32 $1.250000000e-01, v0;
	v1 =	vsel vm4, v1, v6  }
0x31e: {  	v2 =	vadd.f32 v50, v2;
	v51 =	vmul.f32 $1.250000000e-01, v5;
	v1 =	vsel vm5, v1, v3  }
0x31f: {  	v52 =	vmul.f32 $1.250000000e-01, v4;
	v0 =	vsel vm6, v1, v0  }
0x320: {  	v2 =	vmul.f32 $1.250000000e-01, v2;
	v0 =	vsel vm7, v0, v51  }
0x321: {  	v0 =	vsel vm8, v0, v52  }
0x322: {  	v0 =	vsel vm9, v0, v2  }
0x323: {  	v53 =	vperm.xlane v0, v27;
	_ =	sdelay $0x1  }
0x324: {  	v1 =	vmax.f32 v0, v53  }
0x325: {  	v54 =	vperm.xlane v1, v13;
	_ =	sdelay $0x1  }
0x326: {  	v1 =	vmax.f32 v1, v54  }
0x327: {  	v2 =	vperm.xlane v1, v14;
	_ =	sdelay $0x1  }
0x328: {  	v1 =	vmax.f32 v1, v2  }
0x329: {  	v2 =	vperm.xlane v1, v12;
	_ =	sdelay $0x1  }
0x32a: {  	v1 =	vmax.f32 v1, v2  }
0x32b: {  	v0 =	vsub.f32 v0, v1;
	_ =	sdelay $0x1  }
0x32c: {  	v0 =	vmul.f32 $1.442695020e+00, v0;
	_ =	sdelay $0x1  }
0x32d: {  	(erf) = vpow2.f32 v0;
	_ =	sdelay $0x8  }
0x32e: {  	v0 =	vpop (erf)  }
0x32f: {  	v0 =	vnsel vm13, $0x0, v0  }
0x330: {  	v55 =	vperm.xlane v0, v27;
	_ =	sdelay $0x1  }
0x331: {  	v59 =	vld [tilespmem:$0x1FE50];
	v1 =	vadd.f32 v0, v55;
	_ =	sdelay $0x1  }
0x332: {  	v56 =	vperm.xlane v1, v13  }
0x333: {  	v57 =	vmov s7;
	v58 =	vlaneseq.u32  }
0x334: {  	vm0 =	veq.s32 v57, v58;
	v1 =	vadd.f32 v1, v56  }
0x335: {  	v2 =	vnsel vm0, $0x0, v59  }
0x336: {  	v60 =	vperm.xlane v2, v27;
	v61 =	vperm.xlane v1, v14;
	_ =	sdelay $0x1  }
0x337: {  	v2 =	vadd.f32 v60, v2;
	v1 =	vadd.f32 v1, v61;
	_ =	sdelay $0x1  }
0x338: {  	v3 =	vperm.xlane v2, v13;
	v4 =	vperm.xlane v1, v12;
	_ =	sdelay $0x1  }
0x339: {  	v2 =	vadd.f32 v3, v2;
	v1 =	vadd.f32 v1, v4;
	_ =	sdelay $0x1  }
0x33a: {  	v3 =	vperm.xlane v2, v14;
	(erf) = vrcp.f32 v1;
	_ =	sdelay $0x1  }
0x33b: {  	v62 =	vadd.f32 v3, v2;
	_ =	sdelay $0x1  }
0x33c: {  	v2 =	vperm.xlane v62, v12;
	_ =	sdelay $0x1  }
0x33d: {  	v1 =	vadd.f32 v2, v62;
	_ =	sdelay $0x1  }
0x33e: {  	s28 =	rddreg [dreg:$0x5];
	v0 =	vmul.f32 v0, v1  }
0x33f: {  	s0 =	sadd.s32 s28, s7;
	v63 =	vpop (erf)  }
0x340: {  	s30 =	rddreg [dreg:$0x3];
	s0 =	sshll.u32 s0, $0x3;
	s7 =	sadd.s32 $0x1, s7;
	v0 =	vmul.f32 v63, v0  }
0x341: {  	s31 =	simm.s32 $0xDC80;
	s0 =	sand.u32 $0x3FFFFFF8, s0;
	p0 =	sne.s32 s7, $0x8  }
.Ltmp3:
0x342: {  	s5 =	simm.s32 $0x3;
	s0 =	sadd.s32 s0, s30;
	[tilespmem:$0xDC80] =	vst v0;
	(pc) =	sbr.rel @p0 .LBB2_4-.Ltmp3, $4  }
0x343: {  	[spmem:s0] =	stream.linear.scatter [tilespmem:s31], [sflag:$0x3], $0x8, $0x38;
	[tilespmem:$0x14240] =	vst v63  }
0x344: {  	_ =	swait.ge [sflag:s5], $0x8  }
0x345: {  	[sflag:s5] =	ssyncset.done $0x0  }
0x346: {  	[sflag:s5] =	ssyncadd.s32 $0xFFFFFFF8  }
0x347: {  	[bflag:$0x0] =	sbarrier.arrive $0xFFFF  }
0x348: {  	s1 =	simm.s32 $0xDD00;
	s0 =	rddreg [dreg:$0xb]  }
0x349: {  	[tilespmem:s1], [sflag:$0x3] =	stream.linear.gather [spmem:s0], $0x100, $0x38;
	[tilespmem:$0x14240] =	vst v63  }
0x34a: {  	_ =	swait.ge [sflag:s5], $0x100  }
0x34b: {  	s30 =	simm.s32 $0x0;
	[sflag:s5] =	ssyncset.done $0x0  }
0x34c: {  	s2 =	simm.s32 $0xDF00;
	s31 =	rddreg [dreg:$0xc];
	[sflag:s5] =	ssyncadd.s32 $0xFFFFFF00  }
0x34d: {  	[tilespmem:s2], [sflag:$0x3] =	stream.linear.gather [hbm4b:s31+s30], $0x100, $0x38;
	[tilespmem:$0x14240] =	vst v63  }
0x34e: {  	_ =	swait.ge [sflag:s5], $0x100  }
0x34f: {  	[sflag:s5] =	ssyncset.done $0x0  }
0x350: {  	[sflag:s5] =	ssyncadd.s32 $0xFFFFFF00  }
0x351: {  	v0 =	vld [tilespmem:$0xDD00]  }
0x352: {  	v1 =	vld [tilespmem:$0xDD10]  }
0x353: {  	v2 =	vld [tilespmem:$0xDD20]  }
0x354: {  	v3 =	vld [tilespmem:$0xDD30]  }
0x355: {  	v4 =	vld [tilespmem:$0xDD40]  }
0x356: {  	v5 =	vld [tilespmem:$0xDD50];
	v0 =	vmax.f32 v0, $-1.000000020e+30  }
0x357: {  	v0 =	vmax.f32 v0, v1;
	v1 =	vld [tilespmem:$0xDD60]  }
0x358: {  	v0 =	vmax.f32 v0, v2;
	v2 =	vld [tilespmem:$0xDD70]  }
0x359: {  	v0 =	vmax.f32 v0, v3;
	v3 =	vld [tilespmem:$0xDD80]  }
0x35a: {  	v60 =	vld [tilespmem:$0xDD90];
	v0 =	vmax.f32 v0, v4  }
0x35b: {  	v61 =	vld [tilespmem:$0xDDA0];
	v0 =	vmax.f32 v0, v5  }
0x35c: {  	v0 =	vmax.f32 v0, v1;
	v1 =	vld [tilespmem:$0xDDB0]  }
0x35d: {  	v0 =	vmax.f32 v0, v2;
	v2 =	vld [tilespmem:$0xDDC0]  }
0x35e: {  	v0 =	vmax.f32 v0, v3;
	v3 =	vld [tilespmem:$0xDDD0]  }
0x35f: {  	v62 =	vld [tilespmem:$0xDDE0];
	v0 =	vmax.f32 v0, v60  }
0x360: {  	v63 =	vld [tilespmem:$0xDDF0];
	v0 =	vmax.f32 v0, v61  }
0x361: {  	v0 =	vmax.f32 v0, v1  }
0x362: {  	v0 =	vmax.f32 v0, v2  }
0x363: {  	v0 =	vmax.f32 v0, v3  }
0x364: {  	v24 =	vld [tilespmem:$0x1FFC0];
	v0 =	vmax.f32 v0, v62  }
0x365: {  	v0 =	vmax.f32 v0, v63  }
0x366: {  	v1 =	vperm.xlane v0, v27  }
0x367: {  	v25 =	vld [tilespmem:$0x1FFD0]  }
0x368: {  	v0 =	vmax.f32 v0, v1  }
0x369: {  	v1 =	vperm.xlane v0, v24  }
0x36a: {  	v26 =	vld [tilespmem:$0x1FFE0]  }
0x36b: {  	v0 =	vmax.f32 v0, v1  }
0x36c: {  	s1 =	simm.s32 $0x0;
	v1 =	vperm.xlane v0, v25  }
0x36d: {  	v2 =	vld [tilespmem:s1+$0xDD00]  }
0x36e: {  	v0 =	vmax.f32 v0, v1  }
0x36f: {  	s0 =	simm.s32 $0x10;
	v3 =	vperm.xlane v0, v26  }
0x370: {  	v1 =	vld [tilespmem:s0+$0xDD00]  }
0x371: {  	v0 =	vmax.f32 v0, v3  }
0x372: {  	v2 =	vsub.f32 v2, v0;
	_ =	sdelay $0x1  }
0x373: {  	v2 =	vmul.f32 $1.442695020e+00, v2  }
0x374: {  	v1 =	vsub.f32 v1, v0  }
0x375: {  	(erf) = vpow2.f32 v2  }
0x376: {  	v3 =	vmul.f32 $1.442695020e+00, v1  }
0x377: {  	s2 =	simm.s32 $0x20  }
0x378: {  	v2 =	vld [tilespmem:s2+$0xDD00];
	(erf) = vpow2.f32 v3;
	_ =	sdelay $0x2  }
0x379: {  	s3 =	simm.s32 $0xC0;
	v1 =	vimm.f32 $0.0e+00  }
.LBB2_10:
0x37a: {  	p0 =	sne.s32 s3, $0x3C0  }
.Ltmp4:
0x37b: {  	s4 =	sshra.s32 s3, $0x2;
	s3 =	sadd.s32 $0x40, s3;
	v3 =	vsub.f32 v2, v0;
	(pc) =	sbr.rel @p0 .LBB2_10-.Ltmp4, $4  }
0x37c: {  	v2 =	vld [tilespmem:s4+$0xDD00];
	v4 =	vpop (erf)  }
0x37d: {  	v3 =	vmul.f32 $1.442695020e+00, v3;
	[tilespmem:s1+$0xDE00] =	vst v4;
	v1 =	vadd.f32 v4, v1;
	s1 =	smov.u32 s0;
	s0 =	smov.u32 s2;
	s2 =	smov.u32 s4  }
0x37e: {  	_ = 	snop  }
0x37f: {  	(erf) = vpow2.f32 v3  }
0x380: {  	_ = 	snop  }
0x381: {  	v0 =	vsub.f32 v2, v0;
	_ =	sdelay $0x1  }
0x382: {  	v0 =	vmul.f32 $1.442695020e+00, v0;
	_ =	sdelay $0x1  }
0x383: {  	(erf) = vpow2.f32 v0;
	_ =	sdelay $0x4  }
0x384: {  	v0 =	vpop (erf)  }
0x385: {  	v1 =	vadd.f32 v0, v1  }
0x386: {  	v2 =	vpop (erf)  }
0x387: {  	v1 =	vadd.f32 v2, v1  }
0x388: {  	v19 =	vld [tilespmem:$0x1FF80];
	v3 =	vpop (erf)  }
0x389: {  	v14 =	vld [tilespmem:$0x1FF40];
	v1 =	vadd.f32 v3, v1  }
0x38a: {  	v18 =	vld [tilespmem:$0x1FF50]  }
0x38b: {  	v7 =	vld [tilespmem:$0x1FF60];
	v4 =	vperm.xlane v1, v27  }
0x38c: {  	v10 =	vld [tilespmem:$0x1FF70]  }
0x38d: {  	v16 =	vld [tilespmem:$0x1FF00];
	v1 =	vadd.f32 v4, v1  }
0x38e: {  	v17 =	vld [tilespmem:$0x1FF10]  }
0x38f: {  	v11 =	vld [tilespmem:$0x1FF20];
	v4 =	vperm.xlane v1, v24  }
0x390: {  	v13 =	vld [tilespmem:$0x1FF30]  }
0x391: {  	v12 =	vld [tilespmem:$0x1FEE0];
	v1 =	vadd.f32 v4, v1  }
0x392: {  	v15 =	vld [tilespmem:$0x1FEF0]  }
0x393: {  	vm0 =	vmmov $0x3;
	v8 =	vld [tilespmem:$0x1FEC0];
	[tilespmem:s1+$0xDE00] =	vst v0;
	v0 =	vimm.s32 $0x0;
	v4 =	vperm.xlane v1, v25  }
0x394: {  	v9 =	vld [tilespmem:$0x1FED0];
	v5 =	vcombine.low v16, v17;
	v0 =	vsel vm0, $0xFFFFFFFF, v0;
	[tilespmem:s0+$0xDE00] =	vst v2;
	v2 =	vcombine.low v7, v10  }
0x395: {  	v20 =	vld [tilespmem:$0x1FF90];
	s31 =	simm.s32 $0x0;
	v7 =	vcombine.low v10, v7;
	v10 =	vcombine.low v11, v13;
	[tilespmem:s2+$0xDE00] =	vst v3;
	v1 =	vadd.f32 v4, v1  }
0x396: {  	[tilespmem:$0x1FC00] =	vst v0;
	v11 =	vcombine.low v13, v11;
	v13 =	vcombine.low v18, v14;
	v0 =	vld [tilespmem:s31+$0xDF00]  }
0x397: {  	v3 =	vcombine.low v12, v15;
	v4 =	vperm.xlane v1, v26  }
0x398: {  	v15 =	vcombine.low v15, v12;
	v12 =	vcombine.low v17, v16  }
0x399: {  	v1 =	vadd.f32 v4, v1;
	v4 =	vcombine.low v14, v18;
	v14 =	vcombine.low v9, v8  }
0x39a: {  	v6 =	vcombine.low v8, v9;
	v16 =	vcombine.low v20, v19  }
0x39b: {  	v17 =	vperm.xlane v0, v12;
	v8 =	vperm.xlane v0, v14  }
0x39c: {  	vm15 =	vmmov $0x7fff;
	(erf) = vrcp.f32 v1;
	v1 =	vcombine.low v19, v20  }
0x39d: {  	v19 =	vperm.xlane v0, v15;
	vm0 =	veq.s32 v0, v8;
	v8 =	vimm.s32 $0x0  }
0x39e: {  	v8 =	vsel vm0, $0xFFFFFFFF, v8;
	vm0 =	veq.s32 v0, v17;
	v17 =	vimm.s32 $0x0  }
0x39f: {  	v17 =	vsel vm0, $0xFFFFFFFF, v17;
	vm0 =	veq.s32 v0, v19;
	v19 =	vimm.s32 $0x0  }
0x3a0: {  	[tilespmem:$0x1FB90] =	vst v8;
	v19 =	vsel vm15, $0xFFFFFFFF, v19  }
0x3a1: {  	[tilespmem:$0x1FB80] =	vst v19;
	v19 =	vld [tilespmem:$0x1FB90];
	_ =	sdelay $0x4  }
0x3a2: {  	vm14 =	vmmov $0x1fff;
	vm1 =	vnez.u8 v19;
	v19 =	vimm.s32 $0x0  }
0x3a3: {  	[tilespmem:$0x1FBB0] =	vst v17;
	v19 =	vsel vm14, $0xFFFFFFFF, v19  }
0x3a4: {  	vm2 =	vmmov $0xf;
	vm3 =	vmmov $0x1f;
	[tilespmem:$0x1FBA0] =	vst v19;
	v19 =	vld [tilespmem:$0x1FBB0]  }
0x3a5: {  	vm4 =	vmmov $0x7f;
	vm5 =	vmmov $0x3f;
	vm6 =	vmmov $0x1ff  }
0x3a6: {  	vm7 =	vmmov $0xfff;
	vm8 =	vmmov $0x3ff;
	vm11 =	vmmov $0x7ff  }
0x3a7: {  	vm12 =	vmmov $0x3fff;
	v9 =	vperm.xlane v0, v10;
	v18 =	vperm.xlane v0, v27  }
0x3a8: {  	v20 =	vperm.xlane v0, v16;
	v17 =	vperm.xlane v0, v11;
	vm0 =	vmand vm0, vm12  }
0x3a9: {  	vm15 =	vmand vm1, vm15;
	vm1 =	vnez.u8 v19;
	v19 =	vimm.s32 $0x0  }
0x3aa: {  	v8 =	vperm.xlane v0, v13;
	vm0 =	vmor vm15, vm0;
	v19 =	vsel vm12, $0xFFFFFFFF, v19  }
0x3ab: {  	vm1 =	vmand vm1, vm14;
	vm12 =	veq.s32 v0, v17;
	[tilespmem:$0x1FBC0] =	vst v19;
	v19 =	vperm.xlane v0, v7  }
0x3ac: {  	vm1 =	vmor vm0, vm1;
	vm0 =	veq.s32 v0, v8;
	v8 =	vimm.s32 $0x0  }
0x3ad: {  	v17 =	vperm.xlane v0, v3;
	vm12 =	vmand vm12, vm7;
	v8 =	vsel vm7, $0xFFFFFFFF, v8  }
0x3ae: {  	vm7 =	vmand vm0, vm11;
	[tilespmem:$0x1FBD0] =	vst v8;
	v8 =	vimm.s32 $0x0;
	vm0 =	veq.s32 v0, v19  }
0x3af: {  	v8 =	vsel vm11, $0xFFFFFFFF, v8;
	vm11 =	vmor vm1, vm12;
	vm1 =	vmand vm0, vm8  }
0x3b0: {  	vm0 =	veq.s32 v0, v20;
	[tilespmem:$0x1FBE0] =	vst v8;
	v8 =	vimm.s32 $0x0;
	vm7 =	vmor vm11, vm7  }
0x3b1: {  	v8 =	vsel vm8, $0xFFFFFFFF, v8;
	vm8 =	vmmov vm6;
	vm6 =	vmand vm0, vm6  }
0x3b2: {  	vm0 =	vmor vm7, vm1;
	vm1 =	veq.s32 v0, v18;
	[tilespmem:$0x1FBF0] =	vst v8;
	v8 =	vperm.xlane v0, v6  }
0x3b3: {  	vm11 =	veq.s32 v0, v17;
	vm6 =	vmor vm0, vm6;
	vm0 =	vmand vm1, vm13  }
0x3b4: {  	vm1 =	vmor vm6, vm0;
	vm7 =	veq.s32 v0, v8;
	v8 =	vperm.xlane v0, v5  }
0x3b5: {  	vm6 =	vmmov vm4;
	vm0 =	vmand vm7, vm4;
	vm7 =	vmmov vm5  }
0x3b6: {  	vm4 =	vmor vm1, vm0;
	vm1 =	veq.s32 v0, v8;
	vm0 =	vmand vm11, vm5  }
0x3b7: {  	vm11 =	veq.s32 v0, v9;
	v8 =	vperm.xlane v0, v4;
	vm5 =	vmmov vm3  }
0x3b8: {  	vm4 =	vmor vm4, vm0;
	vm0 =	vmand vm1, vm3;
	vm3 =	vmmov vm2  }
0x3b9: {  	vm1 =	vmand vm11, vm2;
	vm2 =	vmor vm4, vm0;
	vm0 =	veq.s32 v0, v8;
	v8 =	vld [tilespmem:$0x1FC00];
	_ =	sdelay $0x3  }
0x3ba: {  	vm9 =	vmmov $0x7;
	v23 =	vld [tilespmem:$0x1FFA0];
	v17 =	vperm.xlane v0, v1;
	v9 =	vperm.xlane v0, v2  }
0x3bb: {  	vm4 =	vmmov vm9;
	vm11 =	vmor vm2, vm1;
	vm1 =	vnez.u8 v8  }
0x3bc: {  	vm9 =	vmand vm0, vm9;
	vm0 =	veq.s32 v0, v9;
	vm2 =	vmmov vm1  }
0x3bd: {  	vm1 =	vmand vm0, vm1;
	vm0 =	vmor vm11, vm9;
	vm9 =	veq.s32 v0, v17  }
0x3be: {  	vm1 =	vmor vm0, vm1;
	vm0 =	vmand vm9, vm10  }
0x3bf: {  	v8 =	vsub.s32 v0, v23;
	vm0 =	vmor vm1, vm0  }
0x3c0: {  	vm1 =	vlt.u32 v8, $0x6200;
	vm0 =	vmneg vm0  }
0x3c1: {  	s12 =	simm.s32 $0x0;
	s0 =	simm.s32 $0x40;
	v0 =	vpop (erf);
	v17 =	vld [tilespmem:s31+$0xDE00];
	vm0 =	vmand vm1, vm0  }
.LBB2_12:
0x3c2: {  	_ =	sdelay $0x3  }
0x3c3: {  	v9 =	vmul.f32 v17, v0  }
0x3c4: {  	s1 =	smov.u32 s0  }
0x3c5: {  	s1 =	sshra.s32 s1, $0x2;
	[tilespmem:v8+s29+$0x0] =	vst.idx.msk vm0, v9  }
0x3c6: {  	v8 =	vld [tilespmem:s1+$0xDF00];
	_ =	sdelay $0x1  }
0x3c7: {  	v21 =	vld [tilespmem:$0x1FB80];
	_ =	sdelay $0x1  }
0x3c8: {  	v22 =	vld [tilespmem:$0x1FBA0]  }
0x3c9: {  	v9 =	vperm.xlane v8, v14  }
0x3ca: {  	v18 =	vperm.xlane v8, v12  }
0x3cb: {  	vm1 =	vnez.u8 v21;
	vm0 =	veq.s32 v8, v9  }
0x3cc: {  	vm0 =	vmand vm0, vm1;
	vm1 =	veq.s32 v8, v18;
	v18 =	vperm.xlane v8, v11  }
0x3cd: {  	vm9 =	vnez.u8 v22  }
0x3ce: {  	vm1 =	vmand vm1, vm9;
	vm9 =	veq.s32 v8, v18;
	v18 =	vld [tilespmem:$0x1FBE0];
	_ =	sdelay $0x4  }
0x3cf: {  	vm12 =	vnez.u8 v18;
	v18 =	vld [tilespmem:$0x1FBC0];
	_ =	sdelay $0x4  }
0x3d0: {  	vm15 =	vnez.u8 v18;
	v18 =	vld [tilespmem:$0x1FBF0];
	_ =	sdelay $0x1  }
0x3d1: {  	v21 =	vperm.xlane v8, v15;
	_ =	sdelay $0x1  }
0x3d2: {  	vm11 =	veq.s32 v8, v21  }
0x3d3: {  	v9 =	vperm.xlane v8, v13;
	vm11 =	vmand vm11, vm15;
	vm15 =	vnez.u8 v18;
	v18 =	vld [tilespmem:$0x1FBD0]  }
0x3d4: {  	vm14 =	vmmov vm10;
	v22 =	vperm.xlane v8, v7  }
0x3d5: {  	v17 =	vperm.xlane v8, v10;
	v19 =	vperm.xlane v8, v27;
	vm10 =	veq.s32 v8, v9  }
0x3d6: {  	v20 =	vperm.xlane v8, v16;
	vm10 =	vmand vm10, vm12;
	vm12 =	veq.s32 v8, v22  }
0x3d7: {  	v9 =	vperm.xlane v8, v6;
	vm0 =	vmor vm0, vm11;
	vm12 =	vmand vm12, vm15  }
0x3d8: {  	vm15 =	vmmov vm13;
	vm13 =	veq.s32 v8, v20;
	vm11 =	vnez.u8 v18  }
0x3d9: {  	vm0 =	vmor vm0, vm1;
	vm1 =	vmand vm13, vm8;
	vm9 =	vmand vm9, vm11  }
0x3da: {  	v18 =	vperm.xlane v8, v3;
	vm11 =	veq.s32 v8, v19;
	vm0 =	vmor vm0, vm9  }
0x3db: {  	vm9 =	veq.s32 v8, v9;
	v9 =	vperm.xlane v8, v5;
	vm0 =	vmor vm0, vm10  }
0x3dc: {  	vm10 =	vmand vm11, vm15;
	vm11 =	veq.s32 v8, v18;
	vm0 =	vmor vm0, vm12  }
0x3dd: {  	vm9 =	vmand vm9, vm6;
	v18 =	vperm.xlane v8, v1;
	vm0 =	vmor vm0, vm1  }
0x3de: {  	vm12 =	veq.s32 v8, v9;
	v9 =	vperm.xlane v8, v4;
	vm0 =	vmor vm0, vm10  }
0x3df: {  	vm1 =	vmand vm11, vm7;
	vm11 =	veq.s32 v8, v17;
	vm0 =	vmor vm0, vm9  }
0x3e0: {  	v17 =	vperm.xlane v8, v2;
	vm10 =	vmand vm12, vm5;
	vm0 =	vmor vm0, vm1  }
0x3e1: {  	vm9 =	veq.s32 v8, v9;
	vm1 =	vmand vm11, vm3;
	vm0 =	vmor vm0, vm10  }
0x3e2: {  	p0 =	sne.s32 s0, $0x3C0;
	vm9 =	vmand vm9, vm4;
	vm10 =	veq.s32 v8, v17;
	vm0 =	vmor vm0, vm1  }
.Ltmp5:
0x3e3: {  	vm1 =	vmand vm10, vm2;
	vm10 =	veq.s32 v8, v18;
	vm0 =	vmor vm0, vm9;
	(pc) =	sbr.rel @p0 .LBB2_12-.Ltmp5, $4  }
0x3e4: {  	vm9 =	vmand vm10, vm14;
	vm0 =	vmor vm0, vm1  }
0x3e5: {  	v8 =	vsub.s32 v8, v23;
	vm0 =	vmor vm0, vm9  }
0x3e6: {  	vm1 =	vlt.u32 v8, $0x6200;
	vm0 =	vmneg vm0  }
0x3e7: {  	s0 =	sadd.s32 $0x40, s0;
	vm13 =	vmmov vm15;
	v17 =	vld [tilespmem:s1+$0xDE00];
	vm10 =	vmmov vm14;
	vm0 =	vmand vm1, vm0  }
0x3e8: {  	_ =	sdelay $0x3  }
0x3e9: {  	v0 =	vmul.f32 v17, v0;
	_ =	sdelay $0x1  }
0x3ea: {  	s0 =	rddreg [dreg:$0xd];
	[tilespmem:v8+s29+$0x0] =	vst.idx.msk vm0, v0  }
0x3eb: {  	[hbm4b:s0+s12] =	stream.linear.scatter [tilespmem:s29], [sflag:$0x3], $0x6200, $0x38;
	[tilespmem:$0x14240] =	vst v63  }
0x3ec: {  	_ =	swait.ge [sflag:s5], $0x6200  }
0x3ed: {  	s1 =	rddreg [dreg:$0xf]  }
0x3ee: {  	s31 =	rddreg [dreg:$0xe];
	s1 =	sadd.s32 $0x1, s1  }
0x3ef: {  	v63 =	vld [tilespmem:$0x1FFB0];
	p0 =	sne.s32 s1, s31  }
.Ltmp6:
0x3f0: {  	_ = 	snop;
	(pc) =	sbr.rel @p0 .LBB2_1-.Ltmp6, $4  }
0x3f1: {  	_ = 	snop  }
0x3f2: {  	v6 =	vimm.f32 $0.0e+00;
	vm3 =	vcmask $0x320;
	vm4 =	vcmask $0x720  }
0x3f3: {  	vm5 =	vcmask $0xB20;
	vm6 =	vcmask $0xF20;
	vm7 =	vcmask $0x1320;
	[sflag:s5] =	ssyncset.done $0x0  }
0x3f4: {  	vm8 =	vcmask $0x1720;
	vm9 =	vcmask $0x1B20;
	[sflag:s5] =	ssyncadd.s32 $0xFFFF9E00;
	vm1 =	vnez.u8 v63  }
0x3f5: {  	_ =	sfence.sel $0x180000  }
0x3f6: {  	[bflag:$0x0] =	sbarrier.arrive $0xFFFF  }
0x3f7: {  	_ =	strace $0x90000047  }
0x3f8: {  	s0 =	stileid.u32;
	[bflag:$0x2] =	sbarrier.arrive $0xFFFF  }
0x3f9: {  	p0 =	sne.s32 s0, $0x0;
	s0 =	rddreg [dreg:$0x4]  }
0x3fa: {  	s0 =	sadd.s32 @!p0 $0x100000, s0  }
0x3fb: {  	[sflag:s0] =	ssyncadd.tile.s32 @!p0 $0x1;
	_ =	shalt  }
.Lfunc_end2:
_tile_overlayer_lowered:
.L_overlay_start_2:
0x3fc: {  	(tag) =	ssettag $0x2  }
0x3fd: {  	s0 =	rddreg [dreg:$0x0];
	s2 =	stileid.u32  }
0x3fe: {  	s1 =	rddreg [dreg:$0x1];
	p0 =	sne.s32 s2, $0x0  }
0x3ff: {  	s3 =	rddreg [dreg:$0x2];
	[bflag:$0x3] =	sbarrier.arrive $0xFFFF;
	s2 =	simm.s32 @!p0 $0x1C03  }
0x400: {  	[timem:s3], [sflag:s2] =	dma.local @!p0 [hbm:s0], s1  }
0x401: {  	s0 =	simm.s32 @!p0 $0x3  }
0x402: {  	_ =	swait.ge @!p0 [sflag:s0], s1  }
0x403: {  	s1 =	ssub.s32 @!p0 $0x0, s1;
	[sflag:s0] =	ssyncset.done @!p0 $0x0  }
0x404: {  	[sflag:s0] =	ssyncadd.s32 @!p0 s1  }
0x405: {  	[bflag:$0x3] =	sbarrier.arrive $0xFFFF  }
0x406: {  	_ =	shalt  }

</sc_bundles>
